<compile_context>
chip_gen: v7x
topology: tpu7x:2x2x1
jax: 0.10.2.dev20260603
libtpu: 0.0.44.dev20260713+nightly
codegen_flags: <defaults>
</compile_context>

<pallas_src>
import functools

import jax
import jax.numpy as jnp
import numpy as np
from jax import lax
from jax.experimental import pallas as pl
from jax.experimental.pallas import tpu as pltpu
from jax.experimental.pallas import tpu_sc as plsc

N = 10000
E = 320000
D = 128
A = 4
B = 8
H = 8

NUM_WORKERS = 32
CH = 40
N_CHUNKS = E // (NUM_WORKERS * CH)
EDGES_PER_WORKER = CH * N_CHUNKS
N_PAD = 10240
ROWS_PER_SUBCORE = N_PAD // 16
STAGE_ROWS = 40

_INV_SQRT_B = 1.0 / np.sqrt(float(B))
_INV_SQRT_H = 1.0 / np.sqrt(float(H))
_INV_SQRT_D = 1.0 / np.sqrt(float(D))
_POST_SCALE = 1.0 / (np.sqrt(32.0) * np.sqrt(float(D)))
_SC_SCALE = 1.0 / np.sqrt(float(D * A))

_PERM = np.empty((D,), dtype=np.int32)
for _blk in range(D // 32):
    for _half in range(2):
        for _m in range(16):
            _PERM[_blk * 32 + _half * 16 + _m] = _blk * 32 + 2 * _m + _half


def _edge_coef_body(emb_ref, ea_ref, ei_ref, w1_ref, w2e_ref, w2o_ref,
                    out_ref, idx_ref):
    h = jnp.dot(emb_ref[...], w1_ref[...],
                preferred_element_type=jnp.float32) * _INV_SQRT_B
    h = h * jax.nn.sigmoid(h)
    h = h * (ea_ref[...] * _INV_SQRT_H)
    we = jnp.dot(h, w2e_ref[...], preferred_element_type=jnp.float32)
    wo = jnp.dot(h, w2o_ref[...], preferred_element_type=jnp.float32)
    pe = lax.convert_element_type(
        lax.bitcast_convert_type(we.astype(jnp.bfloat16), jnp.uint16),
        jnp.int32)
    po = lax.convert_element_type(
        lax.bitcast_convert_type(wo.astype(jnp.bfloat16), jnp.uint16),
        jnp.int32)
    out_ref[...] = jnp.bitwise_or(pe, lax.shift_left(po, 16))
    idx_ref[...] = ei_ref[...].reshape(2, _EBLK // CH, CH).swapaxes(0, 1)


_EBLK = 6400


def _edge_coef(emb, ea, ei, w1, w2e, w2o):
    grid = E // _EBLK
    return pl.pallas_call(
        _edge_coef_body,
        grid=(grid,),
        in_specs=[
            pl.BlockSpec((_EBLK, B), lambda i: (i, 0)),
            pl.BlockSpec((_EBLK, 1), lambda i: (i, 0)),
            pl.BlockSpec((2, _EBLK), lambda i: (0, i)),
            pl.BlockSpec((B, D), lambda i: (0, 0)),
            pl.BlockSpec((D, D // 2), lambda i: (0, 0)),
            pl.BlockSpec((D, D // 2), lambda i: (0, 0)),
        ],
        out_specs=[
            pl.BlockSpec((_EBLK, D // 2), lambda i: (i, 0)),
            pl.BlockSpec((_EBLK // CH, 2, CH), lambda i: (i, 0, 0)),
        ],
        out_shape=[
            jax.ShapeDtypeStruct((E, D // 2), jnp.int32),
            jax.ShapeDtypeStruct((E // CH, 2, CH), jnp.int32),
        ],
    )(emb, ea, ei, w1, w2e, w2o)


def _lin1_body(x_ref, w_ref, o_ref):
    o_ref[...] = jnp.dot(x_ref[...], w_ref[...],
                         preferred_element_type=jnp.float32) * _INV_SQRT_D


def _lin1(x, w):
    blk = 2000
    return pl.pallas_call(
        _lin1_body,
        grid=(N // blk,),
        in_specs=[
            pl.BlockSpec((blk, D), lambda i: (i, 0)),
            pl.BlockSpec((D, D), lambda i: (0, 0)),
        ],
        out_specs=pl.BlockSpec((blk, D), lambda i: (i, 0)),
        out_shape=jax.ShapeDtypeStruct((N, D), jnp.float32),
    )(x, w)


def _sc_agg_body(idx_hbm, c_hbm, x1_hbm, out_hbm,
                 idxb, c0, c1, x0, x1b, p0, p1, acc,
                 sem_c0, sem_c1, sem_x0, sem_x1, sem_s0, sem_s1,
                 sem_i0, sem_i1):
    cid = lax.axis_index("c")
    sid = lax.axis_index("s")
    wid = sid * 2 + cid
    chunk0 = wid * N_CHUNKS

    def _zrow(j, carry):
        for k in range(D // 16):
            p0[j, pl.ds(k * 16, 16)] = jnp.zeros((16,), jnp.float32)
        return carry
    lax.fori_loop(0, STAGE_ROWS, _zrow, 0)
    for t in range(ROWS_PER_SUBCORE // STAGE_ROWS):
        start = sid * ROWS_PER_SUBCORE + t * STAGE_ROWS
        pltpu.sync_copy(p0, acc.at[pl.ds(start, STAGE_ROWS)])
    plsc.subcore_barrier()

    def _idx_dst(i):
        return idxb.at[pl.ds(lax.rem(i, 4) * 2, 2)]

    def _load_idx(i, sem_i):
        pltpu.async_copy(idx_hbm.at[chunk0 + i], _idx_dst(i), sem_i)

    def _wait_idx(i, sem_i):
        pltpu.make_async_copy(idx_hbm.at[0], _idx_dst(i), sem_i).wait()

    def _start_cx(i, c_b, x_b, sem_c, sem_x):
        pltpu.async_copy(c_hbm.at[pl.ds((chunk0 + i) * CH, CH)], c_b, sem_c)
        pltpu.async_copy(x1_hbm.at[idxb.at[lax.rem(i, 4) * 2]], x_b, sem_x)

    def _step(i, bufs, obufs):
        c_b, x_b, p_b, sem_c, sem_x, sem_s, sem_i = bufs
        _, _, po_b, _, _, sem_so, _ = obufs
        pltpu.make_async_copy(c_hbm.at[pl.ds(0, CH)], c_b, sem_c).wait()
        pltpu.make_async_copy(x1_hbm.at[idxb.at[0]], x_b, sem_x).wait()

        hi_mask = jnp.full((16,), -65536, jnp.int32)

        @plsc.parallel_loop(0, CH, unroll=4)
        def _row(j):
            for k in range(D // 32):
                cw = c_b[j, pl.ds(k * 16, 16)]
                c_lo = lax.bitcast_convert_type(
                    lax.shift_left(cw, 16), jnp.float32)
                c_hi = lax.bitcast_convert_type(
                    jnp.bitwise_and(cw, hi_mask), jnp.float32)
                p_b[j, pl.ds(k * 32, 16)] = c_lo * x_b[j, pl.ds(k * 32, 16)]
                p_b[j, pl.ds(k * 32 + 16, 16)] = (
                    c_hi * x_b[j, pl.ds(k * 32 + 16, 16)])

        @pl.when(i > 0)
        def _():
            pltpu.make_async_copy(po_b, acc.at[idxb.at[1]], sem_so).wait()
        pltpu.async_copy(p_b, acc.at[idxb.at[lax.rem(i, 4) * 2 + 1]], sem_s,
                         add=True)

        @pl.when(i + 2 < N_CHUNKS)
        def _():
            _wait_idx(i + 2, sem_i)
            _start_cx(i + 2, c_b, x_b, sem_c, sem_x)

        @pl.when(i + 4 < N_CHUNKS)
        def _():
            _load_idx(i + 4, sem_i)

    bufs0 = (c0, x0, p0, sem_c0, sem_x0, sem_s0, sem_i0)
    bufs1 = (c1, x1b, p1, sem_c1, sem_x1, sem_s1, sem_i1)

    pltpu.sync_copy(idx_hbm.at[chunk0], _idx_dst(0))
    pltpu.sync_copy(idx_hbm.at[chunk0 + 1], _idx_dst(1))
    _load_idx(2, sem_i0)
    _load_idx(3, sem_i1)
    _start_cx(0, c0, x0, sem_c0, sem_x0)
    _start_cx(1, c1, x1b, sem_c1, sem_x1)

    def _pair(t, carry):
        i = 2 * t
        _step(i, bufs0, bufs1)
        _step(i + 1, bufs1, bufs0)
        return carry
    lax.fori_loop(0, N_CHUNKS // 2, _pair, 0)
    pltpu.make_async_copy(p1, acc.at[idxb.at[1]], sem_s1).wait()

    plsc.subcore_barrier()
    for t in range(ROWS_PER_SUBCORE // STAGE_ROWS):
        start = sid * ROWS_PER_SUBCORE + t * STAGE_ROWS
        pltpu.sync_copy(acc.at[pl.ds(start, STAGE_ROWS)], p0)
        pltpu.sync_copy(p0, out_hbm.at[pl.ds(cid * N_PAD + start, STAGE_ROWS)])


@functools.partial(
    pl.kernel,
    out_type=jax.ShapeDtypeStruct((2 * N_PAD, D), jnp.float32),
    mesh=plsc.VectorSubcoreMesh(core_axis_name="c", subcore_axis_name="s"),
    scratch_types=[
        pltpu.VMEM((8, CH), jnp.int32),
        pltpu.VMEM((CH, D // 2), jnp.int32),
        pltpu.VMEM((CH, D // 2), jnp.int32),
        pltpu.VMEM((CH, D), jnp.float32),
        pltpu.VMEM((CH, D), jnp.float32),
        pltpu.VMEM((CH, D), jnp.float32),
        pltpu.VMEM((CH, D), jnp.float32),
        pltpu.VMEM_SHARED((N_PAD, D), jnp.float32),
        pltpu.SemaphoreType.DMA,
        pltpu.SemaphoreType.DMA,
        pltpu.SemaphoreType.DMA,
        pltpu.SemaphoreType.DMA,
        pltpu.SemaphoreType.DMA,
        pltpu.SemaphoreType.DMA,
        pltpu.SemaphoreType.DMA,
        pltpu.SemaphoreType.DMA,
    ],
)
def _sc_aggregate(idx_hbm, c_hbm, x1_hbm, out_hbm,
                  idxb, c0, c1, x0, x1b, p0, p1, acc,
                  sem_c0, sem_c1, sem_x0, sem_x1, sem_s0, sem_s1,
                  sem_i0, sem_i1):
    _sc_agg_body(idx_hbm, c_hbm, x1_hbm, out_hbm,
                 idxb, c0, c1, x0, x1b, p0, p1, acc,
                 sem_c0, sem_c1, sem_x0, sem_x1, sem_s0, sem_s1,
                 sem_i0, sem_i1)


def _post_body(p_ref, x_ref, attr_ref, w2_ref, wsc_ref, o_ref):
    agg = p_ref[0] + p_ref[1]
    y = jnp.dot(agg, w2_ref[...],
                preferred_element_type=jnp.float32) * _POST_SCALE
    for v in range(A):
        y = y + jnp.dot(x_ref[...] * attr_ref[:, v:v + 1], wsc_ref[v],
                        preferred_element_type=jnp.float32) * _SC_SCALE
    o_ref[...] = y


def _post(partial, x, attr, w2, wsc_t):
    blk = 2000
    return pl.pallas_call(
        _post_body,
        grid=(N // blk,),
        in_specs=[
            pl.BlockSpec((2, blk, D), lambda i: (0, i, 0)),
            pl.BlockSpec((blk, D), lambda i: (i, 0)),
            pl.BlockSpec((blk, A), lambda i: (i, 0)),
            pl.BlockSpec((D, D), lambda i: (0, 0)),
            pl.BlockSpec((A, D, D), lambda i: (0, 0, 0)),
        ],
        out_specs=pl.BlockSpec((blk, D), lambda i: (i, 0)),
        out_shape=jax.ShapeDtypeStruct((N, D), jnp.float32),
    )(partial, x, attr, w2, wsc_t)


def kernel(node_features, node_attr, edge_attr, edge_embedding, edge_index,
           W_lin1, fc_W1, fc_W2, W_lin2, W_sc):
    perm = jnp.asarray(_PERM)
    w1p = jnp.pad(fc_W1, ((0, 0), (0, D - H)))
    w2e = jnp.pad(fc_W2[:, 0::2], ((0, D - H), (0, 0)))
    w2o = jnp.pad(fc_W2[:, 1::2], ((0, D - H), (0, 0)))
    c_i32, idx_pack = _edge_coef(edge_embedding, edge_attr, edge_index,
                                 w1p, w2e, w2o)
    x1 = _lin1(node_features, W_lin1[:, perm])
    partial = _sc_aggregate(idx_pack, c_i32, x1)
    partial = partial.reshape(2, N_PAD, D)[:, :N, :]
    return _post(partial, node_features, node_attr,
                 W_lin2[perm, :], W_sc.transpose(1, 0, 2))

# --- scband reference (transcript-rebuilt; emitter-appended) ---
"""Pipeline reference for scband-interaction-block-39573828666265 (READ-ONLY COPY).

The authoritative reference and input builder live on the scoring server;
editing this copy changes nothing except your own understanding.
"""

import jax, jax.numpy as jnp
import numpy as np

N = 10000   # nodes
E = 320000  # edges
D = 128     # node feature dim (128x0e)
A = 4       # node attr dim (4x0e)
B = 8       # edge embedding / radial basis dim (8x0e)
H = 8       # invariant_neurons


def setup_inputs(seed: int = 0) -> dict:
    key = jax.random.key(seed)
    ks = jax.random.split(key, 10)
    return {
        "node_features": jax.random.normal(ks[0], (N, D), dtype=jnp.float32),
        "node_attr": jax.random.normal(ks[1], (N, A), dtype=jnp.float32),
        "edge_attr": jax.random.normal(ks[2], (E, 1), dtype=jnp.float32),
        "edge_embedding": jax.random.uniform(ks[3], (E, B), dtype=jnp.float32),
        "edge_index": jax.random.randint(ks[4], (2, E), 0, N, dtype=jnp.int32),
        # learned parameters
        "W_lin1": jax.random.normal(ks[5], (D, D), dtype=jnp.float32),
        "fc_W1": jax.random.normal(ks[6], (B, H), dtype=jnp.float32),
        "fc_W2": jax.random.normal(ks[7], (H, D), dtype=jnp.float32),
        "W_lin2": jax.random.normal(ks[8], (D, D), dtype=jnp.float32),
        "W_sc": jax.random.normal(ks[9], (D, A, D), dtype=jnp.float32),
    }


def reference(node_features, node_attr, edge_attr, edge_embedding, edge_index,
              W_lin1, fc_W1, fc_W2, W_lin2, W_sc):
    x = node_features
    edge_src = edge_index[0]
    edge_dst = edge_index[1]

    # self-connection: FullyConnectedTensorProduct(128x0e, 4x0e -> 128x0e)
    # bilinear in (x, node_attr) with fan-in normalization 1/sqrt(D*A)
    sc = jnp.einsum("nu,nv,uvk->nk", x, node_attr, W_sc) / jnp.sqrt(float(D * A))

    # linear_1 (e3nn Linear on scalars, fan-in normalized)
    x = (x @ W_lin1) / jnp.sqrt(float(D))

    # fc: FullyConnectedNet([B, H, D]) with silu, e3nn fan-in normalization
    h = jax.nn.silu((edge_embedding @ fc_W1) / jnp.sqrt(float(B)))
    weight = (h @ fc_W2) / jnp.sqrt(float(H))  # [E, D] per-edge tp weights

    # tp: TensorProduct 128x0e (x) 1x0e -> 128x0e, 'uvu' mode with external weights
    # for scalar irreps this is elementwise: out_u = x_u * edge_attr * w_u
    edge_features = x[edge_src] * edge_attr * weight  # gather over src nodes

    # scatter-add over destination nodes
    x = jax.ops.segment_sum(edge_features, edge_dst, num_segments=N)

    # avg_num_neighbors normalization
    x = x / jnp.sqrt(32.0)

    # linear_2
    x = (x @ W_lin2) / jnp.sqrt(float(D))

    # residual self-connection
    x = x + sc
    return x

if __name__ == "__main__":
    import jax
    _d = setup_inputs()
    print(jax.jit(kernel)(*tuple(_d.values())))

</pallas_src>

<mosaic_0001>
#map = affine_map<(d0, d1) -> (0, 0, 0)>
#map1 = affine_map<(d0, d1) -> (0, 0)>
module attributes {stable_mosaic.version = 14 : i64} {
  func.func @_sc_aggregate(%arg0: i32, %arg1: i32, %arg2: memref<8000x2x40xi32, #tpu.memory_space<hbm>>, %arg3: memref<320000x64xi32, #tpu.memory_space<hbm>>, %arg4: memref<10000x128xf32, #tpu.memory_space<hbm>>, %arg5: memref<20480x128xf32, #tpu.memory_space<hbm>>, %arg6: memref<8x40xi32, #tpu.memory_space<vmem>>, %arg7: memref<40x64xi32, #tpu.memory_space<vmem>>, %arg8: memref<40x64xi32, #tpu.memory_space<vmem>>, %arg9: memref<40x128xf32, #tpu.memory_space<vmem>>, %arg10: memref<40x128xf32, #tpu.memory_space<vmem>>, %arg11: memref<40x128xf32, #tpu.memory_space<vmem>>, %arg12: memref<40x128xf32, #tpu.memory_space<vmem>>, %arg13: memref<10240x128xf32, #tpu.memory_space<vmem_shared>>, %arg14: memref<!tpu.dma_semaphore, #tpu.memory_space<semaphore_mem>>, %arg15: memref<!tpu.dma_semaphore, #tpu.memory_space<semaphore_mem>>, %arg16: memref<!tpu.dma_semaphore, #tpu.memory_space<semaphore_mem>>, %arg17: memref<!tpu.dma_semaphore, #tpu.memory_space<semaphore_mem>>, %arg18: memref<!tpu.dma_semaphore, #tpu.memory_space<semaphore_mem>>, %arg19: memref<!tpu.dma_semaphore, #tpu.memory_space<semaphore_mem>>, %arg20: memref<!tpu.dma_semaphore, #tpu.memory_space<semaphore_mem>>, %arg21: memref<!tpu.dma_semaphore, #tpu.memory_space<semaphore_mem>>) attributes {dimension_semantics = [#tpu.dimension_semantics<core_parallel>, #tpu.dimension_semantics<subcore_parallel>], iteration_bounds = array<i64: 2, 16>, scalar_prefetch = 0 : i64, scratch_operands = 16 : i64, tpu.core_type = #tpu.core_type<sc_vector_subcore>, window_params = [{transform_indices = #map}, {transform_indices = #map1}, {transform_indices = #map1}, {transform_indices = #map1}]} {
    %mul3A = arith.constant 2 : i32
    %mul3A_0 = arith.muli %arg1, %mul3A : i32
    %add3A = arith.addi %mul3A_0, %arg0 : i32
    %mul3A_1 = arith.constant 250 : i32
    %mul3A_2 = arith.muli %add3A, %mul3A_1 : i32
    %scan3A = arith.constant 0 : i32
    %scan3A_3 = arith.constant 0 : i32
    %scan3A_4 = arith.constant 40 : i32
    %scan3A_5 = arith.addi %scan3A_3, %scan3A_4 : i32
    %scan3A_6 = arith.constant 1 : i32
    scf.for %scan3A_283 = %scan3A_3 to %scan3A_5 step %scan3A_6  : i32 {
      %broadcast_in_dim3A = arith.constant 0.000000e+00 : f32
      %broadcast_in_dim3A_284 = vector.broadcast %broadcast_in_dim3A : f32 to vector<16xf32>
      %swap3A = arith.index_cast %scan3A_283 : i32 to index
      %swap3A_285 = arith.constant 0 : index
      %swap3A_286 = tpu.vector_load %arg11[%swap3A, %swap3A_285] {strides = array<i32>} : memref<40x128xf32, #tpu.memory_space<vmem>>, vector<1x16xf32>,
      %swap3A_287 = vector.shape_cast %swap3A_286 : vector<1x16xf32> to vector<16xf32>
      %swap3A_288 = vector.shape_cast %broadcast_in_dim3A_284 : vector<16xf32> to vector<1x16xf32>
      tpu.vector_store %arg11[%swap3A, %swap3A_285], %swap3A_288 {strides = array<i32>} : memref<40x128xf32, #tpu.memory_space<vmem>>, vector<1x16xf32>,
      %broadcast_in_dim3A_289 = arith.constant 0.000000e+00 : f32
      %broadcast_in_dim3A_290 = vector.broadcast %broadcast_in_dim3A_289 : f32 to vector<16xf32>
      %swap3A_291 = arith.index_cast %scan3A_283 : i32 to index
      %swap3A_292 = arith.constant 16 : index
      %swap3A_293 = tpu.vector_load %arg11[%swap3A_291, %swap3A_292] {strides = array<i32>} : memref<40x128xf32, #tpu.memory_space<vmem>>, vector<1x16xf32>,
      %swap3A_294 = vector.shape_cast %swap3A_293 : vector<1x16xf32> to vector<16xf32>
      %swap3A_295 = vector.shape_cast %broadcast_in_dim3A_290 : vector<16xf32> to vector<1x16xf32>
      tpu.vector_store %arg11[%swap3A_291, %swap3A_292], %swap3A_295 {strides = array<i32>} : memref<40x128xf32, #tpu.memory_space<vmem>>, vector<1x16xf32>,
      %broadcast_in_dim3A_296 = arith.constant 0.000000e+00 : f32
      %broadcast_in_dim3A_297 = vector.broadcast %broadcast_in_dim3A_296 : f32 to vector<16xf32>
      %swap3A_298 = arith.index_cast %scan3A_283 : i32 to index
      %swap3A_299 = arith.constant 32 : index
      %swap3A_300 = tpu.vector_load %arg11[%swap3A_298, %swap3A_299] {strides = array<i32>} : memref<40x128xf32, #tpu.memory_space<vmem>>, vector<1x16xf32>,
      %swap3A_301 = vector.shape_cast %swap3A_300 : vector<1x16xf32> to vector<16xf32>
      %swap3A_302 = vector.shape_cast %broadcast_in_dim3A_297 : vector<16xf32> to vector<1x16xf32>
      tpu.vector_store %arg11[%swap3A_298, %swap3A_299], %swap3A_302 {strides = array<i32>} : memref<40x128xf32, #tpu.memory_space<vmem>>, vector<1x16xf32>,
      %broadcast_in_dim3A_303 = arith.constant 0.000000e+00 : f32
      %broadcast_in_dim3A_304 = vector.broadcast %broadcast_in_dim3A_303 : f32 to vector<16xf32>
      %swap3A_305 = arith.index_cast %scan3A_283 : i32 to index
      %swap3A_306 = arith.constant 48 : index
      %swap3A_307 = tpu.vector_load %arg11[%swap3A_305, %swap3A_306] {strides = array<i32>} : memref<40x128xf32, #tpu.memory_space<vmem>>, vector<1x16xf32>,
      %swap3A_308 = vector.shape_cast %swap3A_307 : vector<1x16xf32> to vector<16xf32>
      %swap3A_309 = vector.shape_cast %broadcast_in_dim3A_304 : vector<16xf32> to vector<1x16xf32>
      tpu.vector_store %arg11[%swap3A_305, %swap3A_306], %swap3A_309 {strides = array<i32>} : memref<40x128xf32, #tpu.memory_space<vmem>>, vector<1x16xf32>,
      %broadcast_in_dim3A_310 = arith.constant 0.000000e+00 : f32
      %broadcast_in_dim3A_311 = vector.broadcast %broadcast_in_dim3A_310 : f32 to vector<16xf32>
      %swap3A_312 = arith.index_cast %scan3A_283 : i32 to index
      %swap3A_313 = arith.constant 64 : index
      %swap3A_314 = tpu.vector_load %arg11[%swap3A_312, %swap3A_313] {strides = array<i32>} : memref<40x128xf32, #tpu.memory_space<vmem>>, vector<1x16xf32>,
      %swap3A_315 = vector.shape_cast %swap3A_314 : vector<1x16xf32> to vector<16xf32>
      %swap3A_316 = vector.shape_cast %broadcast_in_dim3A_311 : vector<16xf32> to vector<1x16xf32>
      tpu.vector_store %arg11[%swap3A_312, %swap3A_313], %swap3A_316 {strides = array<i32>} : memref<40x128xf32, #tpu.memory_space<vmem>>, vector<1x16xf32>,
      %broadcast_in_dim3A_317 = arith.constant 0.000000e+00 : f32
      %broadcast_in_dim3A_318 = vector.broadcast %broadcast_in_dim3A_317 : f32 to vector<16xf32>
      %swap3A_319 = arith.index_cast %scan3A_283 : i32 to index
      %swap3A_320 = arith.constant 80 : index
      %swap3A_321 = tpu.vector_load %arg11[%swap3A_319, %swap3A_320] {strides = array<i32>} : memref<40x128xf32, #tpu.memory_space<vmem>>, vector<1x16xf32>,
      %swap3A_322 = vector.shape_cast %swap3A_321 : vector<1x16xf32> to vector<16xf32>
      %swap3A_323 = vector.shape_cast %broadcast_in_dim3A_318 : vector<16xf32> to vector<1x16xf32>
      tpu.vector_store %arg11[%swap3A_319, %swap3A_320], %swap3A_323 {strides = array<i32>} : memref<40x128xf32, #tpu.memory_space<vmem>>, vector<1x16xf32>,
      %broadcast_in_dim3A_324 = arith.constant 0.000000e+00 : f32
      %broadcast_in_dim3A_325 = vector.broadcast %broadcast_in_dim3A_324 : f32 to vector<16xf32>
      %swap3A_326 = arith.index_cast %scan3A_283 : i32 to index
      %swap3A_327 = arith.constant 96 : index
      %swap3A_328 = tpu.vector_load %arg11[%swap3A_326, %swap3A_327] {strides = array<i32>} : memref<40x128xf32, #tpu.memory_space<vmem>>, vector<1x16xf32>,
      %swap3A_329 = vector.shape_cast %swap3A_328 : vector<1x16xf32> to vector<16xf32>
      %swap3A_330 = vector.shape_cast %broadcast_in_dim3A_325 : vector<16xf32> to vector<1x16xf32>
      tpu.vector_store %arg11[%swap3A_326, %swap3A_327], %swap3A_330 {strides = array<i32>} : memref<40x128xf32, #tpu.memory_space<vmem>>, vector<1x16xf32>,
      %broadcast_in_dim3A_331 = arith.constant 0.000000e+00 : f32
      %broadcast_in_dim3A_332 = vector.broadcast %broadcast_in_dim3A_331 : f32 to vector<16xf32>
      %swap3A_333 = arith.index_cast %scan3A_283 : i32 to index
      %swap3A_334 = arith.constant 112 : index
      %swap3A_335 = tpu.vector_load %arg11[%swap3A_333, %swap3A_334] {strides = array<i32>} : memref<40x128xf32, #tpu.memory_space<vmem>>, vector<1x16xf32>,
      %swap3A_336 = vector.shape_cast %swap3A_335 : vector<1x16xf32> to vector<16xf32>
      %swap3A_337 = vector.shape_cast %broadcast_in_dim3A_332 : vector<16xf32> to vector<1x16xf32>
      tpu.vector_store %arg11[%swap3A_333, %swap3A_334], %swap3A_337 {strides = array<i32>} : memref<40x128xf32, #tpu.memory_space<vmem>>, vector<1x16xf32>,
    }
    %scan3A_7 = arith.constant 40 : i32
    %mul3A_8 = arith.constant 640 : i32
    %mul3A_9 = arith.muli %arg1, %mul3A_8 : i32
    %add3A_10 = arith.constant 0 : i32
    %add3A_11 = arith.addi %mul3A_9, %add3A_10 : i32
    "tpu.region"() ({
      %run_scoped3A = tpu.sem_alloc : memref<!tpu.dma_semaphore, #tpu.memory_space<semaphore_mem>>
      %dma_start3A_283 = arith.constant 0 : i32
      %dma_start3A_284 = tpu.memref_slice %arg13[%add3A_11, %dma_start3A_283] : memref<10240x128xf32, #tpu.memory_space<vmem_shared>> -> memref<40x128xf32, #tpu.memory_space<vmem_shared>>
      %dma_start3A_285 = arith.constant 0 : i32
      %dma_start3A_286 = tpu.memref_slice %arg13[%add3A_11, %dma_start3A_285] : memref<10240x128xf32, #tpu.memory_space<vmem_shared>> -> memref<40x128xf32, #tpu.memory_space<vmem_shared>>
      tpu.enqueue_dma source(%arg11 : memref<40x128xf32, #tpu.memory_space<vmem>>) target(%dma_start3A_286 : memref<40x128xf32, #tpu.memory_space<vmem_shared>>) target_semaphore(%run_scoped3A : memref<!tpu.dma_semaphore, #tpu.memory_space<semaphore_mem>>)
      %dma_wait3A_287 = arith.constant 0 : i32
      %dma_wait3A_288 = tpu.memref_slice %arg13[%add3A_11, %dma_wait3A_287] : memref<10240x128xf32, #tpu.memory_space<vmem_shared>> -> memref<40x128xf32, #tpu.memory_space<vmem_shared>>
      %dma_wait3A_289 = arith.constant 0 : i32
      %dma_wait3A_290 = tpu.memref_slice %arg13[%add3A_11, %dma_wait3A_289] : memref<10240x128xf32, #tpu.memory_space<vmem_shared>> -> memref<40x128xf32, #tpu.memory_space<vmem_shared>>
      tpu.wait_dma2 semaphore(%run_scoped3A : memref<!tpu.dma_semaphore, #tpu.memory_space<semaphore_mem>>) src(%arg11 : memref<40x128xf32, #tpu.memory_space<vmem>>) dst(%dma_wait3A_290 : memref<40x128xf32, #tpu.memory_space<vmem_shared>>)
      tpu.yield
    }) : () -> ()
    %mul3A_12 = arith.constant 640 : i32
    %mul3A_13 = arith.muli %arg1, %mul3A_12 : i32
    %add3A_14 = arith.constant 40 : i32
    %add3A_15 = arith.addi %mul3A_13, %add3A_14 : i32
    "tpu.region"() ({
      %run_scoped3A = tpu.sem_alloc : memref<!tpu.dma_semaphore, #tpu.memory_space<semaphore_mem>>
      %dma_start3A_283 = arith.constant 0 : i32
      %dma_start3A_284 = tpu.memref_slice %arg13[%add3A_15, %dma_start3A_283] : memref<10240x128xf32, #tpu.memory_space<vmem_shared>> -> memref<40x128xf32, #tpu.memory_space<vmem_shared>>
      %dma_start3A_285 = arith.constant 0 : i32
      %dma_start3A_286 = tpu.memref_slice %arg13[%add3A_15, %dma_start3A_285] : memref<10240x128xf32, #tpu.memory_space<vmem_shared>> -> memref<40x128xf32, #tpu.memory_space<vmem_shared>>
      tpu.enqueue_dma source(%arg11 : memref<40x128xf32, #tpu.memory_space<vmem>>) target(%dma_start3A_286 : memref<40x128xf32, #tpu.memory_space<vmem_shared>>) target_semaphore(%run_scoped3A : memref<!tpu.dma_semaphore, #tpu.memory_space<semaphore_mem>>)
      %dma_wait3A_287 = arith.constant 0 : i32
      %dma_wait3A_288 = tpu.memref_slice %arg13[%add3A_15, %dma_wait3A_287] : memref<10240x128xf32, #tpu.memory_space<vmem_shared>> -> memref<40x128xf32, #tpu.memory_space<vmem_shared>>
      %dma_wait3A_289 = arith.constant 0 : i32
      %dma_wait3A_290 = tpu.memref_slice %arg13[%add3A_15, %dma_wait3A_289] : memref<10240x128xf32, #tpu.memory_space<vmem_shared>> -> memref<40x128xf32, #tpu.memory_space<vmem_shared>>
      tpu.wait_dma2 semaphore(%run_scoped3A : memref<!tpu.dma_semaphore, #tpu.memory_space<semaphore_mem>>) src(%arg11 : memref<40x128xf32, #tpu.memory_space<vmem>>) dst(%dma_wait3A_290 : memref<40x128xf32, #tpu.memory_space<vmem_shared>>)
      tpu.yield
    }) : () -> ()
    %mul3A_16 = arith.constant 640 : i32
    %mul3A_17 = arith.muli %arg1, %mul3A_16 : i32
    %add3A_18 = arith.constant 80 : i32
    %add3A_19 = arith.addi %mul3A_17, %add3A_18 : i32
    "tpu.region"() ({
      %run_scoped3A = tpu.sem_alloc : memref<!tpu.dma_semaphore, #tpu.memory_space<semaphore_mem>>
      %dma_start3A_283 = arith.constant 0 : i32
      %dma_start3A_284 = tpu.memref_slice %arg13[%add3A_19, %dma_start3A_283] : memref<10240x128xf32, #tpu.memory_space<vmem_shared>> -> memref<40x128xf32, #tpu.memory_space<vmem_shared>>
      %dma_start3A_285 = arith.constant 0 : i32
      %dma_start3A_286 = tpu.memref_slice %arg13[%add3A_19, %dma_start3A_285] : memref<10240x128xf32, #tpu.memory_space<vmem_shared>> -> memref<40x128xf32, #tpu.memory_space<vmem_shared>>
      tpu.enqueue_dma source(%arg11 : memref<40x128xf32, #tpu.memory_space<vmem>>) target(%dma_start3A_286 : memref<40x128xf32, #tpu.memory_space<vmem_shared>>) target_semaphore(%run_scoped3A : memref<!tpu.dma_semaphore, #tpu.memory_space<semaphore_mem>>)
      %dma_wait3A_287 = arith.constant 0 : i32
      %dma_wait3A_288 = tpu.memref_slice %arg13[%add3A_19, %dma_wait3A_287] : memref<10240x128xf32, #tpu.memory_space<vmem_shared>> -> memref<40x128xf32, #tpu.memory_space<vmem_shared>>
      %dma_wait3A_289 = arith.constant 0 : i32
      %dma_wait3A_290 = tpu.memref_slice %arg13[%add3A_19, %dma_wait3A_289] : memref<10240x128xf32, #tpu.memory_space<vmem_shared>> -> memref<40x128xf32, #tpu.memory_space<vmem_shared>>
      tpu.wait_dma2 semaphore(%run_scoped3A : memref<!tpu.dma_semaphore, #tpu.memory_space<semaphore_mem>>) src(%arg11 : memref<40x128xf32, #tpu.memory_space<vmem>>) dst(%dma_wait3A_290 : memref<40x128xf32, #tpu.memory_space<vmem_shared>>)
      tpu.yield
    }) : () -> ()
    %mul3A_20 = arith.constant 640 : i32
    %mul3A_21 = arith.muli %arg1, %mul3A_20 : i32
    %add3A_22 = arith.constant 120 : i32
    %add3A_23 = arith.addi %mul3A_21, %add3A_22 : i32
    "tpu.region"() ({
      %run_scoped3A = tpu.sem_alloc : memref<!tpu.dma_semaphore, #tpu.memory_space<semaphore_mem>>
      %dma_start3A_283 = arith.constant 0 : i32
      %dma_start3A_284 = tpu.memref_slice %arg13[%add3A_23, %dma_start3A_283] : memref<10240x128xf32, #tpu.memory_space<vmem_shared>> -> memref<40x128xf32, #tpu.memory_space<vmem_shared>>
      %dma_start3A_285 = arith.constant 0 : i32
      %dma_start3A_286 = tpu.memref_slice %arg13[%add3A_23, %dma_start3A_285] : memref<10240x128xf32, #tpu.memory_space<vmem_shared>> -> memref<40x128xf32, #tpu.memory_space<vmem_shared>>
      tpu.enqueue_dma source(%arg11 : memref<40x128xf32, #tpu.memory_space<vmem>>) target(%dma_start3A_286 : memref<40x128xf32, #tpu.memory_space<vmem_shared>>) target_semaphore(%run_scoped3A : memref<!tpu.dma_semaphore, #tpu.memory_space<semaphore_mem>>)
      %dma_wait3A_287 = arith.constant 0 : i32
      %dma_wait3A_288 = tpu.memref_slice %arg13[%add3A_23, %dma_wait3A_287] : memref<10240x128xf32, #tpu.memory_space<vmem_shared>> -> memref<40x128xf32, #tpu.memory_space<vmem_shared>>
      %dma_wait3A_289 = arith.constant 0 : i32
      %dma_wait3A_290 = tpu.memref_slice %arg13[%add3A_23, %dma_wait3A_289] : memref<10240x128xf32, #tpu.memory_space<vmem_shared>> -> memref<40x128xf32, #tpu.memory_space<vmem_shared>>
      tpu.wait_dma2 semaphore(%run_scoped3A : memref<!tpu.dma_semaphore, #tpu.memory_space<semaphore_mem>>) src(%arg11 : memref<40x128xf32, #tpu.memory_space<vmem>>) dst(%dma_wait3A_290 : memref<40x128xf32, #tpu.memory_space<vmem_shared>>)
      tpu.yield
    }) : () -> ()
    %mul3A_24 = arith.constant 640 : i32
    %mul3A_25 = arith.muli %arg1, %mul3A_24 : i32
    %add3A_26 = arith.constant 160 : i32
    %add3A_27 = arith.addi %mul3A_25, %add3A_26 : i32
    "tpu.region"() ({
      %run_scoped3A = tpu.sem_alloc : memref<!tpu.dma_semaphore, #tpu.memory_space<semaphore_mem>>
      %dma_start3A_283 = arith.constant 0 : i32
      %dma_start3A_284 = tpu.memref_slice %arg13[%add3A_27, %dma_start3A_283] : memref<10240x128xf32, #tpu.memory_space<vmem_shared>> -> memref<40x128xf32, #tpu.memory_space<vmem_shared>>
      %dma_start3A_285 = arith.constant 0 : i32
      %dma_start3A_286 = tpu.memref_slice %arg13[%add3A_27, %dma_start3A_285] : memref<10240x128xf32, #tpu.memory_space<vmem_shared>> -> memref<40x128xf32, #tpu.memory_space<vmem_shared>>
      tpu.enqueue_dma source(%arg11 : memref<40x128xf32, #tpu.memory_space<vmem>>) target(%dma_start3A_286 : memref<40x128xf32, #tpu.memory_space<vmem_shared>>) target_semaphore(%run_scoped3A : memref<!tpu.dma_semaphore, #tpu.memory_space<semaphore_mem>>)
      %dma_wait3A_287 = arith.constant 0 : i32
      %dma_wait3A_288 = tpu.memref_slice %arg13[%add3A_27, %dma_wait3A_287] : memref<10240x128xf32, #tpu.memory_space<vmem_shared>> -> memref<40x128xf32, #tpu.memory_space<vmem_shared>>
      %dma_wait3A_289 = arith.constant 0 : i32
      %dma_wait3A_290 = tpu.memref_slice %arg13[%add3A_27, %dma_wait3A_289] : memref<10240x128xf32, #tpu.memory_space<vmem_shared>> -> memref<40x128xf32, #tpu.memory_space<vmem_shared>>
      tpu.wait_dma2 semaphore(%run_scoped3A : memref<!tpu.dma_semaphore, #tpu.memory_space<semaphore_mem>>) src(%arg11 : memref<40x128xf32, #tpu.memory_space<vmem>>) dst(%dma_wait3A_290 : memref<40x128xf32, #tpu.memory_space<vmem_shared>>)
      tpu.yield
    }) : () -> ()
    %mul3A_28 = arith.constant 640 : i32
    %mul3A_29 = arith.muli %arg1, %mul3A_28 : i32
    %add3A_30 = arith.constant 200 : i32
    %add3A_31 = arith.addi %mul3A_29, %add3A_30 : i32
    "tpu.region"() ({
      %run_scoped3A = tpu.sem_alloc : memref<!tpu.dma_semaphore, #tpu.memory_space<semaphore_mem>>
      %dma_start3A_283 = arith.constant 0 : i32
      %dma_start3A_284 = tpu.memref_slice %arg13[%add3A_31, %dma_start3A_283] : memref<10240x128xf32, #tpu.memory_space<vmem_shared>> -> memref<40x128xf32, #tpu.memory_space<vmem_shared>>
      %dma_start3A_285 = arith.constant 0 : i32
      %dma_start3A_286 = tpu.memref_slice %arg13[%add3A_31, %dma_start3A_285] : memref<10240x128xf32, #tpu.memory_space<vmem_shared>> -> memref<40x128xf32, #tpu.memory_space<vmem_shared>>
      tpu.enqueue_dma source(%arg11 : memref<40x128xf32, #tpu.memory_space<vmem>>) target(%dma_start3A_286 : memref<40x128xf32, #tpu.memory_space<vmem_shared>>) target_semaphore(%run_scoped3A : memref<!tpu.dma_semaphore, #tpu.memory_space<semaphore_mem>>)
      %dma_wait3A_287 = arith.constant 0 : i32
      %dma_wait3A_288 = tpu.memref_slice %arg13[%add3A_31, %dma_wait3A_287] : memref<10240x128xf32, #tpu.memory_space<vmem_shared>> -> memref<40x128xf32, #tpu.memory_space<vmem_shared>>
      %dma_wait3A_289 = arith.constant 0 : i32
      %dma_wait3A_290 = tpu.memref_slice %arg13[%add3A_31, %dma_wait3A_289] : memref<10240x128xf32, #tpu.memory_space<vmem_shared>> -> memref<40x128xf32, #tpu.memory_space<vmem_shared>>
      tpu.wait_dma2 semaphore(%run_scoped3A : memref<!tpu.dma_semaphore, #tpu.memory_space<semaphore_mem>>) src(%arg11 : memref<40x128xf32, #tpu.memory_space<vmem>>) dst(%dma_wait3A_290 : memref<40x128xf32, #tpu.memory_space<vmem_shared>>)
      tpu.yield
    }) : () -> ()
    %mul3A_32 = arith.constant 640 : i32
    %mul3A_33 = arith.muli %arg1, %mul3A_32 : i32
    %add3A_34 = arith.constant 240 : i32
    %add3A_35 = arith.addi %mul3A_33, %add3A_34 : i32
    "tpu.region"() ({
      %run_scoped3A = tpu.sem_alloc : memref<!tpu.dma_semaphore, #tpu.memory_space<semaphore_mem>>
      %dma_start3A_283 = arith.constant 0 : i32
      %dma_start3A_284 = tpu.memref_slice %arg13[%add3A_35, %dma_start3A_283] : memref<10240x128xf32, #tpu.memory_space<vmem_shared>> -> memref<40x128xf32, #tpu.memory_space<vmem_shared>>
      %dma_start3A_285 = arith.constant 0 : i32
      %dma_start3A_286 = tpu.memref_slice %arg13[%add3A_35, %dma_start3A_285] : memref<10240x128xf32, #tpu.memory_space<vmem_shared>> -> memref<40x128xf32, #tpu.memory_space<vmem_shared>>
      tpu.enqueue_dma source(%arg11 : memref<40x128xf32, #tpu.memory_space<vmem>>) target(%dma_start3A_286 : memref<40x128xf32, #tpu.memory_space<vmem_shared>>) target_semaphore(%run_scoped3A : memref<!tpu.dma_semaphore, #tpu.memory_space<semaphore_mem>>)
      %dma_wait3A_287 = arith.constant 0 : i32
      %dma_wait3A_288 = tpu.memref_slice %arg13[%add3A_35, %dma_wait3A_287] : memref<10240x128xf32, #tpu.memory_space<vmem_shared>> -> memref<40x128xf32, #tpu.memory_space<vmem_shared>>
      %dma_wait3A_289 = arith.constant 0 : i32
      %dma_wait3A_290 = tpu.memref_slice %arg13[%add3A_35, %dma_wait3A_289] : memref<10240x128xf32, #tpu.memory_space<vmem_shared>> -> memref<40x128xf32, #tpu.memory_space<vmem_shared>>
      tpu.wait_dma2 semaphore(%run_scoped3A : memref<!tpu.dma_semaphore, #tpu.memory_space<semaphore_mem>>) src(%arg11 : memref<40x128xf32, #tpu.memory_space<vmem>>) dst(%dma_wait3A_290 : memref<40x128xf32, #tpu.memory_space<vmem_shared>>)
      tpu.yield
    }) : () -> ()
    %mul3A_36 = arith.constant 640 : i32
    %mul3A_37 = arith.muli %arg1, %mul3A_36 : i32
    %add3A_38 = arith.constant 280 : i32
    %add3A_39 = arith.addi %mul3A_37, %add3A_38 : i32
    "tpu.region"() ({
      %run_scoped3A = tpu.sem_alloc : memref<!tpu.dma_semaphore, #tpu.memory_space<semaphore_mem>>
      %dma_start3A_283 = arith.constant 0 : i32
      %dma_start3A_284 = tpu.memref_slice %arg13[%add3A_39, %dma_start3A_283] : memref<10240x128xf32, #tpu.memory_space<vmem_shared>> -> memref<40x128xf32, #tpu.memory_space<vmem_shared>>
      %dma_start3A_285 = arith.constant 0 : i32
      %dma_start3A_286 = tpu.memref_slice %arg13[%add3A_39, %dma_start3A_285] : memref<10240x128xf32, #tpu.memory_space<vmem_shared>> -> memref<40x128xf32, #tpu.memory_space<vmem_shared>>
      tpu.enqueue_dma source(%arg11 : memref<40x128xf32, #tpu.memory_space<vmem>>) target(%dma_start3A_286 : memref<40x128xf32, #tpu.memory_space<vmem_shared>>) target_semaphore(%run_scoped3A : memref<!tpu.dma_semaphore, #tpu.memory_space<semaphore_mem>>)
      %dma_wait3A_287 = arith.constant 0 : i32
      %dma_wait3A_288 = tpu.memref_slice %arg13[%add3A_39, %dma_wait3A_287] : memref<10240x128xf32, #tpu.memory_space<vmem_shared>> -> memref<40x128xf32, #tpu.memory_space<vmem_shared>>
      %dma_wait3A_289 = arith.constant 0 : i32
      %dma_wait3A_290 = tpu.memref_slice %arg13[%add3A_39, %dma_wait3A_289] : memref<10240x128xf32, #tpu.memory_space<vmem_shared>> -> memref<40x128xf32, #tpu.memory_space<vmem_shared>>
      tpu.wait_dma2 semaphore(%run_scoped3A : memref<!tpu.dma_semaphore, #tpu.memory_space<semaphore_mem>>) src(%arg11 : memref<40x128xf32, #tpu.memory_space<vmem>>) dst(%dma_wait3A_290 : memref<40x128xf32, #tpu.memory_space<vmem_shared>>)
      tpu.yield
    }) : () -> ()
    %mul3A_40 = arith.constant 640 : i32
    %mul3A_41 = arith.muli %arg1, %mul3A_40 : i32
    %add3A_42 = arith.constant 320 : i32
    %add3A_43 = arith.addi %mul3A_41, %add3A_42 : i32
    "tpu.region"() ({
      %run_scoped3A = tpu.sem_alloc : memref<!tpu.dma_semaphore, #tpu.memory_space<semaphore_mem>>
      %dma_start3A_283 = arith.constant 0 : i32
      %dma_start3A_284 = tpu.memref_slice %arg13[%add3A_43, %dma_start3A_283] : memref<10240x128xf32, #tpu.memory_space<vmem_shared>> -> memref<40x128xf32, #tpu.memory_space<vmem_shared>>
      %dma_start3A_285 = arith.constant 0 : i32
      %dma_start3A_286 = tpu.memref_slice %arg13[%add3A_43, %dma_start3A_285] : memref<10240x128xf32, #tpu.memory_space<vmem_shared>> -> memref<40x128xf32, #tpu.memory_space<vmem_shared>>
      tpu.enqueue_dma source(%arg11 : memref<40x128xf32, #tpu.memory_space<vmem>>) target(%dma_start3A_286 : memref<40x128xf32, #tpu.memory_space<vmem_shared>>) target_semaphore(%run_scoped3A : memref<!tpu.dma_semaphore, #tpu.memory_space<semaphore_mem>>)
      %dma_wait3A_287 = arith.constant 0 : i32
      %dma_wait3A_288 = tpu.memref_slice %arg13[%add3A_43, %dma_wait3A_287] : memref<10240x128xf32, #tpu.memory_space<vmem_shared>> -> memref<40x128xf32, #tpu.memory_space<vmem_shared>>
      %dma_wait3A_289 = arith.constant 0 : i32
      %dma_wait3A_290 = tpu.memref_slice %arg13[%add3A_43, %dma_wait3A_289] : memref<10240x128xf32, #tpu.memory_space<vmem_shared>> -> memref<40x128xf32, #tpu.memory_space<vmem_shared>>
      tpu.wait_dma2 semaphore(%run_scoped3A : memref<!tpu.dma_semaphore, #tpu.memory_space<semaphore_mem>>) src(%arg11 : memref<40x128xf32, #tpu.memory_space<vmem>>) dst(%dma_wait3A_290 : memref<40x128xf32, #tpu.memory_space<vmem_shared>>)
      tpu.yield
    }) : () -> ()
    %mul3A_44 = arith.constant 640 : i32
    %mul3A_45 = arith.muli %arg1, %mul3A_44 : i32
    %add3A_46 = arith.constant 360 : i32
    %add3A_47 = arith.addi %mul3A_45, %add3A_46 : i32
    "tpu.region"() ({
      %run_scoped3A = tpu.sem_alloc : memref<!tpu.dma_semaphore, #tpu.memory_space<semaphore_mem>>
      %dma_start3A_283 = arith.constant 0 : i32
      %dma_start3A_284 = tpu.memref_slice %arg13[%add3A_47, %dma_start3A_283] : memref<10240x128xf32, #tpu.memory_space<vmem_shared>> -> memref<40x128xf32, #tpu.memory_space<vmem_shared>>
      %dma_start3A_285 = arith.constant 0 : i32
      %dma_start3A_286 = tpu.memref_slice %arg13[%add3A_47, %dma_start3A_285] : memref<10240x128xf32, #tpu.memory_space<vmem_shared>> -> memref<40x128xf32, #tpu.memory_space<vmem_shared>>
      tpu.enqueue_dma source(%arg11 : memref<40x128xf32, #tpu.memory_space<vmem>>) target(%dma_start3A_286 : memref<40x128xf32, #tpu.memory_space<vmem_shared>>) target_semaphore(%run_scoped3A : memref<!tpu.dma_semaphore, #tpu.memory_space<semaphore_mem>>)
      %dma_wait3A_287 = arith.constant 0 : i32
      %dma_wait3A_288 = tpu.memref_slice %arg13[%add3A_47, %dma_wait3A_287] : memref<10240x128xf32, #tpu.memory_space<vmem_shared>> -> memref<40x128xf32, #tpu.memory_space<vmem_shared>>
      %dma_wait3A_289 = arith.constant 0 : i32
      %dma_wait3A_290 = tpu.memref_slice %arg13[%add3A_47, %dma_wait3A_289] : memref<10240x128xf32, #tpu.memory_space<vmem_shared>> -> memref<40x128xf32, #tpu.memory_space<vmem_shared>>
      tpu.wait_dma2 semaphore(%run_scoped3A : memref<!tpu.dma_semaphore, #tpu.memory_space<semaphore_mem>>) src(%arg11 : memref<40x128xf32, #tpu.memory_space<vmem>>) dst(%dma_wait3A_290 : memref<40x128xf32, #tpu.memory_space<vmem_shared>>)
      tpu.yield
    }) : () -> ()
    %mul3A_48 = arith.constant 640 : i32
    %mul3A_49 = arith.muli %arg1, %mul3A_48 : i32
    %add3A_50 = arith.constant 400 : i32
    %add3A_51 = arith.addi %mul3A_49, %add3A_50 : i32
    "tpu.region"() ({
      %run_scoped3A = tpu.sem_alloc : memref<!tpu.dma_semaphore, #tpu.memory_space<semaphore_mem>>
      %dma_start3A_283 = arith.constant 0 : i32
      %dma_start3A_284 = tpu.memref_slice %arg13[%add3A_51, %dma_start3A_283] : memref<10240x128xf32, #tpu.memory_space<vmem_shared>> -> memref<40x128xf32, #tpu.memory_space<vmem_shared>>
      %dma_start3A_285 = arith.constant 0 : i32
      %dma_start3A_286 = tpu.memref_slice %arg13[%add3A_51, %dma_start3A_285] : memref<10240x128xf32, #tpu.memory_space<vmem_shared>> -> memref<40x128xf32, #tpu.memory_space<vmem_shared>>
      tpu.enqueue_dma source(%arg11 : memref<40x128xf32, #tpu.memory_space<vmem>>) target(%dma_start3A_286 : memref<40x128xf32, #tpu.memory_space<vmem_shared>>) target_semaphore(%run_scoped3A : memref<!tpu.dma_semaphore, #tpu.memory_space<semaphore_mem>>)
      %dma_wait3A_287 = arith.constant 0 : i32
      %dma_wait3A_288 = tpu.memref_slice %arg13[%add3A_51, %dma_wait3A_287] : memref<10240x128xf32, #tpu.memory_space<vmem_shared>> -> memref<40x128xf32, #tpu.memory_space<vmem_shared>>
      %dma_wait3A_289 = arith.constant 0 : i32
      %dma_wait3A_290 = tpu.memref_slice %arg13[%add3A_51, %dma_wait3A_289] : memref<10240x128xf32, #tpu.memory_space<vmem_shared>> -> memref<40x128xf32, #tpu.memory_space<vmem_shared>>
      tpu.wait_dma2 semaphore(%run_scoped3A : memref<!tpu.dma_semaphore, #tpu.memory_space<semaphore_mem>>) src(%arg11 : memref<40x128xf32, #tpu.memory_space<vmem>>) dst(%dma_wait3A_290 : memref<40x128xf32, #tpu.memory_space<vmem_shared>>)
      tpu.yield
    }) : () -> ()
    %mul3A_52 = arith.constant 640 : i32
    %mul3A_53 = arith.muli %arg1, %mul3A_52 : i32
    %add3A_54 = arith.constant 440 : i32
    %add3A_55 = arith.addi %mul3A_53, %add3A_54 : i32
    "tpu.region"() ({
      %run_scoped3A = tpu.sem_alloc : memref<!tpu.dma_semaphore, #tpu.memory_space<semaphore_mem>>
      %dma_start3A_283 = arith.constant 0 : i32
      %dma_start3A_284 = tpu.memref_slice %arg13[%add3A_55, %dma_start3A_283] : memref<10240x128xf32, #tpu.memory_space<vmem_shared>> -> memref<40x128xf32, #tpu.memory_space<vmem_shared>>
      %dma_start3A_285 = arith.constant 0 : i32
      %dma_start3A_286 = tpu.memref_slice %arg13[%add3A_55, %dma_start3A_285] : memref<10240x128xf32, #tpu.memory_space<vmem_shared>> -> memref<40x128xf32, #tpu.memory_space<vmem_shared>>
      tpu.enqueue_dma source(%arg11 : memref<40x128xf32, #tpu.memory_space<vmem>>) target(%dma_start3A_286 : memref<40x128xf32, #tpu.memory_space<vmem_shared>>) target_semaphore(%run_scoped3A : memref<!tpu.dma_semaphore, #tpu.memory_space<semaphore_mem>>)
      %dma_wait3A_287 = arith.constant 0 : i32
      %dma_wait3A_288 = tpu.memref_slice %arg13[%add3A_55, %dma_wait3A_287] : memref<10240x128xf32, #tpu.memory_space<vmem_shared>> -> memref<40x128xf32, #tpu.memory_space<vmem_shared>>
      %dma_wait3A_289 = arith.constant 0 : i32
      %dma_wait3A_290 = tpu.memref_slice %arg13[%add3A_55, %dma_wait3A_289] : memref<10240x128xf32, #tpu.memory_space<vmem_shared>> -> memref<40x128xf32, #tpu.memory_space<vmem_shared>>
      tpu.wait_dma2 semaphore(%run_scoped3A : memref<!tpu.dma_semaphore, #tpu.memory_space<semaphore_mem>>) src(%arg11 : memref<40x128xf32, #tpu.memory_space<vmem>>) dst(%dma_wait3A_290 : memref<40x128xf32, #tpu.memory_space<vmem_shared>>)
      tpu.yield
    }) : () -> ()
    %mul3A_56 = arith.constant 640 : i32
    %mul3A_57 = arith.muli %arg1, %mul3A_56 : i32
    %add3A_58 = arith.constant 480 : i32
    %add3A_59 = arith.addi %mul3A_57, %add3A_58 : i32
    "tpu.region"() ({
      %run_scoped3A = tpu.sem_alloc : memref<!tpu.dma_semaphore, #tpu.memory_space<semaphore_mem>>
      %dma_start3A_283 = arith.constant 0 : i32
      %dma_start3A_284 = tpu.memref_slice %arg13[%add3A_59, %dma_start3A_283] : memref<10240x128xf32, #tpu.memory_space<vmem_shared>> -> memref<40x128xf32, #tpu.memory_space<vmem_shared>>
      %dma_start3A_285 = arith.constant 0 : i32
      %dma_start3A_286 = tpu.memref_slice %arg13[%add3A_59, %dma_start3A_285] : memref<10240x128xf32, #tpu.memory_space<vmem_shared>> -> memref<40x128xf32, #tpu.memory_space<vmem_shared>>
      tpu.enqueue_dma source(%arg11 : memref<40x128xf32, #tpu.memory_space<vmem>>) target(%dma_start3A_286 : memref<40x128xf32, #tpu.memory_space<vmem_shared>>) target_semaphore(%run_scoped3A : memref<!tpu.dma_semaphore, #tpu.memory_space<semaphore_mem>>)
      %dma_wait3A_287 = arith.constant 0 : i32
      %dma_wait3A_288 = tpu.memref_slice %arg13[%add3A_59, %dma_wait3A_287] : memref<10240x128xf32, #tpu.memory_space<vmem_shared>> -> memref<40x128xf32, #tpu.memory_space<vmem_shared>>
      %dma_wait3A_289 = arith.constant 0 : i32
      %dma_wait3A_290 = tpu.memref_slice %arg13[%add3A_59, %dma_wait3A_289] : memref<10240x128xf32, #tpu.memory_space<vmem_shared>> -> memref<40x128xf32, #tpu.memory_space<vmem_shared>>
      tpu.wait_dma2 semaphore(%run_scoped3A : memref<!tpu.dma_semaphore, #tpu.memory_space<semaphore_mem>>) src(%arg11 : memref<40x128xf32, #tpu.memory_space<vmem>>) dst(%dma_wait3A_290 : memref<40x128xf32, #tpu.memory_space<vmem_shared>>)
      tpu.yield
    }) : () -> ()
    %mul3A_60 = arith.constant 640 : i32
    %mul3A_61 = arith.muli %arg1, %mul3A_60 : i32
    %add3A_62 = arith.constant 520 : i32
    %add3A_63 = arith.addi %mul3A_61, %add3A_62 : i32
    "tpu.region"() ({
      %run_scoped3A = tpu.sem_alloc : memref<!tpu.dma_semaphore, #tpu.memory_space<semaphore_mem>>
      %dma_start3A_283 = arith.constant 0 : i32
      %dma_start3A_284 = tpu.memref_slice %arg13[%add3A_63, %dma_start3A_283] : memref<10240x128xf32, #tpu.memory_space<vmem_shared>> -> memref<40x128xf32, #tpu.memory_space<vmem_shared>>
      %dma_start3A_285 = arith.constant 0 : i32
      %dma_start3A_286 = tpu.memref_slice %arg13[%add3A_63, %dma_start3A_285] : memref<10240x128xf32, #tpu.memory_space<vmem_shared>> -> memref<40x128xf32, #tpu.memory_space<vmem_shared>>
      tpu.enqueue_dma source(%arg11 : memref<40x128xf32, #tpu.memory_space<vmem>>) target(%dma_start3A_286 : memref<40x128xf32, #tpu.memory_space<vmem_shared>>) target_semaphore(%run_scoped3A : memref<!tpu.dma_semaphore, #tpu.memory_space<semaphore_mem>>)
      %dma_wait3A_287 = arith.constant 0 : i32
      %dma_wait3A_288 = tpu.memref_slice %arg13[%add3A_63, %dma_wait3A_287] : memref<10240x128xf32, #tpu.memory_space<vmem_shared>> -> memref<40x128xf32, #tpu.memory_space<vmem_shared>>
      %dma_wait3A_289 = arith.constant 0 : i32
      %dma_wait3A_290 = tpu.memref_slice %arg13[%add3A_63, %dma_wait3A_289] : memref<10240x128xf32, #tpu.memory_space<vmem_shared>> -> memref<40x128xf32, #tpu.memory_space<vmem_shared>>
      tpu.wait_dma2 semaphore(%run_scoped3A : memref<!tpu.dma_semaphore, #tpu.memory_space<semaphore_mem>>) src(%arg11 : memref<40x128xf32, #tpu.memory_space<vmem>>) dst(%dma_wait3A_290 : memref<40x128xf32, #tpu.memory_space<vmem_shared>>)
      tpu.yield
    }) : () -> ()
    %mul3A_64 = arith.constant 640 : i32
    %mul3A_65 = arith.muli %arg1, %mul3A_64 : i32
    %add3A_66 = arith.constant 560 : i32
    %add3A_67 = arith.addi %mul3A_65, %add3A_66 : i32
    "tpu.region"() ({
      %run_scoped3A = tpu.sem_alloc : memref<!tpu.dma_semaphore, #tpu.memory_space<semaphore_mem>>
      %dma_start3A_283 = arith.constant 0 : i32
      %dma_start3A_284 = tpu.memref_slice %arg13[%add3A_67, %dma_start3A_283] : memref<10240x128xf32, #tpu.memory_space<vmem_shared>> -> memref<40x128xf32, #tpu.memory_space<vmem_shared>>
      %dma_start3A_285 = arith.constant 0 : i32
      %dma_start3A_286 = tpu.memref_slice %arg13[%add3A_67, %dma_start3A_285] : memref<10240x128xf32, #tpu.memory_space<vmem_shared>> -> memref<40x128xf32, #tpu.memory_space<vmem_shared>>
      tpu.enqueue_dma source(%arg11 : memref<40x128xf32, #tpu.memory_space<vmem>>) target(%dma_start3A_286 : memref<40x128xf32, #tpu.memory_space<vmem_shared>>) target_semaphore(%run_scoped3A : memref<!tpu.dma_semaphore, #tpu.memory_space<semaphore_mem>>)
      %dma_wait3A_287 = arith.constant 0 : i32
      %dma_wait3A_288 = tpu.memref_slice %arg13[%add3A_67, %dma_wait3A_287] : memref<10240x128xf32, #tpu.memory_space<vmem_shared>> -> memref<40x128xf32, #tpu.memory_space<vmem_shared>>
      %dma_wait3A_289 = arith.constant 0 : i32
      %dma_wait3A_290 = tpu.memref_slice %arg13[%add3A_67, %dma_wait3A_289] : memref<10240x128xf32, #tpu.memory_space<vmem_shared>> -> memref<40x128xf32, #tpu.memory_space<vmem_shared>>
      tpu.wait_dma2 semaphore(%run_scoped3A : memref<!tpu.dma_semaphore, #tpu.memory_space<semaphore_mem>>) src(%arg11 : memref<40x128xf32, #tpu.memory_space<vmem>>) dst(%dma_wait3A_290 : memref<40x128xf32, #tpu.memory_space<vmem_shared>>)
      tpu.yield
    }) : () -> ()
    %mul3A_68 = arith.constant 640 : i32
    %mul3A_69 = arith.muli %arg1, %mul3A_68 : i32
    %add3A_70 = arith.constant 600 : i32
    %add3A_71 = arith.addi %mul3A_69, %add3A_70 : i32
    "tpu.region"() ({
      %run_scoped3A = tpu.sem_alloc : memref<!tpu.dma_semaphore, #tpu.memory_space<semaphore_mem>>
      %dma_start3A_283 = arith.constant 0 : i32
      %dma_start3A_284 = tpu.memref_slice %arg13[%add3A_71, %dma_start3A_283] : memref<10240x128xf32, #tpu.memory_space<vmem_shared>> -> memref<40x128xf32, #tpu.memory_space<vmem_shared>>
      %dma_start3A_285 = arith.constant 0 : i32
      %dma_start3A_286 = tpu.memref_slice %arg13[%add3A_71, %dma_start3A_285] : memref<10240x128xf32, #tpu.memory_space<vmem_shared>> -> memref<40x128xf32, #tpu.memory_space<vmem_shared>>
      tpu.enqueue_dma source(%arg11 : memref<40x128xf32, #tpu.memory_space<vmem>>) target(%dma_start3A_286 : memref<40x128xf32, #tpu.memory_space<vmem_shared>>) target_semaphore(%run_scoped3A : memref<!tpu.dma_semaphore, #tpu.memory_space<semaphore_mem>>)
      %dma_wait3A_287 = arith.constant 0 : i32
      %dma_wait3A_288 = tpu.memref_slice %arg13[%add3A_71, %dma_wait3A_287] : memref<10240x128xf32, #tpu.memory_space<vmem_shared>> -> memref<40x128xf32, #tpu.memory_space<vmem_shared>>
      %dma_wait3A_289 = arith.constant 0 : i32
      %dma_wait3A_290 = tpu.memref_slice %arg13[%add3A_71, %dma_wait3A_289] : memref<10240x128xf32, #tpu.memory_space<vmem_shared>> -> memref<40x128xf32, #tpu.memory_space<vmem_shared>>
      tpu.wait_dma2 semaphore(%run_scoped3A : memref<!tpu.dma_semaphore, #tpu.memory_space<semaphore_mem>>) src(%arg11 : memref<40x128xf32, #tpu.memory_space<vmem>>) dst(%dma_wait3A_290 : memref<40x128xf32, #tpu.memory_space<vmem_shared>>)
      tpu.yield
    }) : () -> ()
    %barrier3A = arith.constant 0 : index
    tpu.barrier barrier_id(%barrier3A)
    %rem3A = arith.constant 0 : i32
    %rem3A_72 = arith.constant 4 : i32
    %rem3A_73 = arith.remsi %rem3A, %rem3A_72 : i32
    %mul3A_74 = arith.constant 2 : i32
    %mul3A_75 = arith.muli %rem3A_73, %mul3A_74 : i32
    "tpu.region"() ({
      %run_scoped3A = tpu.sem_alloc : memref<!tpu.dma_semaphore, #tpu.memory_space<semaphore_mem>>
      %dma_start3A_283 = arith.constant 0 : i32
      %dma_start3A_284 = tpu.memref_slice %arg6[%mul3A_75, %dma_start3A_283] : memref<8x40xi32, #tpu.memory_space<vmem>> -> memref<2x40xi32, #tpu.memory_space<vmem>>
      %dma_start3A_285 = arith.constant 0 : i32
      %dma_start3A_286 = arith.constant 0 : i32
      %dma_start3A_287 = tpu.memref_slice %arg2[%mul3A_2, %dma_start3A_285, %dma_start3A_286] : memref<8000x2x40xi32, #tpu.memory_space<hbm>> -> memref<1x2x40xi32, #tpu.memory_space<hbm>>
      %dma_start3A_288 = tpu.memref_squeeze %dma_start3A_287 : memref<1x2x40xi32, #tpu.memory_space<hbm>> -> memref<2x40xi32, #tpu.memory_space<hbm>>
      %dma_start3A_289 = arith.constant 0 : i32
      %dma_start3A_290 = tpu.memref_slice %arg6[%mul3A_75, %dma_start3A_289] : memref<8x40xi32, #tpu.memory_space<vmem>> -> memref<2x40xi32, #tpu.memory_space<vmem>>
      %dma_start3A_291 = arith.constant 0 : i32
      %dma_start3A_292 = arith.constant 0 : i32
      %dma_start3A_293 = tpu.memref_slice %arg2[%mul3A_2, %dma_start3A_291, %dma_start3A_292] : memref<8000x2x40xi32, #tpu.memory_space<hbm>> -> memref<1x2x40xi32, #tpu.memory_space<hbm>>
      %dma_start3A_294 = tpu.memref_squeeze %dma_start3A_293 : memref<1x2x40xi32, #tpu.memory_space<hbm>> -> memref<2x40xi32, #tpu.memory_space<hbm>>
      tpu.enqueue_dma source(%dma_start3A_294 : memref<2x40xi32, #tpu.memory_space<hbm>>) target(%dma_start3A_290 : memref<2x40xi32, #tpu.memory_space<vmem>>) target_semaphore(%run_scoped3A : memref<!tpu.dma_semaphore, #tpu.memory_space<semaphore_mem>>)
      %dma_wait3A_295 = arith.constant 0 : i32
      %dma_wait3A_296 = tpu.memref_slice %arg6[%mul3A_75, %dma_wait3A_295] : memref<8x40xi32, #tpu.memory_space<vmem>> -> memref<2x40xi32, #tpu.memory_space<vmem>>
      %dma_wait3A_297 = arith.constant 0 : i32
      %dma_wait3A_298 = arith.constant 0 : i32
      %dma_wait3A_299 = tpu.memref_slice %arg2[%mul3A_2, %dma_wait3A_297, %dma_wait3A_298] : memref<8000x2x40xi32, #tpu.memory_space<hbm>> -> memref<1x2x40xi32, #tpu.memory_space<hbm>>
      %dma_wait3A_300 = tpu.memref_squeeze %dma_wait3A_299 : memref<1x2x40xi32, #tpu.memory_space<hbm>> -> memref<2x40xi32, #tpu.memory_space<hbm>>
      %dma_wait3A_301 = arith.constant 0 : i32
      %dma_wait3A_302 = tpu.memref_slice %arg6[%mul3A_75, %dma_wait3A_301] : memref<8x40xi32, #tpu.memory_space<vmem>> -> memref<2x40xi32, #tpu.memory_space<vmem>>
      %dma_wait3A_303 = arith.constant 0 : i32
      %dma_wait3A_304 = arith.constant 0 : i32
      %dma_wait3A_305 = tpu.memref_slice %arg2[%mul3A_2, %dma_wait3A_303, %dma_wait3A_304] : memref<8000x2x40xi32, #tpu.memory_space<hbm>> -> memref<1x2x40xi32, #tpu.memory_space<hbm>>
      %dma_wait3A_306 = tpu.memref_squeeze %dma_wait3A_305 : memref<1x2x40xi32, #tpu.memory_space<hbm>> -> memref<2x40xi32, #tpu.memory_space<hbm>>
      tpu.wait_dma2 semaphore(%run_scoped3A : memref<!tpu.dma_semaphore, #tpu.memory_space<semaphore_mem>>) src(%dma_wait3A_306 : memref<2x40xi32, #tpu.memory_space<hbm>>) dst(%dma_wait3A_302 : memref<2x40xi32, #tpu.memory_space<vmem>>)
      tpu.yield
    }) : () -> ()
    %add3A_76 = arith.constant 1 : i32
    %add3A_77 = arith.addi %mul3A_2, %add3A_76 : i32
    %rem3A_78 = arith.constant 1 : i32
    %rem3A_79 = arith.constant 4 : i32
    %rem3A_80 = arith.remsi %rem3A_78, %rem3A_79 : i32
    %mul3A_81 = arith.constant 2 : i32
    %mul3A_82 = arith.muli %rem3A_80, %mul3A_81 : i32
    "tpu.region"() ({
      %run_scoped3A = tpu.sem_alloc : memref<!tpu.dma_semaphore, #tpu.memory_space<semaphore_mem>>
      %dma_start3A_283 = arith.constant 0 : i32
      %dma_start3A_284 = tpu.memref_slice %arg6[%mul3A_82, %dma_start3A_283] : memref<8x40xi32, #tpu.memory_space<vmem>> -> memref<2x40xi32, #tpu.memory_space<vmem>>
      %dma_start3A_285 = arith.constant 0 : i32
      %dma_start3A_286 = arith.constant 0 : i32
      %dma_start3A_287 = tpu.memref_slice %arg2[%add3A_77, %dma_start3A_285, %dma_start3A_286] : memref<8000x2x40xi32, #tpu.memory_space<hbm>> -> memref<1x2x40xi32, #tpu.memory_space<hbm>>
      %dma_start3A_288 = tpu.memref_squeeze %dma_start3A_287 : memref<1x2x40xi32, #tpu.memory_space<hbm>> -> memref<2x40xi32, #tpu.memory_space<hbm>>
      %dma_start3A_289 = arith.constant 0 : i32
      %dma_start3A_290 = tpu.memref_slice %arg6[%mul3A_82, %dma_start3A_289] : memref<8x40xi32, #tpu.memory_space<vmem>> -> memref<2x40xi32, #tpu.memory_space<vmem>>
      %dma_start3A_291 = arith.constant 0 : i32
      %dma_start3A_292 = arith.constant 0 : i32
      %dma_start3A_293 = tpu.memref_slice %arg2[%add3A_77, %dma_start3A_291, %dma_start3A_292] : memref<8000x2x40xi32, #tpu.memory_space<hbm>> -> memref<1x2x40xi32, #tpu.memory_space<hbm>>
      %dma_start3A_294 = tpu.memref_squeeze %dma_start3A_293 : memref<1x2x40xi32, #tpu.memory_space<hbm>> -> memref<2x40xi32, #tpu.memory_space<hbm>>
      tpu.enqueue_dma source(%dma_start3A_294 : memref<2x40xi32, #tpu.memory_space<hbm>>) target(%dma_start3A_290 : memref<2x40xi32, #tpu.memory_space<vmem>>) target_semaphore(%run_scoped3A : memref<!tpu.dma_semaphore, #tpu.memory_space<semaphore_mem>>)
      %dma_wait3A_295 = arith.constant 0 : i32
      %dma_wait3A_296 = tpu.memref_slice %arg6[%mul3A_82, %dma_wait3A_295] : memref<8x40xi32, #tpu.memory_space<vmem>> -> memref<2x40xi32, #tpu.memory_space<vmem>>
      %dma_wait3A_297 = arith.constant 0 : i32
      %dma_wait3A_298 = arith.constant 0 : i32
      %dma_wait3A_299 = tpu.memref_slice %arg2[%add3A_77, %dma_wait3A_297, %dma_wait3A_298] : memref<8000x2x40xi32, #tpu.memory_space<hbm>> -> memref<1x2x40xi32, #tpu.memory_space<hbm>>
      %dma_wait3A_300 = tpu.memref_squeeze %dma_wait3A_299 : memref<1x2x40xi32, #tpu.memory_space<hbm>> -> memref<2x40xi32, #tpu.memory_space<hbm>>
      %dma_wait3A_301 = arith.constant 0 : i32
      %dma_wait3A_302 = tpu.memref_slice %arg6[%mul3A_82, %dma_wait3A_301] : memref<8x40xi32, #tpu.memory_space<vmem>> -> memref<2x40xi32, #tpu.memory_space<vmem>>
      %dma_wait3A_303 = arith.constant 0 : i32
      %dma_wait3A_304 = arith.constant 0 : i32
      %dma_wait3A_305 = tpu.memref_slice %arg2[%add3A_77, %dma_wait3A_303, %dma_wait3A_304] : memref<8000x2x40xi32, #tpu.memory_space<hbm>> -> memref<1x2x40xi32, #tpu.memory_space<hbm>>
      %dma_wait3A_306 = tpu.memref_squeeze %dma_wait3A_305 : memref<1x2x40xi32, #tpu.memory_space<hbm>> -> memref<2x40xi32, #tpu.memory_space<hbm>>
      tpu.wait_dma2 semaphore(%run_scoped3A : memref<!tpu.dma_semaphore, #tpu.memory_space<semaphore_mem>>) src(%dma_wait3A_306 : memref<2x40xi32, #tpu.memory_space<hbm>>) dst(%dma_wait3A_302 : memref<2x40xi32, #tpu.memory_space<vmem>>)
      tpu.yield
    }) : () -> ()
    %add3A_83 = arith.constant 2 : i32
    %add3A_84 = arith.addi %mul3A_2, %add3A_83 : i32
    %rem3A_85 = arith.constant 2 : i32
    %rem3A_86 = arith.constant 4 : i32
    %rem3A_87 = arith.remsi %rem3A_85, %rem3A_86 : i32
    %mul3A_88 = arith.constant 2 : i32
    %mul3A_89 = arith.muli %rem3A_87, %mul3A_88 : i32
    %dma_start3A = arith.constant 0 : i32
    %dma_start3A_90 = tpu.memref_slice %arg6[%mul3A_89, %dma_start3A] : memref<8x40xi32, #tpu.memory_space<vmem>> -> memref<2x40xi32, #tpu.memory_space<vmem>>
    %dma_start3A_91 = arith.constant 0 : i32
    %dma_start3A_92 = arith.constant 0 : i32
    %dma_start3A_93 = tpu.memref_slice %arg2[%add3A_84, %dma_start3A_91, %dma_start3A_92] : memref<8000x2x40xi32, #tpu.memory_space<hbm>> -> memref<1x2x40xi32, #tpu.memory_space<hbm>>
    %dma_start3A_94 = tpu.memref_squeeze %dma_start3A_93 : memref<1x2x40xi32, #tpu.memory_space<hbm>> -> memref<2x40xi32, #tpu.memory_space<hbm>>
    %dma_start3A_95 = arith.constant 0 : i32
    %dma_start3A_96 = tpu.memref_slice %arg6[%mul3A_89, %dma_start3A_95] : memref<8x40xi32, #tpu.memory_space<vmem>> -> memref<2x40xi32, #tpu.memory_space<vmem>>
    %dma_start3A_97 = arith.constant 0 : i32
    %dma_start3A_98 = arith.constant 0 : i32
    %dma_start3A_99 = tpu.memref_slice %arg2[%add3A_84, %dma_start3A_97, %dma_start3A_98] : memref<8000x2x40xi32, #tpu.memory_space<hbm>> -> memref<1x2x40xi32, #tpu.memory_space<hbm>>
    %dma_start3A_100 = tpu.memref_squeeze %dma_start3A_99 : memref<1x2x40xi32, #tpu.memory_space<hbm>> -> memref<2x40xi32, #tpu.memory_space<hbm>>
    tpu.enqueue_dma source(%dma_start3A_100 : memref<2x40xi32, #tpu.memory_space<hbm>>) target(%dma_start3A_96 : memref<2x40xi32, #tpu.memory_space<vmem>>) target_semaphore(%arg20 : memref<!tpu.dma_semaphore, #tpu.memory_space<semaphore_mem>>)
    %add3A_101 = arith.constant 3 : i32
    %add3A_102 = arith.addi %mul3A_2, %add3A_101 : i32
    %rem3A_103 = arith.constant 3 : i32
    %rem3A_104 = arith.constant 4 : i32
    %rem3A_105 = arith.remsi %rem3A_103, %rem3A_104 : i32
    %mul3A_106 = arith.constant 2 : i32
    %mul3A_107 = arith.muli %rem3A_105, %mul3A_106 : i32
    %dma_start3A_108 = arith.constant 0 : i32
    %dma_start3A_109 = tpu.memref_slice %arg6[%mul3A_107, %dma_start3A_108] : memref<8x40xi32, #tpu.memory_space<vmem>> -> memref<2x40xi32, #tpu.memory_space<vmem>>
    %dma_start3A_110 = arith.constant 0 : i32
    %dma_start3A_111 = arith.constant 0 : i32
    %dma_start3A_112 = tpu.memref_slice %arg2[%add3A_102, %dma_start3A_110, %dma_start3A_111] : memref<8000x2x40xi32, #tpu.memory_space<hbm>> -> memref<1x2x40xi32, #tpu.memory_space<hbm>>
    %dma_start3A_113 = tpu.memref_squeeze %dma_start3A_112 : memref<1x2x40xi32, #tpu.memory_space<hbm>> -> memref<2x40xi32, #tpu.memory_space<hbm>>
    %dma_start3A_114 = arith.constant 0 : i32
    %dma_start3A_115 = tpu.memref_slice %arg6[%mul3A_107, %dma_start3A_114] : memref<8x40xi32, #tpu.memory_space<vmem>> -> memref<2x40xi32, #tpu.memory_space<vmem>>
    %dma_start3A_116 = arith.constant 0 : i32
    %dma_start3A_117 = arith.constant 0 : i32
    %dma_start3A_118 = tpu.memref_slice %arg2[%add3A_102, %dma_start3A_116, %dma_start3A_117] : memref<8000x2x40xi32, #tpu.memory_space<hbm>> -> memref<1x2x40xi32, #tpu.memory_space<hbm>>
    %dma_start3A_119 = tpu.memref_squeeze %dma_start3A_118 : memref<1x2x40xi32, #tpu.memory_space<hbm>> -> memref<2x40xi32, #tpu.memory_space<hbm>>
    tpu.enqueue_dma source(%dma_start3A_119 : memref<2x40xi32, #tpu.memory_space<hbm>>) target(%dma_start3A_115 : memref<2x40xi32, #tpu.memory_space<vmem>>) target_semaphore(%arg21 : memref<!tpu.dma_semaphore, #tpu.memory_space<semaphore_mem>>)
    %add3A_120 = arith.constant 0 : i32
    %add3A_121 = arith.addi %mul3A_2, %add3A_120 : i32
    %mul3A_122 = arith.constant 40 : i32
    %mul3A_123 = arith.muli %add3A_121, %mul3A_122 : i32
    %dma_start3A_124 = arith.constant 0 : i32
    %dma_start3A_125 = tpu.memref_slice %arg3[%mul3A_123, %dma_start3A_124] : memref<320000x64xi32, #tpu.memory_space<hbm>> -> memref<40x64xi32, #tpu.memory_space<hbm>>
    %dma_start3A_126 = arith.constant 0 : i32
    %dma_start3A_127 = tpu.memref_slice %arg3[%mul3A_123, %dma_start3A_126] : memref<320000x64xi32, #tpu.memory_space<hbm>> -> memref<40x64xi32, #tpu.memory_space<hbm>>
    tpu.enqueue_dma source(%dma_start3A_127 : memref<40x64xi32, #tpu.memory_space<hbm>>) target(%arg7 : memref<40x64xi32, #tpu.memory_space<vmem>>) target_semaphore(%arg14 : memref<!tpu.dma_semaphore, #tpu.memory_space<semaphore_mem>>)
    %rem3A_128 = arith.constant 0 : i32
    %rem3A_129 = arith.constant 4 : i32
    %rem3A_130 = arith.remsi %rem3A_128, %rem3A_129 : i32
    %mul3A_131 = arith.constant 2 : i32
    %mul3A_132 = arith.muli %rem3A_130, %mul3A_131 : i32
    %dma_start3A_133 = arith.constant 0 : i32
    %dma_start3A_134 = tpu.memref_slice %arg6[%mul3A_132, %dma_start3A_133] : memref<8x40xi32, #tpu.memory_space<vmem>> -> memref<1x40xi32, #tpu.memory_space<vmem>>
    %dma_start3A_135 = tpu.memref_squeeze %dma_start3A_134 : memref<1x40xi32, #tpu.memory_space<vmem>> -> memref<40xi32, #tpu.memory_space<vmem>>
    %dma_start3A_136 = arith.constant 0 : i32
    %dma_start3A_137 = arith.constant 0 : i32
    %dma_start3A_138 = tpu.memref_slice %arg4[%dma_start3A_136, %dma_start3A_137] : memref<10000x128xf32, #tpu.memory_space<hbm>> -> memref<10000x128xf32, #tpu.memory_space<hbm>>
    tpu.enqueue_indirect_dma source(%dma_start3A_138 : memref<10000x128xf32, #tpu.memory_space<hbm>>) target(%arg9 : memref<40x128xf32, #tpu.memory_space<vmem>>) offsets(%dma_start3A_135 : memref<40xi32, #tpu.memory_space<vmem>>) semaphore(%arg16 : memref<!tpu.dma_semaphore, #tpu.memory_space<semaphore_mem>>)
    %add3A_139 = arith.constant 1 : i32
    %add3A_140 = arith.addi %mul3A_2, %add3A_139 : i32
    %mul3A_141 = arith.constant 40 : i32
    %mul3A_142 = arith.muli %add3A_140, %mul3A_141 : i32
    %dma_start3A_143 = arith.constant 0 : i32
    %dma_start3A_144 = tpu.memref_slice %arg3[%mul3A_142, %dma_start3A_143] : memref<320000x64xi32, #tpu.memory_space<hbm>> -> memref<40x64xi32, #tpu.memory_space<hbm>>
    %dma_start3A_145 = arith.constant 0 : i32
    %dma_start3A_146 = tpu.memref_slice %arg3[%mul3A_142, %dma_start3A_145] : memref<320000x64xi32, #tpu.memory_space<hbm>> -> memref<40x64xi32, #tpu.memory_space<hbm>>
    tpu.enqueue_dma source(%dma_start3A_146 : memref<40x64xi32, #tpu.memory_space<hbm>>) target(%arg8 : memref<40x64xi32, #tpu.memory_space<vmem>>) target_semaphore(%arg15 : memref<!tpu.dma_semaphore, #tpu.memory_space<semaphore_mem>>)
    %rem3A_147 = arith.constant 1 : i32
    %rem3A_148 = arith.constant 4 : i32
    %rem3A_149 = arith.remsi %rem3A_147, %rem3A_148 : i32
    %mul3A_150 = arith.constant 2 : i32
    %mul3A_151 = arith.muli %rem3A_149, %mul3A_150 : i32
    %dma_start3A_152 = arith.constant 0 : i32
    %dma_start3A_153 = tpu.memref_slice %arg6[%mul3A_151, %dma_start3A_152] : memref<8x40xi32, #tpu.memory_space<vmem>> -> memref<1x40xi32, #tpu.memory_space<vmem>>
    %dma_start3A_154 = tpu.memref_squeeze %dma_start3A_153 : memref<1x40xi32, #tpu.memory_space<vmem>> -> memref<40xi32, #tpu.memory_space<vmem>>
    %dma_start3A_155 = arith.constant 0 : i32
    %dma_start3A_156 = arith.constant 0 : i32
    %dma_start3A_157 = tpu.memref_slice %arg4[%dma_start3A_155, %dma_start3A_156] : memref<10000x128xf32, #tpu.memory_space<hbm>> -> memref<10000x128xf32, #tpu.memory_space<hbm>>
    tpu.enqueue_indirect_dma source(%dma_start3A_157 : memref<10000x128xf32, #tpu.memory_space<hbm>>) target(%arg10 : memref<40x128xf32, #tpu.memory_space<vmem>>) offsets(%dma_start3A_154 : memref<40xi32, #tpu.memory_space<vmem>>) semaphore(%arg17 : memref<!tpu.dma_semaphore, #tpu.memory_space<semaphore_mem>>)
    %scan3A_158 = arith.constant 0 : i32
    %scan3A_159 = arith.constant 0 : i32
    %scan3A_160 = arith.constant 125 : i32
    %scan3A_161 = arith.addi %scan3A_159, %scan3A_160 : i32
    %scan3A_162 = arith.constant 1 : i32
    scf.for %scan3A_283 = %scan3A_159 to %scan3A_161 step %scan3A_162  : i32 {
      %mul3A_284 = arith.constant 2 : i32
      %mul3A_285 = arith.muli %mul3A_284, %scan3A_283 : i32
      %dma_wait3A_286 = arith.constant 0 : i32
      %dma_wait3A_287 = arith.constant 0 : i32
      %dma_wait3A_288 = tpu.memref_slice %arg3[%dma_wait3A_286, %dma_wait3A_287] : memref<320000x64xi32, #tpu.memory_space<hbm>> -> memref<40x64xi32, #tpu.memory_space<hbm>>
      %dma_wait3A_289 = arith.constant 0 : i32
      %dma_wait3A_290 = arith.constant 0 : i32
      %dma_wait3A_291 = tpu.memref_slice %arg3[%dma_wait3A_289, %dma_wait3A_290] : memref<320000x64xi32, #tpu.memory_space<hbm>> -> memref<40x64xi32, #tpu.memory_space<hbm>>
      tpu.wait_dma2 semaphore(%arg14 : memref<!tpu.dma_semaphore, #tpu.memory_space<semaphore_mem>>) src(%dma_wait3A_291 : memref<40x64xi32, #tpu.memory_space<hbm>>) dst(%arg7 : memref<40x64xi32, #tpu.memory_space<vmem>>)
      %dma_wait3A_292 = arith.constant 0 : i32
      %dma_wait3A_293 = arith.constant 0 : i32
      %dma_wait3A_294 = tpu.memref_slice %arg6[%dma_wait3A_292, %dma_wait3A_293] : memref<8x40xi32, #tpu.memory_space<vmem>> -> memref<1x40xi32, #tpu.memory_space<vmem>>
      %dma_wait3A_295 = tpu.memref_squeeze %dma_wait3A_294 : memref<1x40xi32, #tpu.memory_space<vmem>> -> memref<40xi32, #tpu.memory_space<vmem>>
      %dma_wait3A_296 = arith.constant 0 : i32
      %dma_wait3A_297 = arith.constant 0 : i32
      %dma_wait3A_298 = tpu.memref_slice %arg4[%dma_wait3A_296, %dma_wait3A_297] : memref<10000x128xf32, #tpu.memory_space<hbm>> -> memref<10000x128xf32, #tpu.memory_space<hbm>>
      tpu.wait_indirect_dma semaphore(%arg16 : memref<!tpu.dma_semaphore, #tpu.memory_space<semaphore_mem>>) src(%dma_wait3A_298 : memref<10000x128xf32, #tpu.memory_space<hbm>>) dst(%arg9 : memref<40x128xf32, #tpu.memory_space<vmem>>)
      %broadcast_in_dim3A = arith.constant -65536 : i32
      %broadcast_in_dim3A_299 = vector.broadcast %broadcast_in_dim3A : i32 to vector<16xi32>
      %parallel_loop3A = arith.constant 0 : i32
      %parallel_loop3A_300 = arith.constant 40 : i32
      %parallel_loop3A_301 = arith.constant 1 : i32
      scf.for %parallel_loop3A_380 = %parallel_loop3A to %parallel_loop3A_300 step %parallel_loop3A_301  : i32 {
        %parallel_loop3A_381 = arith.index_cast %parallel_loop3A_380 : i32 to index
        %parallel_loop3A_382 = arith.constant 0 : index
        %parallel_loop3A_383 = tpu.vector_load %arg7[%parallel_loop3A_381, %parallel_loop3A_382] {strides = array<i32>} : memref<40x64xi32, #tpu.memory_space<vmem>>, vector<1x16xi32>,
        %parallel_loop3A_384 = vector.shape_cast %parallel_loop3A_383 : vector<1x16xi32> to vector<16xi32>
        %parallel_loop3A_385 = arith.constant 16 : i32
        %parallel_loop3A_386 = vector.broadcast %parallel_loop3A_385 : i32 to vector<16xi32>
        %parallel_loop3A_387 = arith.shli %parallel_loop3A_384, %parallel_loop3A_386 : vector<16xi32>
        %parallel_loop3A_388 = tpu.bitcast %parallel_loop3A_387 : vector<16xi32> -> vector<16xf32>
        %parallel_loop3A_389 = arith.andi %parallel_loop3A_384, %broadcast_in_dim3A_299 : vector<16xi32>
        %parallel_loop3A_390 = tpu.bitcast %parallel_loop3A_389 : vector<16xi32> -> vector<16xf32>
        %parallel_loop3A_391 = arith.index_cast %parallel_loop3A_380 : i32 to index
        %parallel_loop3A_392 = arith.constant 0 : index
        %parallel_loop3A_393 = tpu.vector_load %arg9[%parallel_loop3A_391, %parallel_loop3A_392] {strides = array<i32>} : memref<40x128xf32, #tpu.memory_space<vmem>>, vector<1x16xf32>,
        %parallel_loop3A_394 = vector.shape_cast %parallel_loop3A_393 : vector<1x16xf32> to vector<16xf32>
        %parallel_loop3A_395 = arith.mulf %parallel_loop3A_388, %parallel_loop3A_394 : vector<16xf32>
        %parallel_loop3A_396 = arith.index_cast %parallel_loop3A_380 : i32 to index
        %parallel_loop3A_397 = arith.constant 0 : index
        %parallel_loop3A_398 = tpu.vector_load %arg11[%parallel_loop3A_396, %parallel_loop3A_397] {strides = array<i32>} : memref<40x128xf32, #tpu.memory_space<vmem>>, vector<1x16xf32>,
        %parallel_loop3A_399 = vector.shape_cast %parallel_loop3A_398 : vector<1x16xf32> to vector<16xf32>
        %parallel_loop3A_400 = vector.shape_cast %parallel_loop3A_395 : vector<16xf32> to vector<1x16xf32>
        tpu.vector_store %arg11[%parallel_loop3A_396, %parallel_loop3A_397], %parallel_loop3A_400 {strides = array<i32>} : memref<40x128xf32, #tpu.memory_space<vmem>>, vector<1x16xf32>,
        %parallel_loop3A_401 = arith.index_cast %parallel_loop3A_380 : i32 to index
        %parallel_loop3A_402 = arith.constant 16 : index
        %parallel_loop3A_403 = tpu.vector_load %arg9[%parallel_loop3A_401, %parallel_loop3A_402] {strides = array<i32>} : memref<40x128xf32, #tpu.memory_space<vmem>>, vector<1x16xf32>,
        %parallel_loop3A_404 = vector.shape_cast %parallel_loop3A_403 : vector<1x16xf32> to vector<16xf32>
        %parallel_loop3A_405 = arith.mulf %parallel_loop3A_390, %parallel_loop3A_404 : vector<16xf32>
        %parallel_loop3A_406 = arith.index_cast %parallel_loop3A_380 : i32 to index
        %parallel_loop3A_407 = arith.constant 16 : index
        %parallel_loop3A_408 = tpu.vector_load %arg11[%parallel_loop3A_406, %parallel_loop3A_407] {strides = array<i32>} : memref<40x128xf32, #tpu.memory_space<vmem>>, vector<1x16xf32>,
        %parallel_loop3A_409 = vector.shape_cast %parallel_loop3A_408 : vector<1x16xf32> to vector<16xf32>
        %parallel_loop3A_410 = vector.shape_cast %parallel_loop3A_405 : vector<16xf32> to vector<1x16xf32>
        tpu.vector_store %arg11[%parallel_loop3A_406, %parallel_loop3A_407], %parallel_loop3A_410 {strides = array<i32>} : memref<40x128xf32, #tpu.memory_space<vmem>>, vector<1x16xf32>,
        %parallel_loop3A_411 = arith.index_cast %parallel_loop3A_380 : i32 to index
        %parallel_loop3A_412 = arith.constant 16 : index
        %parallel_loop3A_413 = tpu.vector_load %arg7[%parallel_loop3A_411, %parallel_loop3A_412] {strides = array<i32>} : memref<40x64xi32, #tpu.memory_space<vmem>>, vector<1x16xi32>,
        %parallel_loop3A_414 = vector.shape_cast %parallel_loop3A_413 : vector<1x16xi32> to vector<16xi32>
        %parallel_loop3A_415 = arith.constant 16 : i32
        %parallel_loop3A_416 = vector.broadcast %parallel_loop3A_415 : i32 to vector<16xi32>
        %parallel_loop3A_417 = arith.shli %parallel_loop3A_414, %parallel_loop3A_416 : vector<16xi32>
        %parallel_loop3A_418 = tpu.bitcast %parallel_loop3A_417 : vector<16xi32> -> vector<16xf32>
        %parallel_loop3A_419 = arith.andi %parallel_loop3A_414, %broadcast_in_dim3A_299 : vector<16xi32>
        %parallel_loop3A_420 = tpu.bitcast %parallel_loop3A_419 : vector<16xi32> -> vector<16xf32>
        %parallel_loop3A_421 = arith.index_cast %parallel_loop3A_380 : i32 to index
        %parallel_loop3A_422 = arith.constant 32 : index
        %parallel_loop3A_423 = tpu.vector_load %arg9[%parallel_loop3A_421, %parallel_loop3A_422] {strides = array<i32>} : memref<40x128xf32, #tpu.memory_space<vmem>>, vector<1x16xf32>,
        %parallel_loop3A_424 = vector.shape_cast %parallel_loop3A_423 : vector<1x16xf32> to vector<16xf32>
        %parallel_loop3A_425 = arith.mulf %parallel_loop3A_418, %parallel_loop3A_424 : vector<16xf32>
        %parallel_loop3A_426 = arith.index_cast %parallel_loop3A_380 : i32 to index
        %parallel_loop3A_427 = arith.constant 32 : index
        %parallel_loop3A_428 = tpu.vector_load %arg11[%parallel_loop3A_426, %parallel_loop3A_427] {strides = array<i32>} : memref<40x128xf32, #tpu.memory_space<vmem>>, vector<1x16xf32>,
        %parallel_loop3A_429 = vector.shape_cast %parallel_loop3A_428 : vector<1x16xf32> to vector<16xf32>
        %parallel_loop3A_430 = vector.shape_cast %parallel_loop3A_425 : vector<16xf32> to vector<1x16xf32>
        tpu.vector_store %arg11[%parallel_loop3A_426, %parallel_loop3A_427], %parallel_loop3A_430 {strides = array<i32>} : memref<40x128xf32, #tpu.memory_space<vmem>>, vector<1x16xf32>,
        %parallel_loop3A_431 = arith.index_cast %parallel_loop3A_380 : i32 to index
        %parallel_loop3A_432 = arith.constant 48 : index
        %parallel_loop3A_433 = tpu.vector_load %arg9[%parallel_loop3A_431, %parallel_loop3A_432] {strides = array<i32>} : memref<40x128xf32, #tpu.memory_space<vmem>>, vector<1x16xf32>,
        %parallel_loop3A_434 = vector.shape_cast %parallel_loop3A_433 : vector<1x16xf32> to vector<16xf32>
        %parallel_loop3A_435 = arith.mulf %parallel_loop3A_420, %parallel_loop3A_434 : vector<16xf32>
        %parallel_loop3A_436 = arith.index_cast %parallel_loop3A_380 : i32 to index
        %parallel_loop3A_437 = arith.constant 48 : index
        %parallel_loop3A_438 = tpu.vector_load %arg11[%parallel_loop3A_436, %parallel_loop3A_437] {strides = array<i32>} : memref<40x128xf32, #tpu.memory_space<vmem>>, vector<1x16xf32>,
        %parallel_loop3A_439 = vector.shape_cast %parallel_loop3A_438 : vector<1x16xf32> to vector<16xf32>
        %parallel_loop3A_440 = vector.shape_cast %parallel_loop3A_435 : vector<16xf32> to vector<1x16xf32>
        tpu.vector_store %arg11[%parallel_loop3A_436, %parallel_loop3A_437], %parallel_loop3A_440 {strides = array<i32>} : memref<40x128xf32, #tpu.memory_space<vmem>>, vector<1x16xf32>,
        %parallel_loop3A_441 = arith.index_cast %parallel_loop3A_380 : i32 to index
        %parallel_loop3A_442 = arith.constant 32 : index
        %parallel_loop3A_443 = tpu.vector_load %arg7[%parallel_loop3A_441, %parallel_loop3A_442] {strides = array<i32>} : memref<40x64xi32, #tpu.memory_space<vmem>>, vector<1x16xi32>,
        %parallel_loop3A_444 = vector.shape_cast %parallel_loop3A_443 : vector<1x16xi32> to vector<16xi32>
        %parallel_loop3A_445 = arith.constant 16 : i32
        %parallel_loop3A_446 = vector.broadcast %parallel_loop3A_445 : i32 to vector<16xi32>
        %parallel_loop3A_447 = arith.shli %parallel_loop3A_444, %parallel_loop3A_446 : vector<16xi32>
        %parallel_loop3A_448 = tpu.bitcast %parallel_loop3A_447 : vector<16xi32> -> vector<16xf32>
        %parallel_loop3A_449 = arith.andi %parallel_loop3A_444, %broadcast_in_dim3A_299 : vector<16xi32>
        %parallel_loop3A_450 = tpu.bitcast %parallel_loop3A_449 : vector<16xi32> -> vector<16xf32>
        %parallel_loop3A_451 = arith.index_cast %parallel_loop3A_380 : i32 to index
        %parallel_loop3A_452 = arith.constant 64 : index
        %parallel_loop3A_453 = tpu.vector_load %arg9[%parallel_loop3A_451, %parallel_loop3A_452] {strides = array<i32>} : memref<40x128xf32, #tpu.memory_space<vmem>>, vector<1x16xf32>,
        %parallel_loop3A_454 = vector.shape_cast %parallel_loop3A_453 : vector<1x16xf32> to vector<16xf32>
        %parallel_loop3A_455 = arith.mulf %parallel_loop3A_448, %parallel_loop3A_454 : vector<16xf32>
        %parallel_loop3A_456 = arith.index_cast %parallel_loop3A_380 : i32 to index
        %parallel_loop3A_457 = arith.constant 64 : index
        %parallel_loop3A_458 = tpu.vector_load %arg11[%parallel_loop3A_456, %parallel_loop3A_457] {strides = array<i32>} : memref<40x128xf32, #tpu.memory_space<vmem>>, vector<1x16xf32>,
        %parallel_loop3A_459 = vector.shape_cast %parallel_loop3A_458 : vector<1x16xf32> to vector<16xf32>
        %parallel_loop3A_460 = vector.shape_cast %parallel_loop3A_455 : vector<16xf32> to vector<1x16xf32>
        tpu.vector_store %arg11[%parallel_loop3A_456, %parallel_loop3A_457], %parallel_loop3A_460 {strides = array<i32>} : memref<40x128xf32, #tpu.memory_space<vmem>>, vector<1x16xf32>,
        %parallel_loop3A_461 = arith.index_cast %parallel_loop3A_380 : i32 to index
        %parallel_loop3A_462 = arith.constant 80 : index
        %parallel_loop3A_463 = tpu.vector_load %arg9[%parallel_loop3A_461, %parallel_loop3A_462] {strides = array<i32>} : memref<40x128xf32, #tpu.memory_space<vmem>>, vector<1x16xf32>,
        %parallel_loop3A_464 = vector.shape_cast %parallel_loop3A_463 : vector<1x16xf32> to vector<16xf32>
        %parallel_loop3A_465 = arith.mulf %parallel_loop3A_450, %parallel_loop3A_464 : vector<16xf32>
        %parallel_loop3A_466 = arith.index_cast %parallel_loop3A_380 : i32 to index
        %parallel_loop3A_467 = arith.constant 80 : index
        %parallel_loop3A_468 = tpu.vector_load %arg11[%parallel_loop3A_466, %parallel_loop3A_467] {strides = array<i32>} : memref<40x128xf32, #tpu.memory_space<vmem>>, vector<1x16xf32>,
        %parallel_loop3A_469 = vector.shape_cast %parallel_loop3A_468 : vector<1x16xf32> to vector<16xf32>
        %parallel_loop3A_470 = vector.shape_cast %parallel_loop3A_465 : vector<16xf32> to vector<1x16xf32>
        tpu.vector_store %arg11[%parallel_loop3A_466, %parallel_loop3A_467], %parallel_loop3A_470 {strides = array<i32>} : memref<40x128xf32, #tpu.memory_space<vmem>>, vector<1x16xf32>,
        %parallel_loop3A_471 = arith.index_cast %parallel_loop3A_380 : i32 to index
        %parallel_loop3A_472 = arith.constant 48 : index
        %parallel_loop3A_473 = tpu.vector_load %arg7[%parallel_loop3A_471, %parallel_loop3A_472] {strides = array<i32>} : memref<40x64xi32, #tpu.memory_space<vmem>>, vector<1x16xi32>,
        %parallel_loop3A_474 = vector.shape_cast %parallel_loop3A_473 : vector<1x16xi32> to vector<16xi32>
        %parallel_loop3A_475 = arith.constant 16 : i32
        %parallel_loop3A_476 = vector.broadcast %parallel_loop3A_475 : i32 to vector<16xi32>
        %parallel_loop3A_477 = arith.shli %parallel_loop3A_474, %parallel_loop3A_476 : vector<16xi32>
        %parallel_loop3A_478 = tpu.bitcast %parallel_loop3A_477 : vector<16xi32> -> vector<16xf32>
        %parallel_loop3A_479 = arith.andi %parallel_loop3A_474, %broadcast_in_dim3A_299 : vector<16xi32>
        %parallel_loop3A_480 = tpu.bitcast %parallel_loop3A_479 : vector<16xi32> -> vector<16xf32>
        %parallel_loop3A_481 = arith.index_cast %parallel_loop3A_380 : i32 to index
        %parallel_loop3A_482 = arith.constant 96 : index
        %parallel_loop3A_483 = tpu.vector_load %arg9[%parallel_loop3A_481, %parallel_loop3A_482] {strides = array<i32>} : memref<40x128xf32, #tpu.memory_space<vmem>>, vector<1x16xf32>,
        %parallel_loop3A_484 = vector.shape_cast %parallel_loop3A_483 : vector<1x16xf32> to vector<16xf32>
        %parallel_loop3A_485 = arith.mulf %parallel_loop3A_478, %parallel_loop3A_484 : vector<16xf32>
        %parallel_loop3A_486 = arith.index_cast %parallel_loop3A_380 : i32 to index
        %parallel_loop3A_487 = arith.constant 96 : index
        %parallel_loop3A_488 = tpu.vector_load %arg11[%parallel_loop3A_486, %parallel_loop3A_487] {strides = array<i32>} : memref<40x128xf32, #tpu.memory_space<vmem>>, vector<1x16xf32>,
        %parallel_loop3A_489 = vector.shape_cast %parallel_loop3A_488 : vector<1x16xf32> to vector<16xf32>
        %parallel_loop3A_490 = vector.shape_cast %parallel_loop3A_485 : vector<16xf32> to vector<1x16xf32>
        tpu.vector_store %arg11[%parallel_loop3A_486, %parallel_loop3A_487], %parallel_loop3A_490 {strides = array<i32>} : memref<40x128xf32, #tpu.memory_space<vmem>>, vector<1x16xf32>,
        %parallel_loop3A_491 = arith.index_cast %parallel_loop3A_380 : i32 to index
        %parallel_loop3A_492 = arith.constant 112 : index
        %parallel_loop3A_493 = tpu.vector_load %arg9[%parallel_loop3A_491, %parallel_loop3A_492] {strides = array<i32>} : memref<40x128xf32, #tpu.memory_space<vmem>>, vector<1x16xf32>,
        %parallel_loop3A_494 = vector.shape_cast %parallel_loop3A_493 : vector<1x16xf32> to vector<16xf32>
        %parallel_loop3A_495 = arith.mulf %parallel_loop3A_480, %parallel_loop3A_494 : vector<16xf32>
        %parallel_loop3A_496 = arith.index_cast %parallel_loop3A_380 : i32 to index
        %parallel_loop3A_497 = arith.constant 112 : index
        %parallel_loop3A_498 = tpu.vector_load %arg11[%parallel_loop3A_496, %parallel_loop3A_497] {strides = array<i32>} : memref<40x128xf32, #tpu.memory_space<vmem>>, vector<1x16xf32>,
        %parallel_loop3A_499 = vector.shape_cast %parallel_loop3A_498 : vector<1x16xf32> to vector<16xf32>
        %parallel_loop3A_500 = vector.shape_cast %parallel_loop3A_495 : vector<16xf32> to vector<1x16xf32>
        tpu.vector_store %arg11[%parallel_loop3A_496, %parallel_loop3A_497], %parallel_loop3A_500 {strides = array<i32>} : memref<40x128xf32, #tpu.memory_space<vmem>>, vector<1x16xf32>,
      } {sc.loop_unroll_factor = 4 : i64, sc.parallel_access}
      %gt3A = arith.constant 0 : i32
      %gt3A_302 = arith.cmpi sgt, %mul3A_285, %gt3A : i32
      %convert_element_type3A = arith.extui %gt3A_302 : i1 to i32
      %cond3A = arith.constant 0 : i32
      %cond3A_303 = arith.cmpi ne, %convert_element_type3A, %cond3A : i32
      scf.if %cond3A_303 {
        %dma_wait3A_380 = arith.constant 1 : i32
        %dma_wait3A_381 = arith.constant 0 : i32
        %dma_wait3A_382 = tpu.memref_slice %arg6[%dma_wait3A_380, %dma_wait3A_381] : memref<8x40xi32, #tpu.memory_space<vmem>> -> memref<1x40xi32, #tpu.memory_space<vmem>>
        %dma_wait3A_383 = tpu.memref_squeeze %dma_wait3A_382 : memref<1x40xi32, #tpu.memory_space<vmem>> -> memref<40xi32, #tpu.memory_space<vmem>>
        %dma_wait3A_384 = arith.constant 0 : i32
        %dma_wait3A_385 = arith.constant 0 : i32
        %dma_wait3A_386 = tpu.memref_slice %arg13[%dma_wait3A_384, %dma_wait3A_385] : memref<10240x128xf32, #tpu.memory_space<vmem_shared>> -> memref<10240x128xf32, #tpu.memory_space<vmem_shared>>
        tpu.wait_indirect_dma semaphore(%arg19 : memref<!tpu.dma_semaphore, #tpu.memory_space<semaphore_mem>>) src(%arg12 : memref<40x128xf32, #tpu.memory_space<vmem>>) dst(%dma_wait3A_386 : memref<10240x128xf32, #tpu.memory_space<vmem_shared>>)
      } else {
      }
      %rem3A_304 = arith.constant 4 : i32
      %rem3A_305 = arith.remsi %mul3A_285, %rem3A_304 : i32
      %mul3A_306 = arith.constant 2 : i32
      %mul3A_307 = arith.muli %rem3A_305, %mul3A_306 : i32
      %add3A_308 = arith.constant 1 : i32
      %add3A_309 = arith.addi %mul3A_307, %add3A_308 : i32
      %dma_start3A_310 = arith.constant 0 : i32
      %dma_start3A_311 = tpu.memref_slice %arg6[%add3A_309, %dma_start3A_310] : memref<8x40xi32, #tpu.memory_space<vmem>> -> memref<1x40xi32, #tpu.memory_space<vmem>>
      %dma_start3A_312 = tpu.memref_squeeze %dma_start3A_311 : memref<1x40xi32, #tpu.memory_space<vmem>> -> memref<40xi32, #tpu.memory_space<vmem>>
      %dma_start3A_313 = arith.constant 0 : i32
      %dma_start3A_314 = arith.constant 0 : i32
      %dma_start3A_315 = tpu.memref_slice %arg13[%dma_start3A_313, %dma_start3A_314] : memref<10240x128xf32, #tpu.memory_space<vmem_shared>> -> memref<10240x128xf32, #tpu.memory_space<vmem_shared>>
      tpu.enqueue_indirect_dma source(%arg11 : memref<40x128xf32, #tpu.memory_space<vmem>>) target(%dma_start3A_315 : memref<10240x128xf32, #tpu.memory_space<vmem_shared>>) offsets(%dma_start3A_312 : memref<40xi32, #tpu.memory_space<vmem>>) semaphore(%arg18 : memref<!tpu.dma_semaphore, #tpu.memory_space<semaphore_mem>>) {add = true}
      %add3A_316 = arith.constant 2 : i32
      %add3A_317 = arith.addi %mul3A_285, %add3A_316 : i32
      %lt3A = arith.constant 250 : i32
      %lt3A_318 = arith.cmpi slt, %add3A_317, %lt3A : i32
      %convert_element_type3A_319 = arith.extui %lt3A_318 : i1 to i32
      %cond3A_320 = arith.constant 0 : i32
      %cond3A_321 = arith.cmpi ne, %convert_element_type3A_319, %cond3A_320 : i32
      scf.if %cond3A_321 {
        %add3A_380 = arith.constant 2 : i32
        %add3A_381 = arith.addi %mul3A_285, %add3A_380 : i32
        %rem3A_382 = arith.constant 4 : i32
        %rem3A_383 = arith.remsi %add3A_381, %rem3A_382 : i32
        %mul3A_384 = arith.constant 2 : i32
        %mul3A_385 = arith.muli %rem3A_383, %mul3A_384 : i32
        %dma_wait3A_386 = arith.constant 0 : i32
        %dma_wait3A_387 = arith.constant 0 : i32
        %dma_wait3A_388 = tpu.memref_slice %arg6[%mul3A_385, %dma_wait3A_387] : memref<8x40xi32, #tpu.memory_space<vmem>> -> memref<2x40xi32, #tpu.memory_space<vmem>>
        %dma_wait3A_389 = arith.constant 0 : i32
        %dma_wait3A_390 = arith.constant 0 : i32
        %dma_wait3A_391 = tpu.memref_slice %arg2[%dma_wait3A_386, %dma_wait3A_389, %dma_wait3A_390] : memref<8000x2x40xi32, #tpu.memory_space<hbm>> -> memref<1x2x40xi32, #tpu.memory_space<hbm>>
        %dma_wait3A_392 = tpu.memref_squeeze %dma_wait3A_391 : memref<1x2x40xi32, #tpu.memory_space<hbm>> -> memref<2x40xi32, #tpu.memory_space<hbm>>
        %dma_wait3A_393 = arith.constant 0 : i32
        %dma_wait3A_394 = tpu.memref_slice %arg6[%mul3A_385, %dma_wait3A_393] : memref<8x40xi32, #tpu.memory_space<vmem>> -> memref<2x40xi32, #tpu.memory_space<vmem>>
        %dma_wait3A_395 = arith.constant 0 : i32
        %dma_wait3A_396 = arith.constant 0 : i32
        %dma_wait3A_397 = tpu.memref_slice %arg2[%dma_wait3A_386, %dma_wait3A_395, %dma_wait3A_396] : memref<8000x2x40xi32, #tpu.memory_space<hbm>> -> memref<1x2x40xi32, #tpu.memory_space<hbm>>
        %dma_wait3A_398 = tpu.memref_squeeze %dma_wait3A_397 : memref<1x2x40xi32, #tpu.memory_space<hbm>> -> memref<2x40xi32, #tpu.memory_space<hbm>>
        tpu.wait_dma2 semaphore(%arg20 : memref<!tpu.dma_semaphore, #tpu.memory_space<semaphore_mem>>) src(%dma_wait3A_398 : memref<2x40xi32, #tpu.memory_space<hbm>>) dst(%dma_wait3A_394 : memref<2x40xi32, #tpu.memory_space<vmem>>)
        %add3A_399 = arith.constant 2 : i32
        %add3A_400 = arith.addi %mul3A_285, %add3A_399 : i32
        %add3A_401 = arith.addi %mul3A_2, %add3A_400 : i32
        %mul3A_402 = arith.constant 40 : i32
        %mul3A_403 = arith.muli %add3A_401, %mul3A_402 : i32
        %dma_start3A_404 = arith.constant 0 : i32
        %dma_start3A_405 = tpu.memref_slice %arg3[%mul3A_403, %dma_start3A_404] : memref<320000x64xi32, #tpu.memory_space<hbm>> -> memref<40x64xi32, #tpu.memory_space<hbm>>
        %dma_start3A_406 = arith.constant 0 : i32
        %dma_start3A_407 = tpu.memref_slice %arg3[%mul3A_403, %dma_start3A_406] : memref<320000x64xi32, #tpu.memory_space<hbm>> -> memref<40x64xi32, #tpu.memory_space<hbm>>
        tpu.enqueue_dma source(%dma_start3A_407 : memref<40x64xi32, #tpu.memory_space<hbm>>) target(%arg7 : memref<40x64xi32, #tpu.memory_space<vmem>>) target_semaphore(%arg14 : memref<!tpu.dma_semaphore, #tpu.memory_space<semaphore_mem>>)
        %rem3A_408 = arith.constant 4 : i32
        %rem3A_409 = arith.remsi %add3A_400, %rem3A_408 : i32
        %mul3A_410 = arith.constant 2 : i32
        %mul3A_411 = arith.muli %rem3A_409, %mul3A_410 : i32
        %dma_start3A_412 = arith.constant 0 : i32
        %dma_start3A_413 = tpu.memref_slice %arg6[%mul3A_411, %dma_start3A_412] : memref<8x40xi32, #tpu.memory_space<vmem>> -> memref<1x40xi32, #tpu.memory_space<vmem>>
        %dma_start3A_414 = tpu.memref_squeeze %dma_start3A_413 : memref<1x40xi32, #tpu.memory_space<vmem>> -> memref<40xi32, #tpu.memory_space<vmem>>
        %dma_start3A_415 = arith.constant 0 : i32
        %dma_start3A_416 = arith.constant 0 : i32
        %dma_start3A_417 = tpu.memref_slice %arg4[%dma_start3A_415, %dma_start3A_416] : memref<10000x128xf32, #tpu.memory_space<hbm>> -> memref<10000x128xf32, #tpu.memory_space<hbm>>
        tpu.enqueue_indirect_dma source(%dma_start3A_417 : memref<10000x128xf32, #tpu.memory_space<hbm>>) target(%arg9 : memref<40x128xf32, #tpu.memory_space<vmem>>) offsets(%dma_start3A_414 : memref<40xi32, #tpu.memory_space<vmem>>) semaphore(%arg16 : memref<!tpu.dma_semaphore, #tpu.memory_space<semaphore_mem>>)
      } else {
      }
      %add3A_322 = arith.constant 4 : i32
      %add3A_323 = arith.addi %mul3A_285, %add3A_322 : i32
      %lt3A_324 = arith.constant 250 : i32
      %lt3A_325 = arith.cmpi slt, %add3A_323, %lt3A_324 : i32
      %convert_element_type3A_326 = arith.extui %lt3A_325 : i1 to i32
      %cond3A_327 = arith.constant 0 : i32
      %cond3A_328 = arith.cmpi ne, %convert_element_type3A_326, %cond3A_327 : i32
      scf.if %cond3A_328 {
        %add3A_380 = arith.constant 4 : i32
        %add3A_381 = arith.addi %mul3A_285, %add3A_380 : i32
        %add3A_382 = arith.addi %mul3A_2, %add3A_381 : i32
        %rem3A_383 = arith.constant 4 : i32
        %rem3A_384 = arith.remsi %add3A_381, %rem3A_383 : i32
        %mul3A_385 = arith.constant 2 : i32
        %mul3A_386 = arith.muli %rem3A_384, %mul3A_385 : i32
        %dma_start3A_387 = arith.constant 0 : i32
        %dma_start3A_388 = tpu.memref_slice %arg6[%mul3A_386, %dma_start3A_387] : memref<8x40xi32, #tpu.memory_space<vmem>> -> memref<2x40xi32, #tpu.memory_space<vmem>>
        %dma_start3A_389 = arith.constant 0 : i32
        %dma_start3A_390 = arith.constant 0 : i32
        %dma_start3A_391 = tpu.memref_slice %arg2[%add3A_382, %dma_start3A_389, %dma_start3A_390] : memref<8000x2x40xi32, #tpu.memory_space<hbm>> -> memref<1x2x40xi32, #tpu.memory_space<hbm>>
        %dma_start3A_392 = tpu.memref_squeeze %dma_start3A_391 : memref<1x2x40xi32, #tpu.memory_space<hbm>> -> memref<2x40xi32, #tpu.memory_space<hbm>>
        %dma_start3A_393 = arith.constant 0 : i32
        %dma_start3A_394 = tpu.memref_slice %arg6[%mul3A_386, %dma_start3A_393] : memref<8x40xi32, #tpu.memory_space<vmem>> -> memref<2x40xi32, #tpu.memory_space<vmem>>
        %dma_start3A_395 = arith.constant 0 : i32
        %dma_start3A_396 = arith.constant 0 : i32
        %dma_start3A_397 = tpu.memref_slice %arg2[%add3A_382, %dma_start3A_395, %dma_start3A_396] : memref<8000x2x40xi32, #tpu.memory_space<hbm>> -> memref<1x2x40xi32, #tpu.memory_space<hbm>>
        %dma_start3A_398 = tpu.memref_squeeze %dma_start3A_397 : memref<1x2x40xi32, #tpu.memory_space<hbm>> -> memref<2x40xi32, #tpu.memory_space<hbm>>
        tpu.enqueue_dma source(%dma_start3A_398 : memref<2x40xi32, #tpu.memory_space<hbm>>) target(%dma_start3A_394 : memref<2x40xi32, #tpu.memory_space<vmem>>) target_semaphore(%arg20 : memref<!tpu.dma_semaphore, #tpu.memory_space<semaphore_mem>>)
      } else {
      }
      %add3A_329 = arith.constant 1 : i32
      %add3A_330 = arith.addi %mul3A_285, %add3A_329 : i32
      %dma_wait3A_331 = arith.constant 0 : i32
      %dma_wait3A_332 = arith.constant 0 : i32
      %dma_wait3A_333 = tpu.memref_slice %arg3[%dma_wait3A_331, %dma_wait3A_332] : memref<320000x64xi32, #tpu.memory_space<hbm>> -> memref<40x64xi32, #tpu.memory_space<hbm>>
      %dma_wait3A_334 = arith.constant 0 : i32
      %dma_wait3A_335 = arith.constant 0 : i32
      %dma_wait3A_336 = tpu.memref_slice %arg3[%dma_wait3A_334, %dma_wait3A_335] : memref<320000x64xi32, #tpu.memory_space<hbm>> -> memref<40x64xi32, #tpu.memory_space<hbm>>
      tpu.wait_dma2 semaphore(%arg15 : memref<!tpu.dma_semaphore, #tpu.memory_space<semaphore_mem>>) src(%dma_wait3A_336 : memref<40x64xi32, #tpu.memory_space<hbm>>) dst(%arg8 : memref<40x64xi32, #tpu.memory_space<vmem>>)
      %dma_wait3A_337 = arith.constant 0 : i32
      %dma_wait3A_338 = arith.constant 0 : i32
      %dma_wait3A_339 = tpu.memref_slice %arg6[%dma_wait3A_337, %dma_wait3A_338] : memref<8x40xi32, #tpu.memory_space<vmem>> -> memref<1x40xi32, #tpu.memory_space<vmem>>
      %dma_wait3A_340 = tpu.memref_squeeze %dma_wait3A_339 : memref<1x40xi32, #tpu.memory_space<vmem>> -> memref<40xi32, #tpu.memory_space<vmem>>
      %dma_wait3A_341 = arith.constant 0 : i32
      %dma_wait3A_342 = arith.constant 0 : i32
      %dma_wait3A_343 = tpu.memref_slice %arg4[%dma_wait3A_341, %dma_wait3A_342] : memref<10000x128xf32, #tpu.memory_space<hbm>> -> memref<10000x128xf32, #tpu.memory_space<hbm>>
      tpu.wait_indirect_dma semaphore(%arg17 : memref<!tpu.dma_semaphore, #tpu.memory_space<semaphore_mem>>) src(%dma_wait3A_343 : memref<10000x128xf32, #tpu.memory_space<hbm>>) dst(%arg10 : memref<40x128xf32, #tpu.memory_space<vmem>>)
      %broadcast_in_dim3A_344 = arith.constant -65536 : i32
      %broadcast_in_dim3A_345 = vector.broadcast %broadcast_in_dim3A_344 : i32 to vector<16xi32>
      %parallel_loop3A_346 = arith.constant 0 : i32
      %parallel_loop3A_347 = arith.constant 40 : i32
      %parallel_loop3A_348 = arith.constant 1 : i32
      scf.for %parallel_loop3A_380 = %parallel_loop3A_346 to %parallel_loop3A_347 step %parallel_loop3A_348  : i32 {
        %parallel_loop3A_381 = arith.index_cast %parallel_loop3A_380 : i32 to index
        %parallel_loop3A_382 = arith.constant 0 : index
        %parallel_loop3A_383 = tpu.vector_load %arg8[%parallel_loop3A_381, %parallel_loop3A_382] {strides = array<i32>} : memref<40x64xi32, #tpu.memory_space<vmem>>, vector<1x16xi32>,
        %parallel_loop3A_384 = vector.shape_cast %parallel_loop3A_383 : vector<1x16xi32> to vector<16xi32>
        %parallel_loop3A_385 = arith.constant 16 : i32
        %parallel_loop3A_386 = vector.broadcast %parallel_loop3A_385 : i32 to vector<16xi32>
        %parallel_loop3A_387 = arith.shli %parallel_loop3A_384, %parallel_loop3A_386 : vector<16xi32>
        %parallel_loop3A_388 = tpu.bitcast %parallel_loop3A_387 : vector<16xi32> -> vector<16xf32>
        %parallel_loop3A_389 = arith.andi %parallel_loop3A_384, %broadcast_in_dim3A_345 : vector<16xi32>
        %parallel_loop3A_390 = tpu.bitcast %parallel_loop3A_389 : vector<16xi32> -> vector<16xf32>
        %parallel_loop3A_391 = arith.index_cast %parallel_loop3A_380 : i32 to index
        %parallel_loop3A_392 = arith.constant 0 : index
        %parallel_loop3A_393 = tpu.vector_load %arg10[%parallel_loop3A_391, %parallel_loop3A_392] {strides = array<i32>} : memref<40x128xf32, #tpu.memory_space<vmem>>, vector<1x16xf32>,
        %parallel_loop3A_394 = vector.shape_cast %parallel_loop3A_393 : vector<1x16xf32> to vector<16xf32>
        %parallel_loop3A_395 = arith.mulf %parallel_loop3A_388, %parallel_loop3A_394 : vector<16xf32>
        %parallel_loop3A_396 = arith.index_cast %parallel_loop3A_380 : i32 to index
        %parallel_loop3A_397 = arith.constant 0 : index
        %parallel_loop3A_398 = tpu.vector_load %arg12[%parallel_loop3A_396, %parallel_loop3A_397] {strides = array<i32>} : memref<40x128xf32, #tpu.memory_space<vmem>>, vector<1x16xf32>,
        %parallel_loop3A_399 = vector.shape_cast %parallel_loop3A_398 : vector<1x16xf32> to vector<16xf32>
        %parallel_loop3A_400 = vector.shape_cast %parallel_loop3A_395 : vector<16xf32> to vector<1x16xf32>
        tpu.vector_store %arg12[%parallel_loop3A_396, %parallel_loop3A_397], %parallel_loop3A_400 {strides = array<i32>} : memref<40x128xf32, #tpu.memory_space<vmem>>, vector<1x16xf32>,
        %parallel_loop3A_401 = arith.index_cast %parallel_loop3A_380 : i32 to index
        %parallel_loop3A_402 = arith.constant 16 : index
        %parallel_loop3A_403 = tpu.vector_load %arg10[%parallel_loop3A_401, %parallel_loop3A_402] {strides = array<i32>} : memref<40x128xf32, #tpu.memory_space<vmem>>, vector<1x16xf32>,
        %parallel_loop3A_404 = vector.shape_cast %parallel_loop3A_403 : vector<1x16xf32> to vector<16xf32>
        %parallel_loop3A_405 = arith.mulf %parallel_loop3A_390, %parallel_loop3A_404 : vector<16xf32>
        %parallel_loop3A_406 = arith.index_cast %parallel_loop3A_380 : i32 to index
        %parallel_loop3A_407 = arith.constant 16 : index
        %parallel_loop3A_408 = tpu.vector_load %arg12[%parallel_loop3A_406, %parallel_loop3A_407] {strides = array<i32>} : memref<40x128xf32, #tpu.memory_space<vmem>>, vector<1x16xf32>,
        %parallel_loop3A_409 = vector.shape_cast %parallel_loop3A_408 : vector<1x16xf32> to vector<16xf32>
        %parallel_loop3A_410 = vector.shape_cast %parallel_loop3A_405 : vector<16xf32> to vector<1x16xf32>
        tpu.vector_store %arg12[%parallel_loop3A_406, %parallel_loop3A_407], %parallel_loop3A_410 {strides = array<i32>} : memref<40x128xf32, #tpu.memory_space<vmem>>, vector<1x16xf32>,
        %parallel_loop3A_411 = arith.index_cast %parallel_loop3A_380 : i32 to index
        %parallel_loop3A_412 = arith.constant 16 : index
        %parallel_loop3A_413 = tpu.vector_load %arg8[%parallel_loop3A_411, %parallel_loop3A_412] {strides = array<i32>} : memref<40x64xi32, #tpu.memory_space<vmem>>, vector<1x16xi32>,
        %parallel_loop3A_414 = vector.shape_cast %parallel_loop3A_413 : vector<1x16xi32> to vector<16xi32>
        %parallel_loop3A_415 = arith.constant 16 : i32
        %parallel_loop3A_416 = vector.broadcast %parallel_loop3A_415 : i32 to vector<16xi32>
        %parallel_loop3A_417 = arith.shli %parallel_loop3A_414, %parallel_loop3A_416 : vector<16xi32>
        %parallel_loop3A_418 = tpu.bitcast %parallel_loop3A_417 : vector<16xi32> -> vector<16xf32>
        %parallel_loop3A_419 = arith.andi %parallel_loop3A_414, %broadcast_in_dim3A_345 : vector<16xi32>
        %parallel_loop3A_420 = tpu.bitcast %parallel_loop3A_419 : vector<16xi32> -> vector<16xf32>
        %parallel_loop3A_421 = arith.index_cast %parallel_loop3A_380 : i32 to index
        %parallel_loop3A_422 = arith.constant 32 : index
        %parallel_loop3A_423 = tpu.vector_load %arg10[%parallel_loop3A_421, %parallel_loop3A_422] {strides = array<i32>} : memref<40x128xf32, #tpu.memory_space<vmem>>, vector<1x16xf32>,
        %parallel_loop3A_424 = vector.shape_cast %parallel_loop3A_423 : vector<1x16xf32> to vector<16xf32>
        %parallel_loop3A_425 = arith.mulf %parallel_loop3A_418, %parallel_loop3A_424 : vector<16xf32>
        %parallel_loop3A_426 = arith.index_cast %parallel_loop3A_380 : i32 to index
        %parallel_loop3A_427 = arith.constant 32 : index
        %parallel_loop3A_428 = tpu.vector_load %arg12[%parallel_loop3A_426, %parallel_loop3A_427] {strides = array<i32>} : memref<40x128xf32, #tpu.memory_space<vmem>>, vector<1x16xf32>,
        %parallel_loop3A_429 = vector.shape_cast %parallel_loop3A_428 : vector<1x16xf32> to vector<16xf32>
        %parallel_loop3A_430 = vector.shape_cast %parallel_loop3A_425 : vector<16xf32> to vector<1x16xf32>
        tpu.vector_store %arg12[%parallel_loop3A_426, %parallel_loop3A_427], %parallel_loop3A_430 {strides = array<i32>} : memref<40x128xf32, #tpu.memory_space<vmem>>, vector<1x16xf32>,
        %parallel_loop3A_431 = arith.index_cast %parallel_loop3A_380 : i32 to index
        %parallel_loop3A_432 = arith.constant 48 : index
        %parallel_loop3A_433 = tpu.vector_load %arg10[%parallel_loop3A_431, %parallel_loop3A_432] {strides = array<i32>} : memref<40x128xf32, #tpu.memory_space<vmem>>, vector<1x16xf32>,
        %parallel_loop3A_434 = vector.shape_cast %parallel_loop3A_433 : vector<1x16xf32> to vector<16xf32>
        %parallel_loop3A_435 = arith.mulf %parallel_loop3A_420, %parallel_loop3A_434 : vector<16xf32>
        %parallel_loop3A_436 = arith.index_cast %parallel_loop3A_380 : i32 to index
        %parallel_loop3A_437 = arith.constant 48 : index
        %parallel_loop3A_438 = tpu.vector_load %arg12[%parallel_loop3A_436, %parallel_loop3A_437] {strides = array<i32>} : memref<40x128xf32, #tpu.memory_space<vmem>>, vector<1x16xf32>,
        %parallel_loop3A_439 = vector.shape_cast %parallel_loop3A_438 : vector<1x16xf32> to vector<16xf32>
        %parallel_loop3A_440 = vector.shape_cast %parallel_loop3A_435 : vector<16xf32> to vector<1x16xf32>
        tpu.vector_store %arg12[%parallel_loop3A_436, %parallel_loop3A_437], %parallel_loop3A_440 {strides = array<i32>} : memref<40x128xf32, #tpu.memory_space<vmem>>, vector<1x16xf32>,
        %parallel_loop3A_441 = arith.index_cast %parallel_loop3A_380 : i32 to index
        %parallel_loop3A_442 = arith.constant 32 : index
        %parallel_loop3A_443 = tpu.vector_load %arg8[%parallel_loop3A_441, %parallel_loop3A_442] {strides = array<i32>} : memref<40x64xi32, #tpu.memory_space<vmem>>, vector<1x16xi32>,
        %parallel_loop3A_444 = vector.shape_cast %parallel_loop3A_443 : vector<1x16xi32> to vector<16xi32>
        %parallel_loop3A_445 = arith.constant 16 : i32
        %parallel_loop3A_446 = vector.broadcast %parallel_loop3A_445 : i32 to vector<16xi32>
        %parallel_loop3A_447 = arith.shli %parallel_loop3A_444, %parallel_loop3A_446 : vector<16xi32>
        %parallel_loop3A_448 = tpu.bitcast %parallel_loop3A_447 : vector<16xi32> -> vector<16xf32>
        %parallel_loop3A_449 = arith.andi %parallel_loop3A_444, %broadcast_in_dim3A_345 : vector<16xi32>
        %parallel_loop3A_450 = tpu.bitcast %parallel_loop3A_449 : vector<16xi32> -> vector<16xf32>
        %parallel_loop3A_451 = arith.index_cast %parallel_loop3A_380 : i32 to index
        %parallel_loop3A_452 = arith.constant 64 : index
        %parallel_loop3A_453 = tpu.vector_load %arg10[%parallel_loop3A_451, %parallel_loop3A_452] {strides = array<i32>} : memref<40x128xf32, #tpu.memory_space<vmem>>, vector<1x16xf32>,
        %parallel_loop3A_454 = vector.shape_cast %parallel_loop3A_453 : vector<1x16xf32> to vector<16xf32>
        %parallel_loop3A_455 = arith.mulf %parallel_loop3A_448, %parallel_loop3A_454 : vector<16xf32>
        %parallel_loop3A_456 = arith.index_cast %parallel_loop3A_380 : i32 to index
        %parallel_loop3A_457 = arith.constant 64 : index
        %parallel_loop3A_458 = tpu.vector_load %arg12[%parallel_loop3A_456, %parallel_loop3A_457] {strides = array<i32>} : memref<40x128xf32, #tpu.memory_space<vmem>>, vector<1x16xf32>,
        %parallel_loop3A_459 = vector.shape_cast %parallel_loop3A_458 : vector<1x16xf32> to vector<16xf32>
        %parallel_loop3A_460 = vector.shape_cast %parallel_loop3A_455 : vector<16xf32> to vector<1x16xf32>
        tpu.vector_store %arg12[%parallel_loop3A_456, %parallel_loop3A_457], %parallel_loop3A_460 {strides = array<i32>} : memref<40x128xf32, #tpu.memory_space<vmem>>, vector<1x16xf32>,
        %parallel_loop3A_461 = arith.index_cast %parallel_loop3A_380 : i32 to index
        %parallel_loop3A_462 = arith.constant 80 : index
        %parallel_loop3A_463 = tpu.vector_load %arg10[%parallel_loop3A_461, %parallel_loop3A_462] {strides = array<i32>} : memref<40x128xf32, #tpu.memory_space<vmem>>, vector<1x16xf32>,
        %parallel_loop3A_464 = vector.shape_cast %parallel_loop3A_463 : vector<1x16xf32> to vector<16xf32>
        %parallel_loop3A_465 = arith.mulf %parallel_loop3A_450, %parallel_loop3A_464 : vector<16xf32>
        %parallel_loop3A_466 = arith.index_cast %parallel_loop3A_380 : i32 to index
        %parallel_loop3A_467 = arith.constant 80 : index
        %parallel_loop3A_468 = tpu.vector_load %arg12[%parallel_loop3A_466, %parallel_loop3A_467] {strides = array<i32>} : memref<40x128xf32, #tpu.memory_space<vmem>>, vector<1x16xf32>,
        %parallel_loop3A_469 = vector.shape_cast %parallel_loop3A_468 : vector<1x16xf32> to vector<16xf32>
        %parallel_loop3A_470 = vector.shape_cast %parallel_loop3A_465 : vector<16xf32> to vector<1x16xf32>
        tpu.vector_store %arg12[%parallel_loop3A_466, %parallel_loop3A_467], %parallel_loop3A_470 {strides = array<i32>} : memref<40x128xf32, #tpu.memory_space<vmem>>, vector<1x16xf32>,
        %parallel_loop3A_471 = arith.index_cast %parallel_loop3A_380 : i32 to index
        %parallel_loop3A_472 = arith.constant 48 : index
        %parallel_loop3A_473 = tpu.vector_load %arg8[%parallel_loop3A_471, %parallel_loop3A_472] {strides = array<i32>} : memref<40x64xi32, #tpu.memory_space<vmem>>, vector<1x16xi32>,
        %parallel_loop3A_474 = vector.shape_cast %parallel_loop3A_473 : vector<1x16xi32> to vector<16xi32>
        %parallel_loop3A_475 = arith.constant 16 : i32
        %parallel_loop3A_476 = vector.broadcast %parallel_loop3A_475 : i32 to vector<16xi32>
        %parallel_loop3A_477 = arith.shli %parallel_loop3A_474, %parallel_loop3A_476 : vector<16xi32>
        %parallel_loop3A_478 = tpu.bitcast %parallel_loop3A_477 : vector<16xi32> -> vector<16xf32>
        %parallel_loop3A_479 = arith.andi %parallel_loop3A_474, %broadcast_in_dim3A_345 : vector<16xi32>
        %parallel_loop3A_480 = tpu.bitcast %parallel_loop3A_479 : vector<16xi32> -> vector<16xf32>
        %parallel_loop3A_481 = arith.index_cast %parallel_loop3A_380 : i32 to index
        %parallel_loop3A_482 = arith.constant 96 : index
        %parallel_loop3A_483 = tpu.vector_load %arg10[%parallel_loop3A_481, %parallel_loop3A_482] {strides = array<i32>} : memref<40x128xf32, #tpu.memory_space<vmem>>, vector<1x16xf32>,
        %parallel_loop3A_484 = vector.shape_cast %parallel_loop3A_483 : vector<1x16xf32> to vector<16xf32>
        %parallel_loop3A_485 = arith.mulf %parallel_loop3A_478, %parallel_loop3A_484 : vector<16xf32>
        %parallel_loop3A_486 = arith.index_cast %parallel_loop3A_380 : i32 to index
        %parallel_loop3A_487 = arith.constant 96 : index
        %parallel_loop3A_488 = tpu.vector_load %arg12[%parallel_loop3A_486, %parallel_loop3A_487] {strides = array<i32>} : memref<40x128xf32, #tpu.memory_space<vmem>>, vector<1x16xf32>,
        %parallel_loop3A_489 = vector.shape_cast %parallel_loop3A_488 : vector<1x16xf32> to vector<16xf32>
        %parallel_loop3A_490 = vector.shape_cast %parallel_loop3A_485 : vector<16xf32> to vector<1x16xf32>
        tpu.vector_store %arg12[%parallel_loop3A_486, %parallel_loop3A_487], %parallel_loop3A_490 {strides = array<i32>} : memref<40x128xf32, #tpu.memory_space<vmem>>, vector<1x16xf32>,
        %parallel_loop3A_491 = arith.index_cast %parallel_loop3A_380 : i32 to index
        %parallel_loop3A_492 = arith.constant 112 : index
        %parallel_loop3A_493 = tpu.vector_load %arg10[%parallel_loop3A_491, %parallel_loop3A_492] {strides = array<i32>} : memref<40x128xf32, #tpu.memory_space<vmem>>, vector<1x16xf32>,
        %parallel_loop3A_494 = vector.shape_cast %parallel_loop3A_493 : vector<1x16xf32> to vector<16xf32>
        %parallel_loop3A_495 = arith.mulf %parallel_loop3A_480, %parallel_loop3A_494 : vector<16xf32>
        %parallel_loop3A_496 = arith.index_cast %parallel_loop3A_380 : i32 to index
        %parallel_loop3A_497 = arith.constant 112 : index
        %parallel_loop3A_498 = tpu.vector_load %arg12[%parallel_loop3A_496, %parallel_loop3A_497] {strides = array<i32>} : memref<40x128xf32, #tpu.memory_space<vmem>>, vector<1x16xf32>,
        %parallel_loop3A_499 = vector.shape_cast %parallel_loop3A_498 : vector<1x16xf32> to vector<16xf32>
        %parallel_loop3A_500 = vector.shape_cast %parallel_loop3A_495 : vector<16xf32> to vector<1x16xf32>
        tpu.vector_store %arg12[%parallel_loop3A_496, %parallel_loop3A_497], %parallel_loop3A_500 {strides = array<i32>} : memref<40x128xf32, #tpu.memory_space<vmem>>, vector<1x16xf32>,
      } {sc.loop_unroll_factor = 4 : i64, sc.parallel_access}
      %gt3A_349 = arith.constant 0 : i32
      %gt3A_350 = arith.cmpi sgt, %add3A_330, %gt3A_349 : i32
      %convert_element_type3A_351 = arith.extui %gt3A_350 : i1 to i32
      %cond3A_352 = arith.constant 0 : i32
      %cond3A_353 = arith.cmpi ne, %convert_element_type3A_351, %cond3A_352 : i32
      scf.if %cond3A_353 {
        %dma_wait3A_380 = arith.constant 1 : i32
        %dma_wait3A_381 = arith.constant 0 : i32
        %dma_wait3A_382 = tpu.memref_slice %arg6[%dma_wait3A_380, %dma_wait3A_381] : memref<8x40xi32, #tpu.memory_space<vmem>> -> memref<1x40xi32, #tpu.memory_space<vmem>>
        %dma_wait3A_383 = tpu.memref_squeeze %dma_wait3A_382 : memref<1x40xi32, #tpu.memory_space<vmem>> -> memref<40xi32, #tpu.memory_space<vmem>>
        %dma_wait3A_384 = arith.constant 0 : i32
        %dma_wait3A_385 = arith.constant 0 : i32
        %dma_wait3A_386 = tpu.memref_slice %arg13[%dma_wait3A_384, %dma_wait3A_385] : memref<10240x128xf32, #tpu.memory_space<vmem_shared>> -> memref<10240x128xf32, #tpu.memory_space<vmem_shared>>
        tpu.wait_indirect_dma semaphore(%arg18 : memref<!tpu.dma_semaphore, #tpu.memory_space<semaphore_mem>>) src(%arg11 : memref<40x128xf32, #tpu.memory_space<vmem>>) dst(%dma_wait3A_386 : memref<10240x128xf32, #tpu.memory_space<vmem_shared>>)
      } else {
      }
      %rem3A_354 = arith.constant 4 : i32
      %rem3A_355 = arith.remsi %add3A_330, %rem3A_354 : i32
      %mul3A_356 = arith.constant 2 : i32
      %mul3A_357 = arith.muli %rem3A_355, %mul3A_356 : i32
      %add3A_358 = arith.constant 1 : i32
      %add3A_359 = arith.addi %mul3A_357, %add3A_358 : i32
      %dma_start3A_360 = arith.constant 0 : i32
      %dma_start3A_361 = tpu.memref_slice %arg6[%add3A_359, %dma_start3A_360] : memref<8x40xi32, #tpu.memory_space<vmem>> -> memref<1x40xi32, #tpu.memory_space<vmem>>
      %dma_start3A_362 = tpu.memref_squeeze %dma_start3A_361 : memref<1x40xi32, #tpu.memory_space<vmem>> -> memref<40xi32, #tpu.memory_space<vmem>>
      %dma_start3A_363 = arith.constant 0 : i32
      %dma_start3A_364 = arith.constant 0 : i32
      %dma_start3A_365 = tpu.memref_slice %arg13[%dma_start3A_363, %dma_start3A_364] : memref<10240x128xf32, #tpu.memory_space<vmem_shared>> -> memref<10240x128xf32, #tpu.memory_space<vmem_shared>>
      tpu.enqueue_indirect_dma source(%arg12 : memref<40x128xf32, #tpu.memory_space<vmem>>) target(%dma_start3A_365 : memref<10240x128xf32, #tpu.memory_space<vmem_shared>>) offsets(%dma_start3A_362 : memref<40xi32, #tpu.memory_space<vmem>>) semaphore(%arg19 : memref<!tpu.dma_semaphore, #tpu.memory_space<semaphore_mem>>) {add = true}
      %add3A_366 = arith.constant 2 : i32
      %add3A_367 = arith.addi %add3A_330, %add3A_366 : i32
      %lt3A_368 = arith.constant 250 : i32
      %lt3A_369 = arith.cmpi slt, %add3A_367, %lt3A_368 : i32
      %convert_element_type3A_370 = arith.extui %lt3A_369 : i1 to i32
      %cond3A_371 = arith.constant 0 : i32
      %cond3A_372 = arith.cmpi ne, %convert_element_type3A_370, %cond3A_371 : i32
      scf.if %cond3A_372 {
        %add3A_380 = arith.constant 2 : i32
        %add3A_381 = arith.addi %add3A_330, %add3A_380 : i32
        %rem3A_382 = arith.constant 4 : i32
        %rem3A_383 = arith.remsi %add3A_381, %rem3A_382 : i32
        %mul3A_384 = arith.constant 2 : i32
        %mul3A_385 = arith.muli %rem3A_383, %mul3A_384 : i32
        %dma_wait3A_386 = arith.constant 0 : i32
        %dma_wait3A_387 = arith.constant 0 : i32
        %dma_wait3A_388 = tpu.memref_slice %arg6[%mul3A_385, %dma_wait3A_387] : memref<8x40xi32, #tpu.memory_space<vmem>> -> memref<2x40xi32, #tpu.memory_space<vmem>>
        %dma_wait3A_389 = arith.constant 0 : i32
        %dma_wait3A_390 = arith.constant 0 : i32
        %dma_wait3A_391 = tpu.memref_slice %arg2[%dma_wait3A_386, %dma_wait3A_389, %dma_wait3A_390] : memref<8000x2x40xi32, #tpu.memory_space<hbm>> -> memref<1x2x40xi32, #tpu.memory_space<hbm>>
        %dma_wait3A_392 = tpu.memref_squeeze %dma_wait3A_391 : memref<1x2x40xi32, #tpu.memory_space<hbm>> -> memref<2x40xi32, #tpu.memory_space<hbm>>
        %dma_wait3A_393 = arith.constant 0 : i32
        %dma_wait3A_394 = tpu.memref_slice %arg6[%mul3A_385, %dma_wait3A_393] : memref<8x40xi32, #tpu.memory_space<vmem>> -> memref<2x40xi32, #tpu.memory_space<vmem>>
        %dma_wait3A_395 = arith.constant 0 : i32
        %dma_wait3A_396 = arith.constant 0 : i32
        %dma_wait3A_397 = tpu.memref_slice %arg2[%dma_wait3A_386, %dma_wait3A_395, %dma_wait3A_396] : memref<8000x2x40xi32, #tpu.memory_space<hbm>> -> memref<1x2x40xi32, #tpu.memory_space<hbm>>
        %dma_wait3A_398 = tpu.memref_squeeze %dma_wait3A_397 : memref<1x2x40xi32, #tpu.memory_space<hbm>> -> memref<2x40xi32, #tpu.memory_space<hbm>>
        tpu.wait_dma2 semaphore(%arg21 : memref<!tpu.dma_semaphore, #tpu.memory_space<semaphore_mem>>) src(%dma_wait3A_398 : memref<2x40xi32, #tpu.memory_space<hbm>>) dst(%dma_wait3A_394 : memref<2x40xi32, #tpu.memory_space<vmem>>)
        %add3A_399 = arith.constant 2 : i32
        %add3A_400 = arith.addi %add3A_330, %add3A_399 : i32
        %add3A_401 = arith.addi %mul3A_2, %add3A_400 : i32
        %mul3A_402 = arith.constant 40 : i32
        %mul3A_403 = arith.muli %add3A_401, %mul3A_402 : i32
        %dma_start3A_404 = arith.constant 0 : i32
        %dma_start3A_405 = tpu.memref_slice %arg3[%mul3A_403, %dma_start3A_404] : memref<320000x64xi32, #tpu.memory_space<hbm>> -> memref<40x64xi32, #tpu.memory_space<hbm>>
        %dma_start3A_406 = arith.constant 0 : i32
        %dma_start3A_407 = tpu.memref_slice %arg3[%mul3A_403, %dma_start3A_406] : memref<320000x64xi32, #tpu.memory_space<hbm>> -> memref<40x64xi32, #tpu.memory_space<hbm>>
        tpu.enqueue_dma source(%dma_start3A_407 : memref<40x64xi32, #tpu.memory_space<hbm>>) target(%arg8 : memref<40x64xi32, #tpu.memory_space<vmem>>) target_semaphore(%arg15 : memref<!tpu.dma_semaphore, #tpu.memory_space<semaphore_mem>>)
        %rem3A_408 = arith.constant 4 : i32
        %rem3A_409 = arith.remsi %add3A_400, %rem3A_408 : i32
        %mul3A_410 = arith.constant 2 : i32
        %mul3A_411 = arith.muli %rem3A_409, %mul3A_410 : i32
        %dma_start3A_412 = arith.constant 0 : i32
        %dma_start3A_413 = tpu.memref_slice %arg6[%mul3A_411, %dma_start3A_412] : memref<8x40xi32, #tpu.memory_space<vmem>> -> memref<1x40xi32, #tpu.memory_space<vmem>>
        %dma_start3A_414 = tpu.memref_squeeze %dma_start3A_413 : memref<1x40xi32, #tpu.memory_space<vmem>> -> memref<40xi32, #tpu.memory_space<vmem>>
        %dma_start3A_415 = arith.constant 0 : i32
        %dma_start3A_416 = arith.constant 0 : i32
        %dma_start3A_417 = tpu.memref_slice %arg4[%dma_start3A_415, %dma_start3A_416] : memref<10000x128xf32, #tpu.memory_space<hbm>> -> memref<10000x128xf32, #tpu.memory_space<hbm>>
        tpu.enqueue_indirect_dma source(%dma_start3A_417 : memref<10000x128xf32, #tpu.memory_space<hbm>>) target(%arg10 : memref<40x128xf32, #tpu.memory_space<vmem>>) offsets(%dma_start3A_414 : memref<40xi32, #tpu.memory_space<vmem>>) semaphore(%arg17 : memref<!tpu.dma_semaphore, #tpu.memory_space<semaphore_mem>>)
      } else {
      }
      %add3A_373 = arith.constant 4 : i32
      %add3A_374 = arith.addi %add3A_330, %add3A_373 : i32
      %lt3A_375 = arith.constant 250 : i32
      %lt3A_376 = arith.cmpi slt, %add3A_374, %lt3A_375 : i32
      %convert_element_type3A_377 = arith.extui %lt3A_376 : i1 to i32
      %cond3A_378 = arith.constant 0 : i32
      %cond3A_379 = arith.cmpi ne, %convert_element_type3A_377, %cond3A_378 : i32
      scf.if %cond3A_379 {
        %add3A_380 = arith.constant 4 : i32
        %add3A_381 = arith.addi %add3A_330, %add3A_380 : i32
        %add3A_382 = arith.addi %mul3A_2, %add3A_381 : i32
        %rem3A_383 = arith.constant 4 : i32
        %rem3A_384 = arith.remsi %add3A_381, %rem3A_383 : i32
        %mul3A_385 = arith.constant 2 : i32
        %mul3A_386 = arith.muli %rem3A_384, %mul3A_385 : i32
        %dma_start3A_387 = arith.constant 0 : i32
        %dma_start3A_388 = tpu.memref_slice %arg6[%mul3A_386, %dma_start3A_387] : memref<8x40xi32, #tpu.memory_space<vmem>> -> memref<2x40xi32, #tpu.memory_space<vmem>>
        %dma_start3A_389 = arith.constant 0 : i32
        %dma_start3A_390 = arith.constant 0 : i32
        %dma_start3A_391 = tpu.memref_slice %arg2[%add3A_382, %dma_start3A_389, %dma_start3A_390] : memref<8000x2x40xi32, #tpu.memory_space<hbm>> -> memref<1x2x40xi32, #tpu.memory_space<hbm>>
        %dma_start3A_392 = tpu.memref_squeeze %dma_start3A_391 : memref<1x2x40xi32, #tpu.memory_space<hbm>> -> memref<2x40xi32, #tpu.memory_space<hbm>>
        %dma_start3A_393 = arith.constant 0 : i32
        %dma_start3A_394 = tpu.memref_slice %arg6[%mul3A_386, %dma_start3A_393] : memref<8x40xi32, #tpu.memory_space<vmem>> -> memref<2x40xi32, #tpu.memory_space<vmem>>
        %dma_start3A_395 = arith.constant 0 : i32
        %dma_start3A_396 = arith.constant 0 : i32
        %dma_start3A_397 = tpu.memref_slice %arg2[%add3A_382, %dma_start3A_395, %dma_start3A_396] : memref<8000x2x40xi32, #tpu.memory_space<hbm>> -> memref<1x2x40xi32, #tpu.memory_space<hbm>>
        %dma_start3A_398 = tpu.memref_squeeze %dma_start3A_397 : memref<1x2x40xi32, #tpu.memory_space<hbm>> -> memref<2x40xi32, #tpu.memory_space<hbm>>
        tpu.enqueue_dma source(%dma_start3A_398 : memref<2x40xi32, #tpu.memory_space<hbm>>) target(%dma_start3A_394 : memref<2x40xi32, #tpu.memory_space<vmem>>) target_semaphore(%arg21 : memref<!tpu.dma_semaphore, #tpu.memory_space<semaphore_mem>>)
      } else {
      }
    }
    %scan3A_163 = arith.constant 125 : i32
    %dma_wait3A = arith.constant 1 : i32
    %dma_wait3A_164 = arith.constant 0 : i32
    %dma_wait3A_165 = tpu.memref_slice %arg6[%dma_wait3A, %dma_wait3A_164] : memref<8x40xi32, #tpu.memory_space<vmem>> -> memref<1x40xi32, #tpu.memory_space<vmem>>
    %dma_wait3A_166 = tpu.memref_squeeze %dma_wait3A_165 : memref<1x40xi32, #tpu.memory_space<vmem>> -> memref<40xi32, #tpu.memory_space<vmem>>
    %dma_wait3A_167 = arith.constant 0 : i32
    %dma_wait3A_168 = arith.constant 0 : i32
    %dma_wait3A_169 = tpu.memref_slice %arg13[%dma_wait3A_167, %dma_wait3A_168] : memref<10240x128xf32, #tpu.memory_space<vmem_shared>> -> memref<10240x128xf32, #tpu.memory_space<vmem_shared>>
    tpu.wait_indirect_dma semaphore(%arg19 : memref<!tpu.dma_semaphore, #tpu.memory_space<semaphore_mem>>) src(%arg12 : memref<40x128xf32, #tpu.memory_space<vmem>>) dst(%dma_wait3A_169 : memref<10240x128xf32, #tpu.memory_space<vmem_shared>>)
    %barrier3A_170 = arith.constant 0 : index
    tpu.barrier barrier_id(%barrier3A_170)
    %mul3A_171 = arith.constant 640 : i32
    %mul3A_172 = arith.muli %arg1, %mul3A_171 : i32
    %add3A_173 = arith.constant 0 : i32
    %add3A_174 = arith.addi %mul3A_172, %add3A_173 : i32
    "tpu.region"() ({
      %run_scoped3A = tpu.sem_alloc : memref<!tpu.dma_semaphore, #tpu.memory_space<semaphore_mem>>
      %dma_start3A_283 = arith.constant 0 : i32
      %dma_start3A_284 = tpu.memref_slice %arg13[%add3A_174, %dma_start3A_283] : memref<10240x128xf32, #tpu.memory_space<vmem_shared>> -> memref<40x128xf32, #tpu.memory_space<vmem_shared>>
      %dma_start3A_285 = arith.constant 0 : i32
      %dma_start3A_286 = tpu.memref_slice %arg13[%add3A_174, %dma_start3A_285] : memref<10240x128xf32, #tpu.memory_space<vmem_shared>> -> memref<40x128xf32, #tpu.memory_space<vmem_shared>>
      tpu.enqueue_dma source(%dma_start3A_286 : memref<40x128xf32, #tpu.memory_space<vmem_shared>>) target(%arg11 : memref<40x128xf32, #tpu.memory_space<vmem>>) target_semaphore(%run_scoped3A : memref<!tpu.dma_semaphore, #tpu.memory_space<semaphore_mem>>)
      %dma_wait3A_287 = arith.constant 0 : i32
      %dma_wait3A_288 = tpu.memref_slice %arg13[%add3A_174, %dma_wait3A_287] : memref<10240x128xf32, #tpu.memory_space<vmem_shared>> -> memref<40x128xf32, #tpu.memory_space<vmem_shared>>
      %dma_wait3A_289 = arith.constant 0 : i32
      %dma_wait3A_290 = tpu.memref_slice %arg13[%add3A_174, %dma_wait3A_289] : memref<10240x128xf32, #tpu.memory_space<vmem_shared>> -> memref<40x128xf32, #tpu.memory_space<vmem_shared>>
      tpu.wait_dma2 semaphore(%run_scoped3A : memref<!tpu.dma_semaphore, #tpu.memory_space<semaphore_mem>>) src(%dma_wait3A_290 : memref<40x128xf32, #tpu.memory_space<vmem_shared>>) dst(%arg11 : memref<40x128xf32, #tpu.memory_space<vmem>>)
      tpu.yield
    }) : () -> ()
    %mul3A_175 = arith.constant 10240 : i32
    %mul3A_176 = arith.muli %arg0, %mul3A_175 : i32
    %add3A_177 = arith.addi %mul3A_176, %add3A_174 : i32
    "tpu.region"() ({
      %run_scoped3A = tpu.sem_alloc : memref<!tpu.dma_semaphore, #tpu.memory_space<semaphore_mem>>
      %dma_start3A_283 = arith.constant 0 : i32
      %dma_start3A_284 = tpu.memref_slice %arg5[%add3A_177, %dma_start3A_283] : memref<20480x128xf32, #tpu.memory_space<hbm>> -> memref<40x128xf32, #tpu.memory_space<hbm>>
      %dma_start3A_285 = arith.constant 0 : i32
      %dma_start3A_286 = tpu.memref_slice %arg5[%add3A_177, %dma_start3A_285] : memref<20480x128xf32, #tpu.memory_space<hbm>> -> memref<40x128xf32, #tpu.memory_space<hbm>>
      tpu.enqueue_dma source(%arg11 : memref<40x128xf32, #tpu.memory_space<vmem>>) target(%dma_start3A_286 : memref<40x128xf32, #tpu.memory_space<hbm>>) target_semaphore(%run_scoped3A : memref<!tpu.dma_semaphore, #tpu.memory_space<semaphore_mem>>)
      %dma_wait3A_287 = arith.constant 0 : i32
      %dma_wait3A_288 = tpu.memref_slice %arg5[%add3A_177, %dma_wait3A_287] : memref<20480x128xf32, #tpu.memory_space<hbm>> -> memref<40x128xf32, #tpu.memory_space<hbm>>
      %dma_wait3A_289 = arith.constant 0 : i32
      %dma_wait3A_290 = tpu.memref_slice %arg5[%add3A_177, %dma_wait3A_289] : memref<20480x128xf32, #tpu.memory_space<hbm>> -> memref<40x128xf32, #tpu.memory_space<hbm>>
      tpu.wait_dma2 semaphore(%run_scoped3A : memref<!tpu.dma_semaphore, #tpu.memory_space<semaphore_mem>>) src(%arg11 : memref<40x128xf32, #tpu.memory_space<vmem>>) dst(%dma_wait3A_290 : memref<40x128xf32, #tpu.memory_space<hbm>>)
      tpu.yield
    }) : () -> ()
    %mul3A_178 = arith.constant 640 : i32
    %mul3A_179 = arith.muli %arg1, %mul3A_178 : i32
    %add3A_180 = arith.constant 40 : i32
    %add3A_181 = arith.addi %mul3A_179, %add3A_180 : i32
    "tpu.region"() ({
      %run_scoped3A = tpu.sem_alloc : memref<!tpu.dma_semaphore, #tpu.memory_space<semaphore_mem>>
      %dma_start3A_283 = arith.constant 0 : i32
      %dma_start3A_284 = tpu.memref_slice %arg13[%add3A_181, %dma_start3A_283] : memref<10240x128xf32, #tpu.memory_space<vmem_shared>> -> memref<40x128xf32, #tpu.memory_space<vmem_shared>>
      %dma_start3A_285 = arith.constant 0 : i32
      %dma_start3A_286 = tpu.memref_slice %arg13[%add3A_181, %dma_start3A_285] : memref<10240x128xf32, #tpu.memory_space<vmem_shared>> -> memref<40x128xf32, #tpu.memory_space<vmem_shared>>
      tpu.enqueue_dma source(%dma_start3A_286 : memref<40x128xf32, #tpu.memory_space<vmem_shared>>) target(%arg11 : memref<40x128xf32, #tpu.memory_space<vmem>>) target_semaphore(%run_scoped3A : memref<!tpu.dma_semaphore, #tpu.memory_space<semaphore_mem>>)
      %dma_wait3A_287 = arith.constant 0 : i32
      %dma_wait3A_288 = tpu.memref_slice %arg13[%add3A_181, %dma_wait3A_287] : memref<10240x128xf32, #tpu.memory_space<vmem_shared>> -> memref<40x128xf32, #tpu.memory_space<vmem_shared>>
      %dma_wait3A_289 = arith.constant 0 : i32
      %dma_wait3A_290 = tpu.memref_slice %arg13[%add3A_181, %dma_wait3A_289] : memref<10240x128xf32, #tpu.memory_space<vmem_shared>> -> memref<40x128xf32, #tpu.memory_space<vmem_shared>>
      tpu.wait_dma2 semaphore(%run_scoped3A : memref<!tpu.dma_semaphore, #tpu.memory_space<semaphore_mem>>) src(%dma_wait3A_290 : memref<40x128xf32, #tpu.memory_space<vmem_shared>>) dst(%arg11 : memref<40x128xf32, #tpu.memory_space<vmem>>)
      tpu.yield
    }) : () -> ()
    %mul3A_182 = arith.constant 10240 : i32
    %mul3A_183 = arith.muli %arg0, %mul3A_182 : i32
    %add3A_184 = arith.addi %mul3A_183, %add3A_181 : i32
    "tpu.region"() ({
      %run_scoped3A = tpu.sem_alloc : memref<!tpu.dma_semaphore, #tpu.memory_space<semaphore_mem>>
      %dma_start3A_283 = arith.constant 0 : i32
      %dma_start3A_284 = tpu.memref_slice %arg5[%add3A_184, %dma_start3A_283] : memref<20480x128xf32, #tpu.memory_space<hbm>> -> memref<40x128xf32, #tpu.memory_space<hbm>>
      %dma_start3A_285 = arith.constant 0 : i32
      %dma_start3A_286 = tpu.memref_slice %arg5[%add3A_184, %dma_start3A_285] : memref<20480x128xf32, #tpu.memory_space<hbm>> -> memref<40x128xf32, #tpu.memory_space<hbm>>
      tpu.enqueue_dma source(%arg11 : memref<40x128xf32, #tpu.memory_space<vmem>>) target(%dma_start3A_286 : memref<40x128xf32, #tpu.memory_space<hbm>>) target_semaphore(%run_scoped3A : memref<!tpu.dma_semaphore, #tpu.memory_space<semaphore_mem>>)
      %dma_wait3A_287 = arith.constant 0 : i32
      %dma_wait3A_288 = tpu.memref_slice %arg5[%add3A_184, %dma_wait3A_287] : memref<20480x128xf32, #tpu.memory_space<hbm>> -> memref<40x128xf32, #tpu.memory_space<hbm>>
      %dma_wait3A_289 = arith.constant 0 : i32
      %dma_wait3A_290 = tpu.memref_slice %arg5[%add3A_184, %dma_wait3A_289] : memref<20480x128xf32, #tpu.memory_space<hbm>> -> memref<40x128xf32, #tpu.memory_space<hbm>>
      tpu.wait_dma2 semaphore(%run_scoped3A : memref<!tpu.dma_semaphore, #tpu.memory_space<semaphore_mem>>) src(%arg11 : memref<40x128xf32, #tpu.memory_space<vmem>>) dst(%dma_wait3A_290 : memref<40x128xf32, #tpu.memory_space<hbm>>)
      tpu.yield
    }) : () -> ()
    %mul3A_185 = arith.constant 640 : i32
    %mul3A_186 = arith.muli %arg1, %mul3A_185 : i32
    %add3A_187 = arith.constant 80 : i32
    %add3A_188 = arith.addi %mul3A_186, %add3A_187 : i32
    "tpu.region"() ({
      %run_scoped3A = tpu.sem_alloc : memref<!tpu.dma_semaphore, #tpu.memory_space<semaphore_mem>>
      %dma_start3A_283 = arith.constant 0 : i32
      %dma_start3A_284 = tpu.memref_slice %arg13[%add3A_188, %dma_start3A_283] : memref<10240x128xf32, #tpu.memory_space<vmem_shared>> -> memref<40x128xf32, #tpu.memory_space<vmem_shared>>
      %dma_start3A_285 = arith.constant 0 : i32
      %dma_start3A_286 = tpu.memref_slice %arg13[%add3A_188, %dma_start3A_285] : memref<10240x128xf32, #tpu.memory_space<vmem_shared>> -> memref<40x128xf32, #tpu.memory_space<vmem_shared>>
      tpu.enqueue_dma source(%dma_start3A_286 : memref<40x128xf32, #tpu.memory_space<vmem_shared>>) target(%arg11 : memref<40x128xf32, #tpu.memory_space<vmem>>) target_semaphore(%run_scoped3A : memref<!tpu.dma_semaphore, #tpu.memory_space<semaphore_mem>>)
      %dma_wait3A_287 = arith.constant 0 : i32
      %dma_wait3A_288 = tpu.memref_slice %arg13[%add3A_188, %dma_wait3A_287] : memref<10240x128xf32, #tpu.memory_space<vmem_shared>> -> memref<40x128xf32, #tpu.memory_space<vmem_shared>>
      %dma_wait3A_289 = arith.constant 0 : i32
      %dma_wait3A_290 = tpu.memref_slice %arg13[%add3A_188, %dma_wait3A_289] : memref<10240x128xf32, #tpu.memory_space<vmem_shared>> -> memref<40x128xf32, #tpu.memory_space<vmem_shared>>
      tpu.wait_dma2 semaphore(%run_scoped3A : memref<!tpu.dma_semaphore, #tpu.memory_space<semaphore_mem>>) src(%dma_wait3A_290 : memref<40x128xf32, #tpu.memory_space<vmem_shared>>) dst(%arg11 : memref<40x128xf32, #tpu.memory_space<vmem>>)
      tpu.yield
    }) : () -> ()
    %mul3A_189 = arith.constant 10240 : i32
    %mul3A_190 = arith.muli %arg0, %mul3A_189 : i32
    %add3A_191 = arith.addi %mul3A_190, %add3A_188 : i32
    "tpu.region"() ({
      %run_scoped3A = tpu.sem_alloc : memref<!tpu.dma_semaphore, #tpu.memory_space<semaphore_mem>>
      %dma_start3A_283 = arith.constant 0 : i32
      %dma_start3A_284 = tpu.memref_slice %arg5[%add3A_191, %dma_start3A_283] : memref<20480x128xf32, #tpu.memory_space<hbm>> -> memref<40x128xf32, #tpu.memory_space<hbm>>
      %dma_start3A_285 = arith.constant 0 : i32
      %dma_start3A_286 = tpu.memref_slice %arg5[%add3A_191, %dma_start3A_285] : memref<20480x128xf32, #tpu.memory_space<hbm>> -> memref<40x128xf32, #tpu.memory_space<hbm>>
      tpu.enqueue_dma source(%arg11 : memref<40x128xf32, #tpu.memory_space<vmem>>) target(%dma_start3A_286 : memref<40x128xf32, #tpu.memory_space<hbm>>) target_semaphore(%run_scoped3A : memref<!tpu.dma_semaphore, #tpu.memory_space<semaphore_mem>>)
      %dma_wait3A_287 = arith.constant 0 : i32
      %dma_wait3A_288 = tpu.memref_slice %arg5[%add3A_191, %dma_wait3A_287] : memref<20480x128xf32, #tpu.memory_space<hbm>> -> memref<40x128xf32, #tpu.memory_space<hbm>>
      %dma_wait3A_289 = arith.constant 0 : i32
      %dma_wait3A_290 = tpu.memref_slice %arg5[%add3A_191, %dma_wait3A_289] : memref<20480x128xf32, #tpu.memory_space<hbm>> -> memref<40x128xf32, #tpu.memory_space<hbm>>
      tpu.wait_dma2 semaphore(%run_scoped3A : memref<!tpu.dma_semaphore, #tpu.memory_space<semaphore_mem>>) src(%arg11 : memref<40x128xf32, #tpu.memory_space<vmem>>) dst(%dma_wait3A_290 : memref<40x128xf32, #tpu.memory_space<hbm>>)
      tpu.yield
    }) : () -> ()
    %mul3A_192 = arith.constant 640 : i32
    %mul3A_193 = arith.muli %arg1, %mul3A_192 : i32
    %add3A_194 = arith.constant 120 : i32
    %add3A_195 = arith.addi %mul3A_193, %add3A_194 : i32
    "tpu.region"() ({
      %run_scoped3A = tpu.sem_alloc : memref<!tpu.dma_semaphore, #tpu.memory_space<semaphore_mem>>
      %dma_start3A_283 = arith.constant 0 : i32
      %dma_start3A_284 = tpu.memref_slice %arg13[%add3A_195, %dma_start3A_283] : memref<10240x128xf32, #tpu.memory_space<vmem_shared>> -> memref<40x128xf32, #tpu.memory_space<vmem_shared>>
      %dma_start3A_285 = arith.constant 0 : i32
      %dma_start3A_286 = tpu.memref_slice %arg13[%add3A_195, %dma_start3A_285] : memref<10240x128xf32, #tpu.memory_space<vmem_shared>> -> memref<40x128xf32, #tpu.memory_space<vmem_shared>>
      tpu.enqueue_dma source(%dma_start3A_286 : memref<40x128xf32, #tpu.memory_space<vmem_shared>>) target(%arg11 : memref<40x128xf32, #tpu.memory_space<vmem>>) target_semaphore(%run_scoped3A : memref<!tpu.dma_semaphore, #tpu.memory_space<semaphore_mem>>)
      %dma_wait3A_287 = arith.constant 0 : i32
      %dma_wait3A_288 = tpu.memref_slice %arg13[%add3A_195, %dma_wait3A_287] : memref<10240x128xf32, #tpu.memory_space<vmem_shared>> -> memref<40x128xf32, #tpu.memory_space<vmem_shared>>
      %dma_wait3A_289 = arith.constant 0 : i32
      %dma_wait3A_290 = tpu.memref_slice %arg13[%add3A_195, %dma_wait3A_289] : memref<10240x128xf32, #tpu.memory_space<vmem_shared>> -> memref<40x128xf32, #tpu.memory_space<vmem_shared>>
      tpu.wait_dma2 semaphore(%run_scoped3A : memref<!tpu.dma_semaphore, #tpu.memory_space<semaphore_mem>>) src(%dma_wait3A_290 : memref<40x128xf32, #tpu.memory_space<vmem_shared>>) dst(%arg11 : memref<40x128xf32, #tpu.memory_space<vmem>>)
      tpu.yield
    }) : () -> ()
    %mul3A_196 = arith.constant 10240 : i32
    %mul3A_197 = arith.muli %arg0, %mul3A_196 : i32
    %add3A_198 = arith.addi %mul3A_197, %add3A_195 : i32
    "tpu.region"() ({
      %run_scoped3A = tpu.sem_alloc : memref<!tpu.dma_semaphore, #tpu.memory_space<semaphore_mem>>
      %dma_start3A_283 = arith.constant 0 : i32
      %dma_start3A_284 = tpu.memref_slice %arg5[%add3A_198, %dma_start3A_283] : memref<20480x128xf32, #tpu.memory_space<hbm>> -> memref<40x128xf32, #tpu.memory_space<hbm>>
      %dma_start3A_285 = arith.constant 0 : i32
      %dma_start3A_286 = tpu.memref_slice %arg5[%add3A_198, %dma_start3A_285] : memref<20480x128xf32, #tpu.memory_space<hbm>> -> memref<40x128xf32, #tpu.memory_space<hbm>>
      tpu.enqueue_dma source(%arg11 : memref<40x128xf32, #tpu.memory_space<vmem>>) target(%dma_start3A_286 : memref<40x128xf32, #tpu.memory_space<hbm>>) target_semaphore(%run_scoped3A : memref<!tpu.dma_semaphore, #tpu.memory_space<semaphore_mem>>)
      %dma_wait3A_287 = arith.constant 0 : i32
      %dma_wait3A_288 = tpu.memref_slice %arg5[%add3A_198, %dma_wait3A_287] : memref<20480x128xf32, #tpu.memory_space<hbm>> -> memref<40x128xf32, #tpu.memory_space<hbm>>
      %dma_wait3A_289 = arith.constant 0 : i32
      %dma_wait3A_290 = tpu.memref_slice %arg5[%add3A_198, %dma_wait3A_289] : memref<20480x128xf32, #tpu.memory_space<hbm>> -> memref<40x128xf32, #tpu.memory_space<hbm>>
      tpu.wait_dma2 semaphore(%run_scoped3A : memref<!tpu.dma_semaphore, #tpu.memory_space<semaphore_mem>>) src(%arg11 : memref<40x128xf32, #tpu.memory_space<vmem>>) dst(%dma_wait3A_290 : memref<40x128xf32, #tpu.memory_space<hbm>>)
      tpu.yield
    }) : () -> ()
    %mul3A_199 = arith.constant 640 : i32
    %mul3A_200 = arith.muli %arg1, %mul3A_199 : i32
    %add3A_201 = arith.constant 160 : i32
    %add3A_202 = arith.addi %mul3A_200, %add3A_201 : i32
    "tpu.region"() ({
      %run_scoped3A = tpu.sem_alloc : memref<!tpu.dma_semaphore, #tpu.memory_space<semaphore_mem>>
      %dma_start3A_283 = arith.constant 0 : i32
      %dma_start3A_284 = tpu.memref_slice %arg13[%add3A_202, %dma_start3A_283] : memref<10240x128xf32, #tpu.memory_space<vmem_shared>> -> memref<40x128xf32, #tpu.memory_space<vmem_shared>>
      %dma_start3A_285 = arith.constant 0 : i32
      %dma_start3A_286 = tpu.memref_slice %arg13[%add3A_202, %dma_start3A_285] : memref<10240x128xf32, #tpu.memory_space<vmem_shared>> -> memref<40x128xf32, #tpu.memory_space<vmem_shared>>
      tpu.enqueue_dma source(%dma_start3A_286 : memref<40x128xf32, #tpu.memory_space<vmem_shared>>) target(%arg11 : memref<40x128xf32, #tpu.memory_space<vmem>>) target_semaphore(%run_scoped3A : memref<!tpu.dma_semaphore, #tpu.memory_space<semaphore_mem>>)
      %dma_wait3A_287 = arith.constant 0 : i32
      %dma_wait3A_288 = tpu.memref_slice %arg13[%add3A_202, %dma_wait3A_287] : memref<10240x128xf32, #tpu.memory_space<vmem_shared>> -> memref<40x128xf32, #tpu.memory_space<vmem_shared>>
      %dma_wait3A_289 = arith.constant 0 : i32
      %dma_wait3A_290 = tpu.memref_slice %arg13[%add3A_202, %dma_wait3A_289] : memref<10240x128xf32, #tpu.memory_space<vmem_shared>> -> memref<40x128xf32, #tpu.memory_space<vmem_shared>>
      tpu.wait_dma2 semaphore(%run_scoped3A : memref<!tpu.dma_semaphore, #tpu.memory_space<semaphore_mem>>) src(%dma_wait3A_290 : memref<40x128xf32, #tpu.memory_space<vmem_shared>>) dst(%arg11 : memref<40x128xf32, #tpu.memory_space<vmem>>)
      tpu.yield
    }) : () -> ()
    %mul3A_203 = arith.constant 10240 : i32
    %mul3A_204 = arith.muli %arg0, %mul3A_203 : i32
    %add3A_205 = arith.addi %mul3A_204, %add3A_202 : i32
    "tpu.region"() ({
      %run_scoped3A = tpu.sem_alloc : memref<!tpu.dma_semaphore, #tpu.memory_space<semaphore_mem>>
      %dma_start3A_283 = arith.constant 0 : i32
      %dma_start3A_284 = tpu.memref_slice %arg5[%add3A_205, %dma_start3A_283] : memref<20480x128xf32, #tpu.memory_space<hbm>> -> memref<40x128xf32, #tpu.memory_space<hbm>>
      %dma_start3A_285 = arith.constant 0 : i32
      %dma_start3A_286 = tpu.memref_slice %arg5[%add3A_205, %dma_start3A_285] : memref<20480x128xf32, #tpu.memory_space<hbm>> -> memref<40x128xf32, #tpu.memory_space<hbm>>
      tpu.enqueue_dma source(%arg11 : memref<40x128xf32, #tpu.memory_space<vmem>>) target(%dma_start3A_286 : memref<40x128xf32, #tpu.memory_space<hbm>>) target_semaphore(%run_scoped3A : memref<!tpu.dma_semaphore, #tpu.memory_space<semaphore_mem>>)
      %dma_wait3A_287 = arith.constant 0 : i32
      %dma_wait3A_288 = tpu.memref_slice %arg5[%add3A_205, %dma_wait3A_287] : memref<20480x128xf32, #tpu.memory_space<hbm>> -> memref<40x128xf32, #tpu.memory_space<hbm>>
      %dma_wait3A_289 = arith.constant 0 : i32
      %dma_wait3A_290 = tpu.memref_slice %arg5[%add3A_205, %dma_wait3A_289] : memref<20480x128xf32, #tpu.memory_space<hbm>> -> memref<40x128xf32, #tpu.memory_space<hbm>>
      tpu.wait_dma2 semaphore(%run_scoped3A : memref<!tpu.dma_semaphore, #tpu.memory_space<semaphore_mem>>) src(%arg11 : memref<40x128xf32, #tpu.memory_space<vmem>>) dst(%dma_wait3A_290 : memref<40x128xf32, #tpu.memory_space<hbm>>)
      tpu.yield
    }) : () -> ()
    %mul3A_206 = arith.constant 640 : i32
    %mul3A_207 = arith.muli %arg1, %mul3A_206 : i32
    %add3A_208 = arith.constant 200 : i32
    %add3A_209 = arith.addi %mul3A_207, %add3A_208 : i32
    "tpu.region"() ({
      %run_scoped3A = tpu.sem_alloc : memref<!tpu.dma_semaphore, #tpu.memory_space<semaphore_mem>>
      %dma_start3A_283 = arith.constant 0 : i32
      %dma_start3A_284 = tpu.memref_slice %arg13[%add3A_209, %dma_start3A_283] : memref<10240x128xf32, #tpu.memory_space<vmem_shared>> -> memref<40x128xf32, #tpu.memory_space<vmem_shared>>
      %dma_start3A_285 = arith.constant 0 : i32
      %dma_start3A_286 = tpu.memref_slice %arg13[%add3A_209, %dma_start3A_285] : memref<10240x128xf32, #tpu.memory_space<vmem_shared>> -> memref<40x128xf32, #tpu.memory_space<vmem_shared>>
      tpu.enqueue_dma source(%dma_start3A_286 : memref<40x128xf32, #tpu.memory_space<vmem_shared>>) target(%arg11 : memref<40x128xf32, #tpu.memory_space<vmem>>) target_semaphore(%run_scoped3A : memref<!tpu.dma_semaphore, #tpu.memory_space<semaphore_mem>>)
      %dma_wait3A_287 = arith.constant 0 : i32
      %dma_wait3A_288 = tpu.memref_slice %arg13[%add3A_209, %dma_wait3A_287] : memref<10240x128xf32, #tpu.memory_space<vmem_shared>> -> memref<40x128xf32, #tpu.memory_space<vmem_shared>>
      %dma_wait3A_289 = arith.constant 0 : i32
      %dma_wait3A_290 = tpu.memref_slice %arg13[%add3A_209, %dma_wait3A_289] : memref<10240x128xf32, #tpu.memory_space<vmem_shared>> -> memref<40x128xf32, #tpu.memory_space<vmem_shared>>
      tpu.wait_dma2 semaphore(%run_scoped3A : memref<!tpu.dma_semaphore, #tpu.memory_space<semaphore_mem>>) src(%dma_wait3A_290 : memref<40x128xf32, #tpu.memory_space<vmem_shared>>) dst(%arg11 : memref<40x128xf32, #tpu.memory_space<vmem>>)
      tpu.yield
    }) : () -> ()
    %mul3A_210 = arith.constant 10240 : i32
    %mul3A_211 = arith.muli %arg0, %mul3A_210 : i32
    %add3A_212 = arith.addi %mul3A_211, %add3A_209 : i32
    "tpu.region"() ({
      %run_scoped3A = tpu.sem_alloc : memref<!tpu.dma_semaphore, #tpu.memory_space<semaphore_mem>>
      %dma_start3A_283 = arith.constant 0 : i32
      %dma_start3A_284 = tpu.memref_slice %arg5[%add3A_212, %dma_start3A_283] : memref<20480x128xf32, #tpu.memory_space<hbm>> -> memref<40x128xf32, #tpu.memory_space<hbm>>
      %dma_start3A_285 = arith.constant 0 : i32
      %dma_start3A_286 = tpu.memref_slice %arg5[%add3A_212, %dma_start3A_285] : memref<20480x128xf32, #tpu.memory_space<hbm>> -> memref<40x128xf32, #tpu.memory_space<hbm>>
      tpu.enqueue_dma source(%arg11 : memref<40x128xf32, #tpu.memory_space<vmem>>) target(%dma_start3A_286 : memref<40x128xf32, #tpu.memory_space<hbm>>) target_semaphore(%run_scoped3A : memref<!tpu.dma_semaphore, #tpu.memory_space<semaphore_mem>>)
      %dma_wait3A_287 = arith.constant 0 : i32
      %dma_wait3A_288 = tpu.memref_slice %arg5[%add3A_212, %dma_wait3A_287] : memref<20480x128xf32, #tpu.memory_space<hbm>> -> memref<40x128xf32, #tpu.memory_space<hbm>>
      %dma_wait3A_289 = arith.constant 0 : i32
      %dma_wait3A_290 = tpu.memref_slice %arg5[%add3A_212, %dma_wait3A_289] : memref<20480x128xf32, #tpu.memory_space<hbm>> -> memref<40x128xf32, #tpu.memory_space<hbm>>
      tpu.wait_dma2 semaphore(%run_scoped3A : memref<!tpu.dma_semaphore, #tpu.memory_space<semaphore_mem>>) src(%arg11 : memref<40x128xf32, #tpu.memory_space<vmem>>) dst(%dma_wait3A_290 : memref<40x128xf32, #tpu.memory_space<hbm>>)
      tpu.yield
    }) : () -> ()
    %mul3A_213 = arith.constant 640 : i32
    %mul3A_214 = arith.muli %arg1, %mul3A_213 : i32
    %add3A_215 = arith.constant 240 : i32
    %add3A_216 = arith.addi %mul3A_214, %add3A_215 : i32
    "tpu.region"() ({
      %run_scoped3A = tpu.sem_alloc : memref<!tpu.dma_semaphore, #tpu.memory_space<semaphore_mem>>
      %dma_start3A_283 = arith.constant 0 : i32
      %dma_start3A_284 = tpu.memref_slice %arg13[%add3A_216, %dma_start3A_283] : memref<10240x128xf32, #tpu.memory_space<vmem_shared>> -> memref<40x128xf32, #tpu.memory_space<vmem_shared>>
      %dma_start3A_285 = arith.constant 0 : i32
      %dma_start3A_286 = tpu.memref_slice %arg13[%add3A_216, %dma_start3A_285] : memref<10240x128xf32, #tpu.memory_space<vmem_shared>> -> memref<40x128xf32, #tpu.memory_space<vmem_shared>>
      tpu.enqueue_dma source(%dma_start3A_286 : memref<40x128xf32, #tpu.memory_space<vmem_shared>>) target(%arg11 : memref<40x128xf32, #tpu.memory_space<vmem>>) target_semaphore(%run_scoped3A : memref<!tpu.dma_semaphore, #tpu.memory_space<semaphore_mem>>)
      %dma_wait3A_287 = arith.constant 0 : i32
      %dma_wait3A_288 = tpu.memref_slice %arg13[%add3A_216, %dma_wait3A_287] : memref<10240x128xf32, #tpu.memory_space<vmem_shared>> -> memref<40x128xf32, #tpu.memory_space<vmem_shared>>
      %dma_wait3A_289 = arith.constant 0 : i32
      %dma_wait3A_290 = tpu.memref_slice %arg13[%add3A_216, %dma_wait3A_289] : memref<10240x128xf32, #tpu.memory_space<vmem_shared>> -> memref<40x128xf32, #tpu.memory_space<vmem_shared>>
      tpu.wait_dma2 semaphore(%run_scoped3A : memref<!tpu.dma_semaphore, #tpu.memory_space<semaphore_mem>>) src(%dma_wait3A_290 : memref<40x128xf32, #tpu.memory_space<vmem_shared>>) dst(%arg11 : memref<40x128xf32, #tpu.memory_space<vmem>>)
      tpu.yield
    }) : () -> ()
    %mul3A_217 = arith.constant 10240 : i32
    %mul3A_218 = arith.muli %arg0, %mul3A_217 : i32
    %add3A_219 = arith.addi %mul3A_218, %add3A_216 : i32
    "tpu.region"() ({
      %run_scoped3A = tpu.sem_alloc : memref<!tpu.dma_semaphore, #tpu.memory_space<semaphore_mem>>
      %dma_start3A_283 = arith.constant 0 : i32
      %dma_start3A_284 = tpu.memref_slice %arg5[%add3A_219, %dma_start3A_283] : memref<20480x128xf32, #tpu.memory_space<hbm>> -> memref<40x128xf32, #tpu.memory_space<hbm>>
      %dma_start3A_285 = arith.constant 0 : i32
      %dma_start3A_286 = tpu.memref_slice %arg5[%add3A_219, %dma_start3A_285] : memref<20480x128xf32, #tpu.memory_space<hbm>> -> memref<40x128xf32, #tpu.memory_space<hbm>>
      tpu.enqueue_dma source(%arg11 : memref<40x128xf32, #tpu.memory_space<vmem>>) target(%dma_start3A_286 : memref<40x128xf32, #tpu.memory_space<hbm>>) target_semaphore(%run_scoped3A : memref<!tpu.dma_semaphore, #tpu.memory_space<semaphore_mem>>)
      %dma_wait3A_287 = arith.constant 0 : i32
      %dma_wait3A_288 = tpu.memref_slice %arg5[%add3A_219, %dma_wait3A_287] : memref<20480x128xf32, #tpu.memory_space<hbm>> -> memref<40x128xf32, #tpu.memory_space<hbm>>
      %dma_wait3A_289 = arith.constant 0 : i32
      %dma_wait3A_290 = tpu.memref_slice %arg5[%add3A_219, %dma_wait3A_289] : memref<20480x128xf32, #tpu.memory_space<hbm>> -> memref<40x128xf32, #tpu.memory_space<hbm>>
      tpu.wait_dma2 semaphore(%run_scoped3A : memref<!tpu.dma_semaphore, #tpu.memory_space<semaphore_mem>>) src(%arg11 : memref<40x128xf32, #tpu.memory_space<vmem>>) dst(%dma_wait3A_290 : memref<40x128xf32, #tpu.memory_space<hbm>>)
      tpu.yield
    }) : () -> ()
    %mul3A_220 = arith.constant 640 : i32
    %mul3A_221 = arith.muli %arg1, %mul3A_220 : i32
    %add3A_222 = arith.constant 280 : i32
    %add3A_223 = arith.addi %mul3A_221, %add3A_222 : i32
    "tpu.region"() ({
      %run_scoped3A = tpu.sem_alloc : memref<!tpu.dma_semaphore, #tpu.memory_space<semaphore_mem>>
      %dma_start3A_283 = arith.constant 0 : i32
      %dma_start3A_284 = tpu.memref_slice %arg13[%add3A_223, %dma_start3A_283] : memref<10240x128xf32, #tpu.memory_space<vmem_shared>> -> memref<40x128xf32, #tpu.memory_space<vmem_shared>>
      %dma_start3A_285 = arith.constant 0 : i32
      %dma_start3A_286 = tpu.memref_slice %arg13[%add3A_223, %dma_start3A_285] : memref<10240x128xf32, #tpu.memory_space<vmem_shared>> -> memref<40x128xf32, #tpu.memory_space<vmem_shared>>
      tpu.enqueue_dma source(%dma_start3A_286 : memref<40x128xf32, #tpu.memory_space<vmem_shared>>) target(%arg11 : memref<40x128xf32, #tpu.memory_space<vmem>>) target_semaphore(%run_scoped3A : memref<!tpu.dma_semaphore, #tpu.memory_space<semaphore_mem>>)
      %dma_wait3A_287 = arith.constant 0 : i32
      %dma_wait3A_288 = tpu.memref_slice %arg13[%add3A_223, %dma_wait3A_287] : memref<10240x128xf32, #tpu.memory_space<vmem_shared>> -> memref<40x128xf32, #tpu.memory_space<vmem_shared>>
      %dma_wait3A_289 = arith.constant 0 : i32
      %dma_wait3A_290 = tpu.memref_slice %arg13[%add3A_223, %dma_wait3A_289] : memref<10240x128xf32, #tpu.memory_space<vmem_shared>> -> memref<40x128xf32, #tpu.memory_space<vmem_shared>>
      tpu.wait_dma2 semaphore(%run_scoped3A : memref<!tpu.dma_semaphore, #tpu.memory_space<semaphore_mem>>) src(%dma_wait3A_290 : memref<40x128xf32, #tpu.memory_space<vmem_shared>>) dst(%arg11 : memref<40x128xf32, #tpu.memory_space<vmem>>)
      tpu.yield
    }) : () -> ()
    %mul3A_224 = arith.constant 10240 : i32
    %mul3A_225 = arith.muli %arg0, %mul3A_224 : i32
    %add3A_226 = arith.addi %mul3A_225, %add3A_223 : i32
    "tpu.region"() ({
      %run_scoped3A = tpu.sem_alloc : memref<!tpu.dma_semaphore, #tpu.memory_space<semaphore_mem>>
      %dma_start3A_283 = arith.constant 0 : i32
      %dma_start3A_284 = tpu.memref_slice %arg5[%add3A_226, %dma_start3A_283] : memref<20480x128xf32, #tpu.memory_space<hbm>> -> memref<40x128xf32, #tpu.memory_space<hbm>>
      %dma_start3A_285 = arith.constant 0 : i32
      %dma_start3A_286 = tpu.memref_slice %arg5[%add3A_226, %dma_start3A_285] : memref<20480x128xf32, #tpu.memory_space<hbm>> -> memref<40x128xf32, #tpu.memory_space<hbm>>
      tpu.enqueue_dma source(%arg11 : memref<40x128xf32, #tpu.memory_space<vmem>>) target(%dma_start3A_286 : memref<40x128xf32, #tpu.memory_space<hbm>>) target_semaphore(%run_scoped3A : memref<!tpu.dma_semaphore, #tpu.memory_space<semaphore_mem>>)
      %dma_wait3A_287 = arith.constant 0 : i32
      %dma_wait3A_288 = tpu.memref_slice %arg5[%add3A_226, %dma_wait3A_287] : memref<20480x128xf32, #tpu.memory_space<hbm>> -> memref<40x128xf32, #tpu.memory_space<hbm>>
      %dma_wait3A_289 = arith.constant 0 : i32
      %dma_wait3A_290 = tpu.memref_slice %arg5[%add3A_226, %dma_wait3A_289] : memref<20480x128xf32, #tpu.memory_space<hbm>> -> memref<40x128xf32, #tpu.memory_space<hbm>>
      tpu.wait_dma2 semaphore(%run_scoped3A : memref<!tpu.dma_semaphore, #tpu.memory_space<semaphore_mem>>) src(%arg11 : memref<40x128xf32, #tpu.memory_space<vmem>>) dst(%dma_wait3A_290 : memref<40x128xf32, #tpu.memory_space<hbm>>)
      tpu.yield
    }) : () -> ()
    %mul3A_227 = arith.constant 640 : i32
    %mul3A_228 = arith.muli %arg1, %mul3A_227 : i32
    %add3A_229 = arith.constant 320 : i32
    %add3A_230 = arith.addi %mul3A_228, %add3A_229 : i32
    "tpu.region"() ({
      %run_scoped3A = tpu.sem_alloc : memref<!tpu.dma_semaphore, #tpu.memory_space<semaphore_mem>>
      %dma_start3A_283 = arith.constant 0 : i32
      %dma_start3A_284 = tpu.memref_slice %arg13[%add3A_230, %dma_start3A_283] : memref<10240x128xf32, #tpu.memory_space<vmem_shared>> -> memref<40x128xf32, #tpu.memory_space<vmem_shared>>
      %dma_start3A_285 = arith.constant 0 : i32
      %dma_start3A_286 = tpu.memref_slice %arg13[%add3A_230, %dma_start3A_285] : memref<10240x128xf32, #tpu.memory_space<vmem_shared>> -> memref<40x128xf32, #tpu.memory_space<vmem_shared>>
      tpu.enqueue_dma source(%dma_start3A_286 : memref<40x128xf32, #tpu.memory_space<vmem_shared>>) target(%arg11 : memref<40x128xf32, #tpu.memory_space<vmem>>) target_semaphore(%run_scoped3A : memref<!tpu.dma_semaphore, #tpu.memory_space<semaphore_mem>>)
      %dma_wait3A_287 = arith.constant 0 : i32
      %dma_wait3A_288 = tpu.memref_slice %arg13[%add3A_230, %dma_wait3A_287] : memref<10240x128xf32, #tpu.memory_space<vmem_shared>> -> memref<40x128xf32, #tpu.memory_space<vmem_shared>>
      %dma_wait3A_289 = arith.constant 0 : i32
      %dma_wait3A_290 = tpu.memref_slice %arg13[%add3A_230, %dma_wait3A_289] : memref<10240x128xf32, #tpu.memory_space<vmem_shared>> -> memref<40x128xf32, #tpu.memory_space<vmem_shared>>
      tpu.wait_dma2 semaphore(%run_scoped3A : memref<!tpu.dma_semaphore, #tpu.memory_space<semaphore_mem>>) src(%dma_wait3A_290 : memref<40x128xf32, #tpu.memory_space<vmem_shared>>) dst(%arg11 : memref<40x128xf32, #tpu.memory_space<vmem>>)
      tpu.yield
    }) : () -> ()
    %mul3A_231 = arith.constant 10240 : i32
    %mul3A_232 = arith.muli %arg0, %mul3A_231 : i32
    %add3A_233 = arith.addi %mul3A_232, %add3A_230 : i32
    "tpu.region"() ({
      %run_scoped3A = tpu.sem_alloc : memref<!tpu.dma_semaphore, #tpu.memory_space<semaphore_mem>>
      %dma_start3A_283 = arith.constant 0 : i32
      %dma_start3A_284 = tpu.memref_slice %arg5[%add3A_233, %dma_start3A_283] : memref<20480x128xf32, #tpu.memory_space<hbm>> -> memref<40x128xf32, #tpu.memory_space<hbm>>
      %dma_start3A_285 = arith.constant 0 : i32
      %dma_start3A_286 = tpu.memref_slice %arg5[%add3A_233, %dma_start3A_285] : memref<20480x128xf32, #tpu.memory_space<hbm>> -> memref<40x128xf32, #tpu.memory_space<hbm>>
      tpu.enqueue_dma source(%arg11 : memref<40x128xf32, #tpu.memory_space<vmem>>) target(%dma_start3A_286 : memref<40x128xf32, #tpu.memory_space<hbm>>) target_semaphore(%run_scoped3A : memref<!tpu.dma_semaphore, #tpu.memory_space<semaphore_mem>>)
      %dma_wait3A_287 = arith.constant 0 : i32
      %dma_wait3A_288 = tpu.memref_slice %arg5[%add3A_233, %dma_wait3A_287] : memref<20480x128xf32, #tpu.memory_space<hbm>> -> memref<40x128xf32, #tpu.memory_space<hbm>>
      %dma_wait3A_289 = arith.constant 0 : i32
      %dma_wait3A_290 = tpu.memref_slice %arg5[%add3A_233, %dma_wait3A_289] : memref<20480x128xf32, #tpu.memory_space<hbm>> -> memref<40x128xf32, #tpu.memory_space<hbm>>
      tpu.wait_dma2 semaphore(%run_scoped3A : memref<!tpu.dma_semaphore, #tpu.memory_space<semaphore_mem>>) src(%arg11 : memref<40x128xf32, #tpu.memory_space<vmem>>) dst(%dma_wait3A_290 : memref<40x128xf32, #tpu.memory_space<hbm>>)
      tpu.yield
    }) : () -> ()
    %mul3A_234 = arith.constant 640 : i32
    %mul3A_235 = arith.muli %arg1, %mul3A_234 : i32
    %add3A_236 = arith.constant 360 : i32
    %add3A_237 = arith.addi %mul3A_235, %add3A_236 : i32
    "tpu.region"() ({
      %run_scoped3A = tpu.sem_alloc : memref<!tpu.dma_semaphore, #tpu.memory_space<semaphore_mem>>
      %dma_start3A_283 = arith.constant 0 : i32
      %dma_start3A_284 = tpu.memref_slice %arg13[%add3A_237, %dma_start3A_283] : memref<10240x128xf32, #tpu.memory_space<vmem_shared>> -> memref<40x128xf32, #tpu.memory_space<vmem_shared>>
      %dma_start3A_285 = arith.constant 0 : i32
      %dma_start3A_286 = tpu.memref_slice %arg13[%add3A_237, %dma_start3A_285] : memref<10240x128xf32, #tpu.memory_space<vmem_shared>> -> memref<40x128xf32, #tpu.memory_space<vmem_shared>>
      tpu.enqueue_dma source(%dma_start3A_286 : memref<40x128xf32, #tpu.memory_space<vmem_shared>>) target(%arg11 : memref<40x128xf32, #tpu.memory_space<vmem>>) target_semaphore(%run_scoped3A : memref<!tpu.dma_semaphore, #tpu.memory_space<semaphore_mem>>)
      %dma_wait3A_287 = arith.constant 0 : i32
      %dma_wait3A_288 = tpu.memref_slice %arg13[%add3A_237, %dma_wait3A_287] : memref<10240x128xf32, #tpu.memory_space<vmem_shared>> -> memref<40x128xf32, #tpu.memory_space<vmem_shared>>
      %dma_wait3A_289 = arith.constant 0 : i32
      %dma_wait3A_290 = tpu.memref_slice %arg13[%add3A_237, %dma_wait3A_289] : memref<10240x128xf32, #tpu.memory_space<vmem_shared>> -> memref<40x128xf32, #tpu.memory_space<vmem_shared>>
      tpu.wait_dma2 semaphore(%run_scoped3A : memref<!tpu.dma_semaphore, #tpu.memory_space<semaphore_mem>>) src(%dma_wait3A_290 : memref<40x128xf32, #tpu.memory_space<vmem_shared>>) dst(%arg11 : memref<40x128xf32, #tpu.memory_space<vmem>>)
      tpu.yield
    }) : () -> ()
    %mul3A_238 = arith.constant 10240 : i32
    %mul3A_239 = arith.muli %arg0, %mul3A_238 : i32
    %add3A_240 = arith.addi %mul3A_239, %add3A_237 : i32
    "tpu.region"() ({
      %run_scoped3A = tpu.sem_alloc : memref<!tpu.dma_semaphore, #tpu.memory_space<semaphore_mem>>
      %dma_start3A_283 = arith.constant 0 : i32
      %dma_start3A_284 = tpu.memref_slice %arg5[%add3A_240, %dma_start3A_283] : memref<20480x128xf32, #tpu.memory_space<hbm>> -> memref<40x128xf32, #tpu.memory_space<hbm>>
      %dma_start3A_285 = arith.constant 0 : i32
      %dma_start3A_286 = tpu.memref_slice %arg5[%add3A_240, %dma_start3A_285] : memref<20480x128xf32, #tpu.memory_space<hbm>> -> memref<40x128xf32, #tpu.memory_space<hbm>>
      tpu.enqueue_dma source(%arg11 : memref<40x128xf32, #tpu.memory_space<vmem>>) target(%dma_start3A_286 : memref<40x128xf32, #tpu.memory_space<hbm>>) target_semaphore(%run_scoped3A : memref<!tpu.dma_semaphore, #tpu.memory_space<semaphore_mem>>)
      %dma_wait3A_287 = arith.constant 0 : i32
      %dma_wait3A_288 = tpu.memref_slice %arg5[%add3A_240, %dma_wait3A_287] : memref<20480x128xf32, #tpu.memory_space<hbm>> -> memref<40x128xf32, #tpu.memory_space<hbm>>
      %dma_wait3A_289 = arith.constant 0 : i32
      %dma_wait3A_290 = tpu.memref_slice %arg5[%add3A_240, %dma_wait3A_289] : memref<20480x128xf32, #tpu.memory_space<hbm>> -> memref<40x128xf32, #tpu.memory_space<hbm>>
      tpu.wait_dma2 semaphore(%run_scoped3A : memref<!tpu.dma_semaphore, #tpu.memory_space<semaphore_mem>>) src(%arg11 : memref<40x128xf32, #tpu.memory_space<vmem>>) dst(%dma_wait3A_290 : memref<40x128xf32, #tpu.memory_space<hbm>>)
      tpu.yield
    }) : () -> ()
    %mul3A_241 = arith.constant 640 : i32
    %mul3A_242 = arith.muli %arg1, %mul3A_241 : i32
    %add3A_243 = arith.constant 400 : i32
    %add3A_244 = arith.addi %mul3A_242, %add3A_243 : i32
    "tpu.region"() ({
      %run_scoped3A = tpu.sem_alloc : memref<!tpu.dma_semaphore, #tpu.memory_space<semaphore_mem>>
      %dma_start3A_283 = arith.constant 0 : i32
      %dma_start3A_284 = tpu.memref_slice %arg13[%add3A_244, %dma_start3A_283] : memref<10240x128xf32, #tpu.memory_space<vmem_shared>> -> memref<40x128xf32, #tpu.memory_space<vmem_shared>>
      %dma_start3A_285 = arith.constant 0 : i32
      %dma_start3A_286 = tpu.memref_slice %arg13[%add3A_244, %dma_start3A_285] : memref<10240x128xf32, #tpu.memory_space<vmem_shared>> -> memref<40x128xf32, #tpu.memory_space<vmem_shared>>
      tpu.enqueue_dma source(%dma_start3A_286 : memref<40x128xf32, #tpu.memory_space<vmem_shared>>) target(%arg11 : memref<40x128xf32, #tpu.memory_space<vmem>>) target_semaphore(%run_scoped3A : memref<!tpu.dma_semaphore, #tpu.memory_space<semaphore_mem>>)
      %dma_wait3A_287 = arith.constant 0 : i32
      %dma_wait3A_288 = tpu.memref_slice %arg13[%add3A_244, %dma_wait3A_287] : memref<10240x128xf32, #tpu.memory_space<vmem_shared>> -> memref<40x128xf32, #tpu.memory_space<vmem_shared>>
      %dma_wait3A_289 = arith.constant 0 : i32
      %dma_wait3A_290 = tpu.memref_slice %arg13[%add3A_244, %dma_wait3A_289] : memref<10240x128xf32, #tpu.memory_space<vmem_shared>> -> memref<40x128xf32, #tpu.memory_space<vmem_shared>>
      tpu.wait_dma2 semaphore(%run_scoped3A : memref<!tpu.dma_semaphore, #tpu.memory_space<semaphore_mem>>) src(%dma_wait3A_290 : memref<40x128xf32, #tpu.memory_space<vmem_shared>>) dst(%arg11 : memref<40x128xf32, #tpu.memory_space<vmem>>)
      tpu.yield
    }) : () -> ()
    %mul3A_245 = arith.constant 10240 : i32
    %mul3A_246 = arith.muli %arg0, %mul3A_245 : i32
    %add3A_247 = arith.addi %mul3A_246, %add3A_244 : i32
    "tpu.region"() ({
      %run_scoped3A = tpu.sem_alloc : memref<!tpu.dma_semaphore, #tpu.memory_space<semaphore_mem>>
      %dma_start3A_283 = arith.constant 0 : i32
      %dma_start3A_284 = tpu.memref_slice %arg5[%add3A_247, %dma_start3A_283] : memref<20480x128xf32, #tpu.memory_space<hbm>> -> memref<40x128xf32, #tpu.memory_space<hbm>>
      %dma_start3A_285 = arith.constant 0 : i32
      %dma_start3A_286 = tpu.memref_slice %arg5[%add3A_247, %dma_start3A_285] : memref<20480x128xf32, #tpu.memory_space<hbm>> -> memref<40x128xf32, #tpu.memory_space<hbm>>
      tpu.enqueue_dma source(%arg11 : memref<40x128xf32, #tpu.memory_space<vmem>>) target(%dma_start3A_286 : memref<40x128xf32, #tpu.memory_space<hbm>>) target_semaphore(%run_scoped3A : memref<!tpu.dma_semaphore, #tpu.memory_space<semaphore_mem>>)
      %dma_wait3A_287 = arith.constant 0 : i32
      %dma_wait3A_288 = tpu.memref_slice %arg5[%add3A_247, %dma_wait3A_287] : memref<20480x128xf32, #tpu.memory_space<hbm>> -> memref<40x128xf32, #tpu.memory_space<hbm>>
      %dma_wait3A_289 = arith.constant 0 : i32
      %dma_wait3A_290 = tpu.memref_slice %arg5[%add3A_247, %dma_wait3A_289] : memref<20480x128xf32, #tpu.memory_space<hbm>> -> memref<40x128xf32, #tpu.memory_space<hbm>>
      tpu.wait_dma2 semaphore(%run_scoped3A : memref<!tpu.dma_semaphore, #tpu.memory_space<semaphore_mem>>) src(%arg11 : memref<40x128xf32, #tpu.memory_space<vmem>>) dst(%dma_wait3A_290 : memref<40x128xf32, #tpu.memory_space<hbm>>)
      tpu.yield
    }) : () -> ()
    %mul3A_248 = arith.constant 640 : i32
    %mul3A_249 = arith.muli %arg1, %mul3A_248 : i32
    %add3A_250 = arith.constant 440 : i32
    %add3A_251 = arith.addi %mul3A_249, %add3A_250 : i32
    "tpu.region"() ({
      %run_scoped3A = tpu.sem_alloc : memref<!tpu.dma_semaphore, #tpu.memory_space<semaphore_mem>>
      %dma_start3A_283 = arith.constant 0 : i32
      %dma_start3A_284 = tpu.memref_slice %arg13[%add3A_251, %dma_start3A_283] : memref<10240x128xf32, #tpu.memory_space<vmem_shared>> -> memref<40x128xf32, #tpu.memory_space<vmem_shared>>
      %dma_start3A_285 = arith.constant 0 : i32
      %dma_start3A_286 = tpu.memref_slice %arg13[%add3A_251, %dma_start3A_285] : memref<10240x128xf32, #tpu.memory_space<vmem_shared>> -> memref<40x128xf32, #tpu.memory_space<vmem_shared>>
      tpu.enqueue_dma source(%dma_start3A_286 : memref<40x128xf32, #tpu.memory_space<vmem_shared>>) target(%arg11 : memref<40x128xf32, #tpu.memory_space<vmem>>) target_semaphore(%run_scoped3A : memref<!tpu.dma_semaphore, #tpu.memory_space<semaphore_mem>>)
      %dma_wait3A_287 = arith.constant 0 : i32
      %dma_wait3A_288 = tpu.memref_slice %arg13[%add3A_251, %dma_wait3A_287] : memref<10240x128xf32, #tpu.memory_space<vmem_shared>> -> memref<40x128xf32, #tpu.memory_space<vmem_shared>>
      %dma_wait3A_289 = arith.constant 0 : i32
      %dma_wait3A_290 = tpu.memref_slice %arg13[%add3A_251, %dma_wait3A_289] : memref<10240x128xf32, #tpu.memory_space<vmem_shared>> -> memref<40x128xf32, #tpu.memory_space<vmem_shared>>
      tpu.wait_dma2 semaphore(%run_scoped3A : memref<!tpu.dma_semaphore, #tpu.memory_space<semaphore_mem>>) src(%dma_wait3A_290 : memref<40x128xf32, #tpu.memory_space<vmem_shared>>) dst(%arg11 : memref<40x128xf32, #tpu.memory_space<vmem>>)
      tpu.yield
    }) : () -> ()
    %mul3A_252 = arith.constant 10240 : i32
    %mul3A_253 = arith.muli %arg0, %mul3A_252 : i32
    %add3A_254 = arith.addi %mul3A_253, %add3A_251 : i32
    "tpu.region"() ({
      %run_scoped3A = tpu.sem_alloc : memref<!tpu.dma_semaphore, #tpu.memory_space<semaphore_mem>>
      %dma_start3A_283 = arith.constant 0 : i32
      %dma_start3A_284 = tpu.memref_slice %arg5[%add3A_254, %dma_start3A_283] : memref<20480x128xf32, #tpu.memory_space<hbm>> -> memref<40x128xf32, #tpu.memory_space<hbm>>
      %dma_start3A_285 = arith.constant 0 : i32
      %dma_start3A_286 = tpu.memref_slice %arg5[%add3A_254, %dma_start3A_285] : memref<20480x128xf32, #tpu.memory_space<hbm>> -> memref<40x128xf32, #tpu.memory_space<hbm>>
      tpu.enqueue_dma source(%arg11 : memref<40x128xf32, #tpu.memory_space<vmem>>) target(%dma_start3A_286 : memref<40x128xf32, #tpu.memory_space<hbm>>) target_semaphore(%run_scoped3A : memref<!tpu.dma_semaphore, #tpu.memory_space<semaphore_mem>>)
      %dma_wait3A_287 = arith.constant 0 : i32
      %dma_wait3A_288 = tpu.memref_slice %arg5[%add3A_254, %dma_wait3A_287] : memref<20480x128xf32, #tpu.memory_space<hbm>> -> memref<40x128xf32, #tpu.memory_space<hbm>>
      %dma_wait3A_289 = arith.constant 0 : i32
      %dma_wait3A_290 = tpu.memref_slice %arg5[%add3A_254, %dma_wait3A_289] : memref<20480x128xf32, #tpu.memory_space<hbm>> -> memref<40x128xf32, #tpu.memory_space<hbm>>
      tpu.wait_dma2 semaphore(%run_scoped3A : memref<!tpu.dma_semaphore, #tpu.memory_space<semaphore_mem>>) src(%arg11 : memref<40x128xf32, #tpu.memory_space<vmem>>) dst(%dma_wait3A_290 : memref<40x128xf32, #tpu.memory_space<hbm>>)
      tpu.yield
    }) : () -> ()
    %mul3A_255 = arith.constant 640 : i32
    %mul3A_256 = arith.muli %arg1, %mul3A_255 : i32
    %add3A_257 = arith.constant 480 : i32
    %add3A_258 = arith.addi %mul3A_256, %add3A_257 : i32
    "tpu.region"() ({
      %run_scoped3A = tpu.sem_alloc : memref<!tpu.dma_semaphore, #tpu.memory_space<semaphore_mem>>
      %dma_start3A_283 = arith.constant 0 : i32
      %dma_start3A_284 = tpu.memref_slice %arg13[%add3A_258, %dma_start3A_283] : memref<10240x128xf32, #tpu.memory_space<vmem_shared>> -> memref<40x128xf32, #tpu.memory_space<vmem_shared>>
      %dma_start3A_285 = arith.constant 0 : i32
      %dma_start3A_286 = tpu.memref_slice %arg13[%add3A_258, %dma_start3A_285] : memref<10240x128xf32, #tpu.memory_space<vmem_shared>> -> memref<40x128xf32, #tpu.memory_space<vmem_shared>>
      tpu.enqueue_dma source(%dma_start3A_286 : memref<40x128xf32, #tpu.memory_space<vmem_shared>>) target(%arg11 : memref<40x128xf32, #tpu.memory_space<vmem>>) target_semaphore(%run_scoped3A : memref<!tpu.dma_semaphore, #tpu.memory_space<semaphore_mem>>)
      %dma_wait3A_287 = arith.constant 0 : i32
      %dma_wait3A_288 = tpu.memref_slice %arg13[%add3A_258, %dma_wait3A_287] : memref<10240x128xf32, #tpu.memory_space<vmem_shared>> -> memref<40x128xf32, #tpu.memory_space<vmem_shared>>
      %dma_wait3A_289 = arith.constant 0 : i32
      %dma_wait3A_290 = tpu.memref_slice %arg13[%add3A_258, %dma_wait3A_289] : memref<10240x128xf32, #tpu.memory_space<vmem_shared>> -> memref<40x128xf32, #tpu.memory_space<vmem_shared>>
      tpu.wait_dma2 semaphore(%run_scoped3A : memref<!tpu.dma_semaphore, #tpu.memory_space<semaphore_mem>>) src(%dma_wait3A_290 : memref<40x128xf32, #tpu.memory_space<vmem_shared>>) dst(%arg11 : memref<40x128xf32, #tpu.memory_space<vmem>>)
      tpu.yield
    }) : () -> ()
    %mul3A_259 = arith.constant 10240 : i32
    %mul3A_260 = arith.muli %arg0, %mul3A_259 : i32
    %add3A_261 = arith.addi %mul3A_260, %add3A_258 : i32
    "tpu.region"() ({
      %run_scoped3A = tpu.sem_alloc : memref<!tpu.dma_semaphore, #tpu.memory_space<semaphore_mem>>
      %dma_start3A_283 = arith.constant 0 : i32
      %dma_start3A_284 = tpu.memref_slice %arg5[%add3A_261, %dma_start3A_283] : memref<20480x128xf32, #tpu.memory_space<hbm>> -> memref<40x128xf32, #tpu.memory_space<hbm>>
      %dma_start3A_285 = arith.constant 0 : i32
      %dma_start3A_286 = tpu.memref_slice %arg5[%add3A_261, %dma_start3A_285] : memref<20480x128xf32, #tpu.memory_space<hbm>> -> memref<40x128xf32, #tpu.memory_space<hbm>>
      tpu.enqueue_dma source(%arg11 : memref<40x128xf32, #tpu.memory_space<vmem>>) target(%dma_start3A_286 : memref<40x128xf32, #tpu.memory_space<hbm>>) target_semaphore(%run_scoped3A : memref<!tpu.dma_semaphore, #tpu.memory_space<semaphore_mem>>)
      %dma_wait3A_287 = arith.constant 0 : i32
      %dma_wait3A_288 = tpu.memref_slice %arg5[%add3A_261, %dma_wait3A_287] : memref<20480x128xf32, #tpu.memory_space<hbm>> -> memref<40x128xf32, #tpu.memory_space<hbm>>
      %dma_wait3A_289 = arith.constant 0 : i32
      %dma_wait3A_290 = tpu.memref_slice %arg5[%add3A_261, %dma_wait3A_289] : memref<20480x128xf32, #tpu.memory_space<hbm>> -> memref<40x128xf32, #tpu.memory_space<hbm>>
      tpu.wait_dma2 semaphore(%run_scoped3A : memref<!tpu.dma_semaphore, #tpu.memory_space<semaphore_mem>>) src(%arg11 : memref<40x128xf32, #tpu.memory_space<vmem>>) dst(%dma_wait3A_290 : memref<40x128xf32, #tpu.memory_space<hbm>>)
      tpu.yield
    }) : () -> ()
    %mul3A_262 = arith.constant 640 : i32
    %mul3A_263 = arith.muli %arg1, %mul3A_262 : i32
    %add3A_264 = arith.constant 520 : i32
    %add3A_265 = arith.addi %mul3A_263, %add3A_264 : i32
    "tpu.region"() ({
      %run_scoped3A = tpu.sem_alloc : memref<!tpu.dma_semaphore, #tpu.memory_space<semaphore_mem>>
      %dma_start3A_283 = arith.constant 0 : i32
      %dma_start3A_284 = tpu.memref_slice %arg13[%add3A_265, %dma_start3A_283] : memref<10240x128xf32, #tpu.memory_space<vmem_shared>> -> memref<40x128xf32, #tpu.memory_space<vmem_shared>>
      %dma_start3A_285 = arith.constant 0 : i32
      %dma_start3A_286 = tpu.memref_slice %arg13[%add3A_265, %dma_start3A_285] : memref<10240x128xf32, #tpu.memory_space<vmem_shared>> -> memref<40x128xf32, #tpu.memory_space<vmem_shared>>
      tpu.enqueue_dma source(%dma_start3A_286 : memref<40x128xf32, #tpu.memory_space<vmem_shared>>) target(%arg11 : memref<40x128xf32, #tpu.memory_space<vmem>>) target_semaphore(%run_scoped3A : memref<!tpu.dma_semaphore, #tpu.memory_space<semaphore_mem>>)
      %dma_wait3A_287 = arith.constant 0 : i32
      %dma_wait3A_288 = tpu.memref_slice %arg13[%add3A_265, %dma_wait3A_287] : memref<10240x128xf32, #tpu.memory_space<vmem_shared>> -> memref<40x128xf32, #tpu.memory_space<vmem_shared>>
      %dma_wait3A_289 = arith.constant 0 : i32
      %dma_wait3A_290 = tpu.memref_slice %arg13[%add3A_265, %dma_wait3A_289] : memref<10240x128xf32, #tpu.memory_space<vmem_shared>> -> memref<40x128xf32, #tpu.memory_space<vmem_shared>>
      tpu.wait_dma2 semaphore(%run_scoped3A : memref<!tpu.dma_semaphore, #tpu.memory_space<semaphore_mem>>) src(%dma_wait3A_290 : memref<40x128xf32, #tpu.memory_space<vmem_shared>>) dst(%arg11 : memref<40x128xf32, #tpu.memory_space<vmem>>)
      tpu.yield
    }) : () -> ()
    %mul3A_266 = arith.constant 10240 : i32
    %mul3A_267 = arith.muli %arg0, %mul3A_266 : i32
    %add3A_268 = arith.addi %mul3A_267, %add3A_265 : i32
    "tpu.region"() ({
      %run_scoped3A = tpu.sem_alloc : memref<!tpu.dma_semaphore, #tpu.memory_space<semaphore_mem>>
      %dma_start3A_283 = arith.constant 0 : i32
      %dma_start3A_284 = tpu.memref_slice %arg5[%add3A_268, %dma_start3A_283] : memref<20480x128xf32, #tpu.memory_space<hbm>> -> memref<40x128xf32, #tpu.memory_space<hbm>>
      %dma_start3A_285 = arith.constant 0 : i32
      %dma_start3A_286 = tpu.memref_slice %arg5[%add3A_268, %dma_start3A_285] : memref<20480x128xf32, #tpu.memory_space<hbm>> -> memref<40x128xf32, #tpu.memory_space<hbm>>
      tpu.enqueue_dma source(%arg11 : memref<40x128xf32, #tpu.memory_space<vmem>>) target(%dma_start3A_286 : memref<40x128xf32, #tpu.memory_space<hbm>>) target_semaphore(%run_scoped3A : memref<!tpu.dma_semaphore, #tpu.memory_space<semaphore_mem>>)
      %dma_wait3A_287 = arith.constant 0 : i32
      %dma_wait3A_288 = tpu.memref_slice %arg5[%add3A_268, %dma_wait3A_287] : memref<20480x128xf32, #tpu.memory_space<hbm>> -> memref<40x128xf32, #tpu.memory_space<hbm>>
      %dma_wait3A_289 = arith.constant 0 : i32
      %dma_wait3A_290 = tpu.memref_slice %arg5[%add3A_268, %dma_wait3A_289] : memref<20480x128xf32, #tpu.memory_space<hbm>> -> memref<40x128xf32, #tpu.memory_space<hbm>>
      tpu.wait_dma2 semaphore(%run_scoped3A : memref<!tpu.dma_semaphore, #tpu.memory_space<semaphore_mem>>) src(%arg11 : memref<40x128xf32, #tpu.memory_space<vmem>>) dst(%dma_wait3A_290 : memref<40x128xf32, #tpu.memory_space<hbm>>)
      tpu.yield
    }) : () -> ()
    %mul3A_269 = arith.constant 640 : i32
    %mul3A_270 = arith.muli %arg1, %mul3A_269 : i32
    %add3A_271 = arith.constant 560 : i32
    %add3A_272 = arith.addi %mul3A_270, %add3A_271 : i32
    "tpu.region"() ({
      %run_scoped3A = tpu.sem_alloc : memref<!tpu.dma_semaphore, #tpu.memory_space<semaphore_mem>>
      %dma_start3A_283 = arith.constant 0 : i32
      %dma_start3A_284 = tpu.memref_slice %arg13[%add3A_272, %dma_start3A_283] : memref<10240x128xf32, #tpu.memory_space<vmem_shared>> -> memref<40x128xf32, #tpu.memory_space<vmem_shared>>
      %dma_start3A_285 = arith.constant 0 : i32
      %dma_start3A_286 = tpu.memref_slice %arg13[%add3A_272, %dma_start3A_285] : memref<10240x128xf32, #tpu.memory_space<vmem_shared>> -> memref<40x128xf32, #tpu.memory_space<vmem_shared>>
      tpu.enqueue_dma source(%dma_start3A_286 : memref<40x128xf32, #tpu.memory_space<vmem_shared>>) target(%arg11 : memref<40x128xf32, #tpu.memory_space<vmem>>) target_semaphore(%run_scoped3A : memref<!tpu.dma_semaphore, #tpu.memory_space<semaphore_mem>>)
      %dma_wait3A_287 = arith.constant 0 : i32
      %dma_wait3A_288 = tpu.memref_slice %arg13[%add3A_272, %dma_wait3A_287] : memref<10240x128xf32, #tpu.memory_space<vmem_shared>> -> memref<40x128xf32, #tpu.memory_space<vmem_shared>>
      %dma_wait3A_289 = arith.constant 0 : i32
      %dma_wait3A_290 = tpu.memref_slice %arg13[%add3A_272, %dma_wait3A_289] : memref<10240x128xf32, #tpu.memory_space<vmem_shared>> -> memref<40x128xf32, #tpu.memory_space<vmem_shared>>
      tpu.wait_dma2 semaphore(%run_scoped3A : memref<!tpu.dma_semaphore, #tpu.memory_space<semaphore_mem>>) src(%dma_wait3A_290 : memref<40x128xf32, #tpu.memory_space<vmem_shared>>) dst(%arg11 : memref<40x128xf32, #tpu.memory_space<vmem>>)
      tpu.yield
    }) : () -> ()
    %mul3A_273 = arith.constant 10240 : i32
    %mul3A_274 = arith.muli %arg0, %mul3A_273 : i32
    %add3A_275 = arith.addi %mul3A_274, %add3A_272 : i32
    "tpu.region"() ({
      %run_scoped3A = tpu.sem_alloc : memref<!tpu.dma_semaphore, #tpu.memory_space<semaphore_mem>>
      %dma_start3A_283 = arith.constant 0 : i32
      %dma_start3A_284 = tpu.memref_slice %arg5[%add3A_275, %dma_start3A_283] : memref<20480x128xf32, #tpu.memory_space<hbm>> -> memref<40x128xf32, #tpu.memory_space<hbm>>
      %dma_start3A_285 = arith.constant 0 : i32
      %dma_start3A_286 = tpu.memref_slice %arg5[%add3A_275, %dma_start3A_285] : memref<20480x128xf32, #tpu.memory_space<hbm>> -> memref<40x128xf32, #tpu.memory_space<hbm>>
      tpu.enqueue_dma source(%arg11 : memref<40x128xf32, #tpu.memory_space<vmem>>) target(%dma_start3A_286 : memref<40x128xf32, #tpu.memory_space<hbm>>) target_semaphore(%run_scoped3A : memref<!tpu.dma_semaphore, #tpu.memory_space<semaphore_mem>>)
      %dma_wait3A_287 = arith.constant 0 : i32
      %dma_wait3A_288 = tpu.memref_slice %arg5[%add3A_275, %dma_wait3A_287] : memref<20480x128xf32, #tpu.memory_space<hbm>> -> memref<40x128xf32, #tpu.memory_space<hbm>>
      %dma_wait3A_289 = arith.constant 0 : i32
      %dma_wait3A_290 = tpu.memref_slice %arg5[%add3A_275, %dma_wait3A_289] : memref<20480x128xf32, #tpu.memory_space<hbm>> -> memref<40x128xf32, #tpu.memory_space<hbm>>
      tpu.wait_dma2 semaphore(%run_scoped3A : memref<!tpu.dma_semaphore, #tpu.memory_space<semaphore_mem>>) src(%arg11 : memref<40x128xf32, #tpu.memory_space<vmem>>) dst(%dma_wait3A_290 : memref<40x128xf32, #tpu.memory_space<hbm>>)
      tpu.yield
    }) : () -> ()
    %mul3A_276 = arith.constant 640 : i32
    %mul3A_277 = arith.muli %arg1, %mul3A_276 : i32
    %add3A_278 = arith.constant 600 : i32
    %add3A_279 = arith.addi %mul3A_277, %add3A_278 : i32
    "tpu.region"() ({
      %run_scoped3A = tpu.sem_alloc : memref<!tpu.dma_semaphore, #tpu.memory_space<semaphore_mem>>
      %dma_start3A_283 = arith.constant 0 : i32
      %dma_start3A_284 = tpu.memref_slice %arg13[%add3A_279, %dma_start3A_283] : memref<10240x128xf32, #tpu.memory_space<vmem_shared>> -> memref<40x128xf32, #tpu.memory_space<vmem_shared>>
      %dma_start3A_285 = arith.constant 0 : i32
      %dma_start3A_286 = tpu.memref_slice %arg13[%add3A_279, %dma_start3A_285] : memref<10240x128xf32, #tpu.memory_space<vmem_shared>> -> memref<40x128xf32, #tpu.memory_space<vmem_shared>>
      tpu.enqueue_dma source(%dma_start3A_286 : memref<40x128xf32, #tpu.memory_space<vmem_shared>>) target(%arg11 : memref<40x128xf32, #tpu.memory_space<vmem>>) target_semaphore(%run_scoped3A : memref<!tpu.dma_semaphore, #tpu.memory_space<semaphore_mem>>)
      %dma_wait3A_287 = arith.constant 0 : i32
      %dma_wait3A_288 = tpu.memref_slice %arg13[%add3A_279, %dma_wait3A_287] : memref<10240x128xf32, #tpu.memory_space<vmem_shared>> -> memref<40x128xf32, #tpu.memory_space<vmem_shared>>
      %dma_wait3A_289 = arith.constant 0 : i32
      %dma_wait3A_290 = tpu.memref_slice %arg13[%add3A_279, %dma_wait3A_289] : memref<10240x128xf32, #tpu.memory_space<vmem_shared>> -> memref<40x128xf32, #tpu.memory_space<vmem_shared>>
      tpu.wait_dma2 semaphore(%run_scoped3A : memref<!tpu.dma_semaphore, #tpu.memory_space<semaphore_mem>>) src(%dma_wait3A_290 : memref<40x128xf32, #tpu.memory_space<vmem_shared>>) dst(%arg11 : memref<40x128xf32, #tpu.memory_space<vmem>>)
      tpu.yield
    }) : () -> ()
    %mul3A_280 = arith.constant 10240 : i32
    %mul3A_281 = arith.muli %arg0, %mul3A_280 : i32
    %add3A_282 = arith.addi %mul3A_281, %add3A_279 : i32
    "tpu.region"() ({
      %run_scoped3A = tpu.sem_alloc : memref<!tpu.dma_semaphore, #tpu.memory_space<semaphore_mem>>
      %dma_start3A_283 = arith.constant 0 : i32
      %dma_start3A_284 = tpu.memref_slice %arg5[%add3A_282, %dma_start3A_283] : memref<20480x128xf32, #tpu.memory_space<hbm>> -> memref<40x128xf32, #tpu.memory_space<hbm>>
      %dma_start3A_285 = arith.constant 0 : i32
      %dma_start3A_286 = tpu.memref_slice %arg5[%add3A_282, %dma_start3A_285] : memref<20480x128xf32, #tpu.memory_space<hbm>> -> memref<40x128xf32, #tpu.memory_space<hbm>>
      tpu.enqueue_dma source(%arg11 : memref<40x128xf32, #tpu.memory_space<vmem>>) target(%dma_start3A_286 : memref<40x128xf32, #tpu.memory_space<hbm>>) target_semaphore(%run_scoped3A : memref<!tpu.dma_semaphore, #tpu.memory_space<semaphore_mem>>)
      %dma_wait3A_287 = arith.constant 0 : i32
      %dma_wait3A_288 = tpu.memref_slice %arg5[%add3A_282, %dma_wait3A_287] : memref<20480x128xf32, #tpu.memory_space<hbm>> -> memref<40x128xf32, #tpu.memory_space<hbm>>
      %dma_wait3A_289 = arith.constant 0 : i32
      %dma_wait3A_290 = tpu.memref_slice %arg5[%add3A_282, %dma_wait3A_289] : memref<20480x128xf32, #tpu.memory_space<hbm>> -> memref<40x128xf32, #tpu.memory_space<hbm>>
      tpu.wait_dma2 semaphore(%run_scoped3A : memref<!tpu.dma_semaphore, #tpu.memory_space<semaphore_mem>>) src(%arg11 : memref<40x128xf32, #tpu.memory_space<vmem>>) dst(%dma_wait3A_290 : memref<40x128xf32, #tpu.memory_space<hbm>>)
      tpu.yield
    }) : () -> ()
    return
  }
}

module attributes {stable_mosaic.version = 14 : i64} {
  func.func @_lin1_body(%arg0: i32, %arg1: memref<2000x128xf32, #tpu.memory_space<vmem>>, %arg2: memref<128x128xf32, #tpu.memory_space<vmem>>, %arg3: memref<2000x128xf32, #tpu.memory_space<vmem>>) attributes {dimension_semantics = [#tpu.dimension_semantics<arbitrary>], iteration_bounds = array<i64: 5>, scalar_prefetch = 0 : i64, scratch_operands = 0 : i64, tpu.core_type = #tpu.core_type<tc>, window_params = [{transform_indices = @transform_0, window_bounds = array<i64: 2000, 128>}, {pipeline_mode = #tpu.pipeline_mode<synchronous>, transform_indices = @transform_1, window_bounds = array<i64: 128, 128>}, {transform_indices = @transform_2, window_bounds = array<i64: 2000, 128>}]} {
    %get3A = arith.constant 0 : index
    %get3A_0 = arith.constant 0 : index
    %get3A_1 = vector.load %arg1[%get3A, %get3A_0] : memref<2000x128xf32, #tpu.memory_space<vmem>>, vector<2000x128xf32>
    %get3A_2 = arith.constant 0 : index
    %get3A_3 = arith.constant 0 : index
    %get3A_4 = vector.load %arg2[%get3A_2, %get3A_3] : memref<128x128xf32, #tpu.memory_space<vmem>>, vector<128x128xf32>
    %dot_general3A = arith.constant dense<0.000000e+00> : vector<2000x128xf32>
    %dot_general3A_5 = tpu.matmul %get3A_1, %get3A_4, %dot_general3A {dimension_numbers = #tpu.dot_dimension_numbers<[1], [0], [0], [1], [0, 0, 1, 1], [], []>, transpose_lhs_hint = false} : vector<2000x128xf32>, vector<128x128xf32>, vector<2000x128xf32> -> vector<2000x128xf32>
    %mul3A = arith.constant 0.0883883461 : f32
    %mul3A_6 = vector.broadcast %mul3A : f32 to vector<2000x128xf32>
    %mul3A_7 = arith.mulf %dot_general3A_5, %mul3A_6 : vector<2000x128xf32>
    %swap3A = arith.constant 0 : index
    %swap3A_8 = arith.constant 0 : index
    %swap3A_9 = vector.load %arg3[%swap3A, %swap3A_8] : memref<2000x128xf32, #tpu.memory_space<vmem>>, vector<2000x128xf32>
    tpu.vector_store %arg3[%swap3A, %swap3A_8], %mul3A_7 {strides = array<i32>} : memref<2000x128xf32, #tpu.memory_space<vmem>>, vector<2000x128xf32>,
    return
  }
  func.func @transform_0(%arg0: i32) -> (i32, i32) {
    %c0_i32 = arith.constant 0 : i32
    %c0_i32_0 = arith.constant 0 : i32
    return %arg0, %c0_i32 : i32, i32
  }
  func.func @transform_1(%arg0: i32) -> (i32, i32) {
    %c0_i32 = arith.constant 0 : i32
    %c0_i32_0 = arith.constant 0 : i32
    %c0_i32_1 = arith.constant 0 : i32
    return %c0_i32, %c0_i32_0 : i32, i32
  }
  func.func @transform_2(%arg0: i32) -> (i32, i32) {
    %c0_i32 = arith.constant 0 : i32
    %c0_i32_0 = arith.constant 0 : i32
    return %arg0, %c0_i32 : i32, i32
  }
}

module attributes {stable_mosaic.version = 14 : i64} {
  func.func @_edge_coef_body(%arg0: i32, %arg1: memref<6400x8xf32, #tpu.memory_space<vmem>>, %arg2: memref<6400x1xf32, #tpu.memory_space<vmem>>, %arg3: memref<2x6400xi32, #tpu.memory_space<vmem>>, %arg4: memref<8x128xf32, #tpu.memory_space<vmem>>, %arg5: memref<128x64xf32, #tpu.memory_space<vmem>>, %arg6: memref<128x64xf32, #tpu.memory_space<vmem>>, %arg7: memref<6400x64xi32, #tpu.memory_space<vmem>>, %arg8: memref<160x2x40xi32, #tpu.memory_space<vmem>>) attributes {dimension_semantics = [#tpu.dimension_semantics<arbitrary>], iteration_bounds = array<i64: 50>, scalar_prefetch = 0 : i64, scratch_operands = 0 : i64, tpu.core_type = #tpu.core_type<tc>, window_params = [{transform_indices = @transform_0, window_bounds = array<i64: 6400, 8>}, {transform_indices = @transform_1, window_bounds = array<i64: 6400, 1>}, {transform_indices = @transform_2, window_bounds = array<i64: 2, 6400>}, {pipeline_mode = #tpu.pipeline_mode<synchronous>, transform_indices = @transform_3, window_bounds = array<i64: 8, 128>}, {pipeline_mode = #tpu.pipeline_mode<synchronous>, transform_indices = @transform_4, window_bounds = array<i64: 128, 64>}, {pipeline_mode = #tpu.pipeline_mode<synchronous>, transform_indices = @transform_5, window_bounds = array<i64: 128, 64>}, {transform_indices = @transform_6, window_bounds = array<i64: 6400, 64>}, {transform_indices = @transform_7, window_bounds = array<i64: 160, 2, 40>}]} {
    %get3A = arith.constant 0 : index
    %get3A_0 = arith.constant 0 : index
    %get3A_1 = vector.load %arg1[%get3A, %get3A_0] : memref<6400x8xf32, #tpu.memory_space<vmem>>, vector<6400x8xf32>
    %get3A_2 = arith.constant 0 : index
    %get3A_3 = arith.constant 0 : index
    %get3A_4 = vector.load %arg4[%get3A_2, %get3A_3] : memref<8x128xf32, #tpu.memory_space<vmem>>, vector<8x128xf32>
    %dot_general3A = arith.constant dense<0.000000e+00> : vector<6400x128xf32>
    %dot_general3A_5 = tpu.matmul %get3A_1, %get3A_4, %dot_general3A {dimension_numbers = #tpu.dot_dimension_numbers<[1], [0], [0], [1], [0, 0, 1, 1], [], []>, transpose_lhs_hint = false} : vector<6400x8xf32>, vector<8x128xf32>, vector<6400x128xf32> -> vector<6400x128xf32>
    %mul3A = arith.constant 0.353553385 : f32
    %mul3A_6 = vector.broadcast %mul3A : f32 to vector<6400x128xf32>
    %mul3A_7 = arith.mulf %dot_general3A_5, %mul3A_6 : vector<6400x128xf32>
    %logistic3A = arith.negf %mul3A_7 : vector<6400x128xf32>
    %logistic3A_8 = math.exp %logistic3A : vector<6400x128xf32>
    %logistic3A_9 = arith.constant 1.000000e+00 : f32
    %logistic3A_10 = vector.broadcast %logistic3A_9 : f32 to vector<6400x128xf32>
    %logistic3A_11 = arith.addf %logistic3A_10, %logistic3A_8 : vector<6400x128xf32>
    %logistic3A_12 = arith.divf %logistic3A_10, %logistic3A_11 : vector<6400x128xf32>
    %mul3A_13 = arith.mulf %mul3A_7, %logistic3A_12 : vector<6400x128xf32>
    %get3A_14 = arith.constant 0 : index
    %get3A_15 = arith.constant 0 : index
    %get3A_16 = vector.load %arg2[%get3A_14, %get3A_15] : memref<6400x1xf32, #tpu.memory_space<vmem>>, vector<6400x1xf32>
    %mul3A_17 = arith.constant 0.353553385 : f32
    %mul3A_18 = vector.broadcast %mul3A_17 : f32 to vector<6400x1xf32>
    %mul3A_19 = arith.mulf %get3A_16, %mul3A_18 : vector<6400x1xf32>
    %mul3A_20 = vector.broadcast %mul3A_19 : vector<6400x1xf32> to vector<6400x128xf32>
    %mul3A_21 = arith.mulf %mul3A_13, %mul3A_20 : vector<6400x128xf32>
    %get3A_22 = arith.constant 0 : index
    %get3A_23 = arith.constant 0 : index
    %get3A_24 = vector.load %arg5[%get3A_22, %get3A_23] : memref<128x64xf32, #tpu.memory_space<vmem>>, vector<128x64xf32>
    %dot_general3A_25 = arith.constant dense<0.000000e+00> : vector<6400x64xf32>
    %dot_general3A_26 = tpu.matmul %mul3A_21, %get3A_24, %dot_general3A_25 {dimension_numbers = #tpu.dot_dimension_numbers<[1], [0], [0], [1], [0, 0, 1, 1], [], []>, transpose_lhs_hint = false} : vector<6400x128xf32>, vector<128x64xf32>, vector<6400x64xf32> -> vector<6400x64xf32>
    %get3A_27 = arith.constant 0 : index
    %get3A_28 = arith.constant 0 : index
    %get3A_29 = vector.load %arg6[%get3A_27, %get3A_28] : memref<128x64xf32, #tpu.memory_space<vmem>>, vector<128x64xf32>
    %dot_general3A_30 = arith.constant dense<0.000000e+00> : vector<6400x64xf32>
    %dot_general3A_31 = tpu.matmul %mul3A_21, %get3A_29, %dot_general3A_30 {dimension_numbers = #tpu.dot_dimension_numbers<[1], [0], [0], [1], [0, 0, 1, 1], [], []>, transpose_lhs_hint = false} : vector<6400x128xf32>, vector<128x64xf32>, vector<6400x64xf32> -> vector<6400x64xf32>
    %convert_element_type3A = arith.truncf %dot_general3A_26 : vector<6400x64xf32> to vector<6400x64xbf16>
    %bitcast_convert_type3A = tpu.bitcast %convert_element_type3A : vector<6400x64xbf16> -> vector<6400x64xi16>
    %convert_element_type3A_32 = arith.extui %bitcast_convert_type3A : vector<6400x64xi16> to vector<6400x64xi32>
    %convert_element_type3A_33 = arith.truncf %dot_general3A_31 : vector<6400x64xf32> to vector<6400x64xbf16>
    %bitcast_convert_type3A_34 = tpu.bitcast %convert_element_type3A_33 : vector<6400x64xbf16> -> vector<6400x64xi16>
    %convert_element_type3A_35 = arith.extui %bitcast_convert_type3A_34 : vector<6400x64xi16> to vector<6400x64xi32>
    %shift_left3A = arith.constant 16 : i32
    %shift_left3A_36 = vector.broadcast %shift_left3A : i32 to vector<6400x64xi32>
    %shift_left3A_37 = arith.shli %convert_element_type3A_35, %shift_left3A_36 : vector<6400x64xi32>
    %or3A = arith.ori %convert_element_type3A_32, %shift_left3A_37 : vector<6400x64xi32>
    %swap3A = arith.constant 0 : index
    %swap3A_38 = arith.constant 0 : index
    %swap3A_39 = vector.load %arg7[%swap3A, %swap3A_38] : memref<6400x64xi32, #tpu.memory_space<vmem>>, vector<6400x64xi32>
    tpu.vector_store %arg7[%swap3A, %swap3A_38], %or3A {strides = array<i32>} : memref<6400x64xi32, #tpu.memory_space<vmem>>, vector<6400x64xi32>,
    %get3A_40 = arith.constant 0 : index
    %get3A_41 = arith.constant 0 : index
    %get3A_42 = vector.load %arg3[%get3A_40, %get3A_41] : memref<2x6400xi32, #tpu.memory_space<vmem>>, vector<2x6400xi32>
    %reshape3A = vector.shape_cast %get3A_42 : vector<2x6400xi32> to vector<2x160x40xi32>
    %transpose3A = tpu.transpose %reshape3A, [1, 0, 2] : vector<2x160x40xi32> -> vector<160x2x40xi32>
    %swap3A_43 = arith.constant 0 : index
    %swap3A_44 = arith.constant 0 : index
    %swap3A_45 = arith.constant 0 : index
    %swap3A_46 = vector.load %arg8[%swap3A_43, %swap3A_44, %swap3A_45] : memref<160x2x40xi32, #tpu.memory_space<vmem>>, vector<160x2x40xi32>
    tpu.vector_store %arg8[%swap3A_43, %swap3A_44, %swap3A_45], %transpose3A {strides = array<i32>} : memref<160x2x40xi32, #tpu.memory_space<vmem>>, vector<160x2x40xi32>,
    return
  }
  func.func @transform_0(%arg0: i32) -> (i32, i32) {
    %c0_i32 = arith.constant 0 : i32
    %c0_i32_0 = arith.constant 0 : i32
    return %arg0, %c0_i32 : i32, i32
  }
  func.func @transform_1(%arg0: i32) -> (i32, i32) {
    %c0_i32 = arith.constant 0 : i32
    %c0_i32_0 = arith.constant 0 : i32
    return %arg0, %c0_i32 : i32, i32
  }
  func.func @transform_2(%arg0: i32) -> (i32, i32) {
    %c0_i32 = arith.constant 0 : i32
    %c0_i32_0 = arith.constant 0 : i32
    return %c0_i32, %arg0 : i32, i32
  }
  func.func @transform_3(%arg0: i32) -> (i32, i32) {
    %c0_i32 = arith.constant 0 : i32
    %c0_i32_0 = arith.constant 0 : i32
    %c0_i32_1 = arith.constant 0 : i32
    return %c0_i32, %c0_i32_0 : i32, i32
  }
  func.func @transform_4(%arg0: i32) -> (i32, i32) {
    %c0_i32 = arith.constant 0 : i32
    %c0_i32_0 = arith.constant 0 : i32
    %c0_i32_1 = arith.constant 0 : i32
    return %c0_i32, %c0_i32_0 : i32, i32
  }
  func.func @transform_5(%arg0: i32) -> (i32, i32) {
    %c0_i32 = arith.constant 0 : i32
    %c0_i32_0 = arith.constant 0 : i32
    %c0_i32_1 = arith.constant 0 : i32
    return %c0_i32, %c0_i32_0 : i32, i32
  }
  func.func @transform_6(%arg0: i32) -> (i32, i32) {
    %c0_i32 = arith.constant 0 : i32
    %c0_i32_0 = arith.constant 0 : i32
    return %arg0, %c0_i32 : i32, i32
  }
  func.func @transform_7(%arg0: i32) -> (i32, i32, i32) {
    %c0_i32 = arith.constant 0 : i32
    %c0_i32_0 = arith.constant 0 : i32
    %c0_i32_1 = arith.constant 0 : i32
    return %arg0, %c0_i32, %c0_i32_0 : i32, i32, i32
  }
}

module attributes {stable_mosaic.version = 14 : i64} {
  func.func @_post_body(%arg0: i32, %arg1: memref<2x2000x128xf32, #tpu.memory_space<vmem>>, %arg2: memref<2000x128xf32, #tpu.memory_space<vmem>>, %arg3: memref<2000x4xf32, #tpu.memory_space<vmem>>, %arg4: memref<128x128xf32, #tpu.memory_space<vmem>>, %arg5: memref<4x128x128xf32, #tpu.memory_space<vmem>>, %arg6: memref<2000x128xf32, #tpu.memory_space<vmem>>) attributes {dimension_semantics = [#tpu.dimension_semantics<arbitrary>], iteration_bounds = array<i64: 5>, scalar_prefetch = 0 : i64, scratch_operands = 0 : i64, tpu.core_type = #tpu.core_type<tc>, window_params = [{transform_indices = @transform_0, window_bounds = array<i64: 2, 2000, 128>}, {transform_indices = @transform_1, window_bounds = array<i64: 2000, 128>}, {transform_indices = @transform_2, window_bounds = array<i64: 2000, 4>}, {pipeline_mode = #tpu.pipeline_mode<synchronous>, transform_indices = @transform_3, window_bounds = array<i64: 128, 128>}, {pipeline_mode = #tpu.pipeline_mode<synchronous>, transform_indices = @transform_4, window_bounds = array<i64: 4, 128, 128>}, {transform_indices = @transform_5, window_bounds = array<i64: 2000, 128>}]} {
    %get3A = arith.constant 0 : index
    %get3A_0 = arith.constant 0 : index
    %get3A_1 = arith.constant 0 : index
    %get3A_2 = vector.load %arg1[%get3A, %get3A_0, %get3A_1] : memref<2x2000x128xf32, #tpu.memory_space<vmem>>, vector<1x2000x128xf32>
    %get3A_3 = vector.shape_cast %get3A_2 : vector<1x2000x128xf32> to vector<2000x128xf32>
    %get3A_4 = arith.constant 1 : index
    %get3A_5 = arith.constant 0 : index
    %get3A_6 = arith.constant 0 : index
    %get3A_7 = vector.load %arg1[%get3A_4, %get3A_5, %get3A_6] : memref<2x2000x128xf32, #tpu.memory_space<vmem>>, vector<1x2000x128xf32>
    %get3A_8 = vector.shape_cast %get3A_7 : vector<1x2000x128xf32> to vector<2000x128xf32>
    %add3A = arith.addf %get3A_3, %get3A_8 : vector<2000x128xf32>
    %get3A_9 = arith.constant 0 : index
    %get3A_10 = arith.constant 0 : index
    %get3A_11 = vector.load %arg4[%get3A_9, %get3A_10] : memref<128x128xf32, #tpu.memory_space<vmem>>, vector<128x128xf32>
    %dot_general3A = arith.constant dense<0.000000e+00> : vector<2000x128xf32>
    %dot_general3A_12 = tpu.matmul %add3A, %get3A_11, %dot_general3A {dimension_numbers = #tpu.dot_dimension_numbers<[1], [0], [0], [1], [0, 0, 1, 1], [], []>, transpose_lhs_hint = false} : vector<2000x128xf32>, vector<128x128xf32>, vector<2000x128xf32> -> vector<2000x128xf32>
    %mul3A = arith.constant 1.562500e-02 : f32
    %mul3A_13 = vector.broadcast %mul3A : f32 to vector<2000x128xf32>
    %mul3A_14 = arith.mulf %dot_general3A_12, %mul3A_13 : vector<2000x128xf32>
    %get3A_15 = arith.constant 0 : index
    %get3A_16 = arith.constant 0 : index
    %get3A_17 = vector.load %arg2[%get3A_15, %get3A_16] : memref<2000x128xf32, #tpu.memory_space<vmem>>, vector<2000x128xf32>
    %get3A_18 = arith.constant 0 : index
    %get3A_19 = arith.constant 0 : index
    %get3A_20 = vector.load %arg3[%get3A_18, %get3A_19] : memref<2000x4xf32, #tpu.memory_space<vmem>>, vector<2000x1xf32>
    %mul3A_21 = vector.broadcast %get3A_20 : vector<2000x1xf32> to vector<2000x128xf32>
    %mul3A_22 = arith.mulf %get3A_17, %mul3A_21 : vector<2000x128xf32>
    %get3A_23 = arith.constant 0 : index
    %get3A_24 = arith.constant 0 : index
    %get3A_25 = arith.constant 0 : index
    %get3A_26 = vector.load %arg5[%get3A_23, %get3A_24, %get3A_25] : memref<4x128x128xf32, #tpu.memory_space<vmem>>, vector<1x128x128xf32>
    %get3A_27 = vector.shape_cast %get3A_26 : vector<1x128x128xf32> to vector<128x128xf32>
    %dot_general3A_28 = arith.constant dense<0.000000e+00> : vector<2000x128xf32>
    %dot_general3A_29 = tpu.matmul %mul3A_22, %get3A_27, %dot_general3A_28 {dimension_numbers = #tpu.dot_dimension_numbers<[1], [0], [0], [1], [0, 0, 1, 1], [], []>, transpose_lhs_hint = false} : vector<2000x128xf32>, vector<128x128xf32>, vector<2000x128xf32> -> vector<2000x128xf32>
    %mul3A_30 = arith.constant 0.0441941731 : f32
    %mul3A_31 = vector.broadcast %mul3A_30 : f32 to vector<2000x128xf32>
    %mul3A_32 = arith.mulf %dot_general3A_29, %mul3A_31 : vector<2000x128xf32>
    %add3A_33 = arith.addf %mul3A_14, %mul3A_32 : vector<2000x128xf32>
    %get3A_34 = arith.constant 0 : index
    %get3A_35 = arith.constant 0 : index
    %get3A_36 = vector.load %arg2[%get3A_34, %get3A_35] : memref<2000x128xf32, #tpu.memory_space<vmem>>, vector<2000x128xf32>
    %get3A_37 = arith.constant 0 : index
    %get3A_38 = arith.constant 1 : index
    %get3A_39 = vector.load %arg3[%get3A_37, %get3A_38] : memref<2000x4xf32, #tpu.memory_space<vmem>>, vector<2000x1xf32>
    %mul3A_40 = vector.broadcast %get3A_39 : vector<2000x1xf32> to vector<2000x128xf32>
    %mul3A_41 = arith.mulf %get3A_36, %mul3A_40 : vector<2000x128xf32>
    %get3A_42 = arith.constant 1 : index
    %get3A_43 = arith.constant 0 : index
    %get3A_44 = arith.constant 0 : index
    %get3A_45 = vector.load %arg5[%get3A_42, %get3A_43, %get3A_44] : memref<4x128x128xf32, #tpu.memory_space<vmem>>, vector<1x128x128xf32>
    %get3A_46 = vector.shape_cast %get3A_45 : vector<1x128x128xf32> to vector<128x128xf32>
    %dot_general3A_47 = arith.constant dense<0.000000e+00> : vector<2000x128xf32>
    %dot_general3A_48 = tpu.matmul %mul3A_41, %get3A_46, %dot_general3A_47 {dimension_numbers = #tpu.dot_dimension_numbers<[1], [0], [0], [1], [0, 0, 1, 1], [], []>, transpose_lhs_hint = false} : vector<2000x128xf32>, vector<128x128xf32>, vector<2000x128xf32> -> vector<2000x128xf32>
    %mul3A_49 = arith.constant 0.0441941731 : f32
    %mul3A_50 = vector.broadcast %mul3A_49 : f32 to vector<2000x128xf32>
    %mul3A_51 = arith.mulf %dot_general3A_48, %mul3A_50 : vector<2000x128xf32>
    %add3A_52 = arith.addf %add3A_33, %mul3A_51 : vector<2000x128xf32>
    %get3A_53 = arith.constant 0 : index
    %get3A_54 = arith.constant 0 : index
    %get3A_55 = vector.load %arg2[%get3A_53, %get3A_54] : memref<2000x128xf32, #tpu.memory_space<vmem>>, vector<2000x128xf32>
    %get3A_56 = arith.constant 0 : index
    %get3A_57 = arith.constant 2 : index
    %get3A_58 = vector.load %arg3[%get3A_56, %get3A_57] : memref<2000x4xf32, #tpu.memory_space<vmem>>, vector<2000x1xf32>
    %mul3A_59 = vector.broadcast %get3A_58 : vector<2000x1xf32> to vector<2000x128xf32>
    %mul3A_60 = arith.mulf %get3A_55, %mul3A_59 : vector<2000x128xf32>
    %get3A_61 = arith.constant 2 : index
    %get3A_62 = arith.constant 0 : index
    %get3A_63 = arith.constant 0 : index
    %get3A_64 = vector.load %arg5[%get3A_61, %get3A_62, %get3A_63] : memref<4x128x128xf32, #tpu.memory_space<vmem>>, vector<1x128x128xf32>
    %get3A_65 = vector.shape_cast %get3A_64 : vector<1x128x128xf32> to vector<128x128xf32>
    %dot_general3A_66 = arith.constant dense<0.000000e+00> : vector<2000x128xf32>
    %dot_general3A_67 = tpu.matmul %mul3A_60, %get3A_65, %dot_general3A_66 {dimension_numbers = #tpu.dot_dimension_numbers<[1], [0], [0], [1], [0, 0, 1, 1], [], []>, transpose_lhs_hint = false} : vector<2000x128xf32>, vector<128x128xf32>, vector<2000x128xf32> -> vector<2000x128xf32>
    %mul3A_68 = arith.constant 0.0441941731 : f32
    %mul3A_69 = vector.broadcast %mul3A_68 : f32 to vector<2000x128xf32>
    %mul3A_70 = arith.mulf %dot_general3A_67, %mul3A_69 : vector<2000x128xf32>
    %add3A_71 = arith.addf %add3A_52, %mul3A_70 : vector<2000x128xf32>
    %get3A_72 = arith.constant 0 : index
    %get3A_73 = arith.constant 0 : index
    %get3A_74 = vector.load %arg2[%get3A_72, %get3A_73] : memref<2000x128xf32, #tpu.memory_space<vmem>>, vector<2000x128xf32>
    %get3A_75 = arith.constant 0 : index
    %get3A_76 = arith.constant 3 : index
    %get3A_77 = vector.load %arg3[%get3A_75, %get3A_76] : memref<2000x4xf32, #tpu.memory_space<vmem>>, vector<2000x1xf32>
    %mul3A_78 = vector.broadcast %get3A_77 : vector<2000x1xf32> to vector<2000x128xf32>
    %mul3A_79 = arith.mulf %get3A_74, %mul3A_78 : vector<2000x128xf32>
    %get3A_80 = arith.constant 3 : index
    %get3A_81 = arith.constant 0 : index
    %get3A_82 = arith.constant 0 : index
    %get3A_83 = vector.load %arg5[%get3A_80, %get3A_81, %get3A_82] : memref<4x128x128xf32, #tpu.memory_space<vmem>>, vector<1x128x128xf32>
    %get3A_84 = vector.shape_cast %get3A_83 : vector<1x128x128xf32> to vector<128x128xf32>
    %dot_general3A_85 = arith.constant dense<0.000000e+00> : vector<2000x128xf32>
    %dot_general3A_86 = tpu.matmul %mul3A_79, %get3A_84, %dot_general3A_85 {dimension_numbers = #tpu.dot_dimension_numbers<[1], [0], [0], [1], [0, 0, 1, 1], [], []>, transpose_lhs_hint = false} : vector<2000x128xf32>, vector<128x128xf32>, vector<2000x128xf32> -> vector<2000x128xf32>
    %mul3A_87 = arith.constant 0.0441941731 : f32
    %mul3A_88 = vector.broadcast %mul3A_87 : f32 to vector<2000x128xf32>
    %mul3A_89 = arith.mulf %dot_general3A_86, %mul3A_88 : vector<2000x128xf32>
    %add3A_90 = arith.addf %add3A_71, %mul3A_89 : vector<2000x128xf32>
    %swap3A = arith.constant 0 : index
    %swap3A_91 = arith.constant 0 : index
    %swap3A_92 = vector.load %arg6[%swap3A, %swap3A_91] : memref<2000x128xf32, #tpu.memory_space<vmem>>, vector<2000x128xf32>
    tpu.vector_store %arg6[%swap3A, %swap3A_91], %add3A_90 {strides = array<i32>} : memref<2000x128xf32, #tpu.memory_space<vmem>>, vector<2000x128xf32>,
    return
  }
  func.func @transform_0(%arg0: i32) -> (i32, i32, i32) {
    %c0_i32 = arith.constant 0 : i32
    %c0_i32_0 = arith.constant 0 : i32
    %c0_i32_1 = arith.constant 0 : i32
    return %c0_i32, %arg0, %c0_i32_0 : i32, i32, i32
  }
  func.func @transform_1(%arg0: i32) -> (i32, i32) {
    %c0_i32 = arith.constant 0 : i32
    %c0_i32_0 = arith.constant 0 : i32
    return %arg0, %c0_i32 : i32, i32
  }
  func.func @transform_2(%arg0: i32) -> (i32, i32) {
    %c0_i32 = arith.constant 0 : i32
    %c0_i32_0 = arith.constant 0 : i32
    return %arg0, %c0_i32 : i32, i32
  }
  func.func @transform_3(%arg0: i32) -> (i32, i32) {
    %c0_i32 = arith.constant 0 : i32
    %c0_i32_0 = arith.constant 0 : i32
    %c0_i32_1 = arith.constant 0 : i32
    return %c0_i32, %c0_i32_0 : i32, i32
  }
  func.func @transform_4(%arg0: i32) -> (i32, i32, i32) {
    %c0_i32 = arith.constant 0 : i32
    %c0_i32_0 = arith.constant 0 : i32
    %c0_i32_1 = arith.constant 0 : i32
    %c0_i32_2 = arith.constant 0 : i32
    return %c0_i32, %c0_i32_0, %c0_i32_1 : i32, i32, i32
  }
  func.func @transform_5(%arg0: i32) -> (i32, i32) {
    %c0_i32 = arith.constant 0 : i32
    %c0_i32_0 = arith.constant 0 : i32
    return %arg0, %c0_i32 : i32, i32
  }
}

</mosaic_0001>

<sc_bundles>
// kernel: kernel.6.cloned.1.call-start
scs
__scs_entry_jumppad:
0x0: {  	(pc) =	sbr.rel $0x88, $3  }
0x1: {  	(tag) =	ssettag $0x0;
	lr =	simm.s32 $0x1  }
0x2: {  	[smem:$0x3F97] =	sst lr;
	_ =	strace $0xD0000000  }
0x3: {  	_ = 	snop  }
0x4: {  	_ = 	snop  }
0x5: {  	_ = 	snop  }
0x6: {  	_ = 	snop  }
0x7: {  	_ = 	snop  }
__scs_overlays_trampoline_lowered:
0x8: {  	[smem:$0x3FA6] =	sst s0  }
0x9: {  	[smem:$0x3FA7] =	sst s1  }
0xa: {  	[smem:$0x3FA8] =	sst s2  }
0xb: {  	[smem:$0x3FA9] =	sst s3  }
0xc: {  	[smem:$0x3FAA] =	sst s4  }
0xd: {  	[smem:$0x3FAB] =	sst s5  }
0xe: {  	[smem:$0x3FAC] =	sst s6  }
0xf: {  	[smem:$0x3FAD] =	sst s7  }
0x10: {  	[smem:$0x3FAE] =	sst s8  }
0x11: {  	[smem:$0x3FAF] =	sst s9;
	s0 =	simm.s32 @!p0 $0x0  }
0x12: {  	s1 =	sld [smem:$0x3F95];
	s0 =	simm.s32 @p0 $0x1  }
0x13: {  	[smem:$0x3FB0] =	sst s0;
	s0 =	simm.s32 @!p1 $0x0  }
0x14: {  	s2 =	sld [smem:$0x3F94];
	s0 =	simm.s32 @p1 $0x1  }
0x15: {  	[smem:$0x3FB1] =	sst s0;
	s0 =	simm.s32 @!p2 $0x0  }
0x16: {  	s3 =	sld [smem:$0x3FDB];
	s0 =	simm.s32 @p2 $0x1  }
0x17: {  	s4 =	simm.s32 $0x1BF5;
	[smem:$0x3FB3] =	sst s0  }
0x18: {  	s0 =	sld [smem:$0x3F96];
	_ =	swait.ge [sflag:s4], $0x0  }
0x19: {  	s7 =	sld [smem:$0x3F97]  }
0x1a: {  	s8 =	sadd.s32 $0xFFFFE003, lr  }
0x1b: {  	s9 =	sadd.s32 $0xFFFFFEF7, lr;
	s5 =	simm.s32 $0xFFFFFFFF;
	p2 =	slt.u32 s8, $0xFFFFF086  }
0x1c: {  	p1 =	slt.u32 s9, $0xF7A;
	s5 =	simm.s32 @!p2 $0x0  }
0x1d: {  	s5 =	simm.s32 @p1 $0x1;
	p0 =	seq.s32 s7, s2  }
0x1e: {  	s7 =	smul.u32 @!p0 $0xF7A, s2;
	p2 =	seq.s32 @!p0 s5, $0x0  }
0x1f: {  	s9 =	smul.u32 $0xF7A, s1;
	s8 =	simm.s32 @!p0 $0x1BF5;
	p2 =	por !p2, p0  }
0x20: {  	[sflag:s8] =	ssyncset.s32 @!p0 $0xFFFFF086;
	s6 =	sadd.s32 @!p0 s3, s7;
	s7 =	simm.s32 @!p0 $0x108  }
0x21: {  	s3 =	sadd.s32 s3, s9;
	s6 =	sadd.s32 @!p0 $0x88, s6;
	s7 =	simm.s32 @p2 $0x1082  }
0x22: {  	[simem:s7], [sflag:s8] =	dma.local @!p0 [hbm:s6], $0xF7A  }
0x23: {  	s9 =	sor.u32 $0xD0000000, s2;
	s6 =	simm.s32 $0x108;
	_ =	swait.ge @!p0 [sflag:s8], $0x0  }
0x24: {  	s3 =	sadd.s32 $0x88, s3;
	s6 =	simm.s32 @!p1 $0x1082;
	[sflag:s4] =	ssyncset.s32 $0xFFFFF086  }
0x25: {  	[simem:s6], [sflag:s4] =	dma.local [hbm:s3], $0xF7A  }
0x26: {  	[smem:$0x3F97] =	sst s1;
	(tag) =	ssettag s2;
	_ =	strace s9  }
0x27: {  	s1 =	sld [smem:$0x3FA7]  }
0x28: {  	s2 =	sld [smem:$0x3FA8]  }
0x29: {  	s4 =	sld [smem:$0x3FAA]  }
0x2a: {  	p0 =	seq.s32 s5, $0x0;
	s5 =	sld [smem:$0x3FAB]  }
0x2b: {  	s6 =	sld [smem:$0x3FAC]  }
0x2c: {  	s7 =	sld [smem:$0x3FAD]  }
0x2d: {  	s3 =	simm.s32 $0x108;
	s8 =	sld [smem:$0x3FAE]  }
0x2e: {  	s3 =	simm.s32 @!p0 $0x1082;
	s9 =	sld [smem:$0x3FAF]  }
0x2f: {  	lr =	sadd.s32 s0, s3;
	s0 =	sld [smem:$0x3FA6]  }
0x30: {  	s3 =	sld [smem:$0x3FA9]  }
0x31: {  	[smem:$0x3FB2] =	sst s10  }
0x32: {  	s10 =	sld [smem:$0x3FB0];
	_ =	sdelay $0x3  }
0x33: {  	p0 =	seq.s32 s10, $0x1;
	s10 =	sld [smem:$0x3FB2];
	_ =	sdelay $0x3  }
0x34: {  	[smem:$0x3FB2] =	sst s10  }
0x35: {  	s10 =	sld [smem:$0x3FB1];
	_ =	sdelay $0x3  }
0x36: {  	p1 =	seq.s32 s10, $0x1;
	s10 =	sld [smem:$0x3FB2];
	_ =	sdelay $0x3  }
0x37: {  	[smem:$0x3FB2] =	sst s10  }
0x38: {  	s10 =	sld [smem:$0x3FB3]  }
0x39: {  	_ = 	snop;
	(pc) =	sbr.ind lr, $3  }
0x3a: {  	_ = 	snop  }
0x3b: {  	_ = 	snop  }
0x3c: {  	p2 =	seq.s32 s10, $0x1;
	s10 =	sld [smem:$0x3FB2]  }
0x3d: {  	_ =	shalt  }
0x3e: {  	_ =	shalt  }
0x3f: {  	_ =	shalt  }
0x40: {  	_ =	shalt  }
0x41: {  	_ =	shalt  }
0x42: {  	_ =	shalt  }
0x43: {  	_ =	shalt  }
0x44: {  	_ =	shalt  }
0x45: {  	_ =	shalt  }
0x46: {  	_ =	shalt  }
0x47: {  	_ =	shalt  }
0x48: {  	_ =	shalt  }
0x49: {  	_ =	shalt  }
0x4a: {  	_ =	shalt  }
0x4b: {  	_ =	shalt  }
0x4c: {  	_ =	shalt  }
0x4d: {  	_ =	shalt  }
0x4e: {  	_ =	shalt  }
0x4f: {  	_ =	shalt  }
0x50: {  	_ =	shalt  }
0x51: {  	_ =	shalt  }
0x52: {  	_ =	shalt  }
0x53: {  	_ =	shalt  }
0x54: {  	_ =	shalt  }
0x55: {  	_ =	shalt  }
0x56: {  	_ =	shalt  }
0x57: {  	_ =	shalt  }
0x58: {  	_ =	shalt  }
0x59: {  	_ =	shalt  }
0x5a: {  	_ =	shalt  }
0x5b: {  	_ =	shalt  }
0x5c: {  	_ =	shalt  }
0x5d: {  	_ =	shalt  }
0x5e: {  	_ =	shalt  }
0x5f: {  	_ =	shalt  }
0x60: {  	_ =	shalt  }
0x61: {  	_ =	shalt  }
0x62: {  	_ =	shalt  }
0x63: {  	_ =	shalt  }
0x64: {  	_ =	shalt  }
0x65: {  	_ =	shalt  }
0x66: {  	_ =	shalt  }
0x67: {  	_ =	shalt  }
0x68: {  	_ =	shalt  }
0x69: {  	_ =	shalt  }
0x6a: {  	_ =	shalt  }
0x6b: {  	_ =	shalt  }
0x6c: {  	_ =	shalt  }
0x6d: {  	_ =	shalt  }
0x6e: {  	_ =	shalt  }
0x6f: {  	_ =	shalt  }
0x70: {  	_ =	shalt  }
0x71: {  	_ =	shalt  }
0x72: {  	_ =	shalt  }
0x73: {  	_ =	shalt  }
0x74: {  	_ =	shalt  }
0x75: {  	_ =	shalt  }
0x76: {  	_ =	shalt  }
0x77: {  	_ =	shalt  }
0x78: {  	_ =	shalt  }
0x79: {  	_ =	shalt  }
0x7a: {  	_ =	shalt  }
0x7b: {  	_ =	shalt  }
0x7c: {  	_ =	shalt  }
0x7d: {  	_ =	shalt  }
0x7e: {  	_ =	shalt  }
0x7f: {  	_ =	shalt  }
0x80: {  	_ =	shalt  }
0x81: {  	_ =	shalt  }
0x82: {  	_ =	shalt  }
0x83: {  	_ =	shalt  }
0x84: {  	_ =	shalt  }
0x85: {  	_ =	shalt  }
0x86: {  	_ =	shalt  }
0x87: {  	_ =	shalt  }
.Lfunc_end0:
.L_simem_size_0:
called_computation_lowered:
.L_overlay_start_0:
0x88: {  	s2 =	sld [smem:$0x3FD9]  }
0x89: {  	s3 =	sld [smem:$0x3FFE];
	_ =	sdelay $0x1  }
0x8a: {  	s1 =	srdreg.scid  }
0x8b: {  	s0 =	sand.u32 $0x1, s1  }
0x8c: {  	s17 =	sshll.u32 s0, $0xA;
	s2 =	sadd.s32 s3, s2  }
0x8d: {  	s2 =	sadd.s32 s2, s17  }
0x8e: {  	[smem:$0x3FBE] =	sst s2  }
0x8f: {  	_ = 	snop  }
0x90: {  	s2 =	sld [smem:$0x3FD0];
	(tm) =	ssettm $0x1  }
0x91: {  	s18 =	sld [smem:$0x3FFB];
	_ =	sdelay $0x3  }
0x92: {  	_ =	strace s18  }
0x93: {  	s3 =	sld [smem:$0x3FFC];
	_ =	sdelay $0x3  }
0x94: {  	_ =	strace s3  }
0x95: {  	s3 =	sld [smem:$0x3FFD];
	_ =	sdelay $0x3  }
0x96: {  	_ =	strace s3  }
0x97: {  	_ =	strace $0x8FFFFFFF  }
0x98: {  	s19 =	sld [smem:$0x3FDB];
	_ =	sdelay $0x1  }
0x99: {  	s4 =	simm.s32 $_scs_section_size  }
0x9a: {  	s5 =	simm.s32 $_size__tile_overlayer_lowered;
	s6 =	simm.s32 $_tile_overlayer_lowered  }
0x9b: {  	s22 =	simm.s32 $0x1BFF;
	s21 =	sshll.u32 s6, $0x1;
	s3 =	sadd.s32 s4, s19  }
0x9c: {  	s7 =	simm.s32 $0x0;
	s20 =	sshll.u32 s5, $0x1;
	s5 =	sadd.s32 s21, s3  }
0x9d: {  	[timem:s7], [sflag:s22] =	dma.local [hbm:s5], s20  }
0x9e: {  	_ =	swait.ge [sflag:s22], s20  }
0x9f: {  	s4 =	ssub.s32 $0x0, s20;
	[sflag:s22] =	ssyncset.done $0x0  }
0xa0: {  	[sflag:s22] =	ssyncadd.s32 s4;
	_ =	sdelay $0x1  }
0xa1: {  	s23 =	simm.s32 $0x1B8B  }
0xa2: {  	_ =	swait.ge [sflag:s23], $0x1  }
0xa3: {  	[sflag:s23] =	ssyncset.done $0x0  }
0xa4: {  	s25 =	simm.s32 $0x1B8E;
	s24 =	sld [smem:$0x3FFE];
	[sflag:s23] =	ssyncadd.s32 $0xFFFFFFFF  }
0xa5: {  	s26 =	simm.s32 $execute0_lowered;
	[smem:$0x3FD2] =	sst s25  }
0xa6: {  	s5 =	sshll.u32 s26, $0x1;
	_ =	strace $0x80000046;
	[dreg:$0x1] =	wrdreg $0xFFFFFFFF  }
0xa7: {  	s28 =	simm.s32 $_size_execute0_lowered;
	s3 =	sadd.s32 s3, s5;
	[dreg:$0x0] =	wrdreg $0x0  }
0xa8: {  	s5 =	sshll.u32 s28, $0x1;
	[dreg:$0x2] =	wrdreg s3  }
0xa9: {  	[dreg:$0x3] =	wrdreg s5  }
0xaa: {  	[dreg:$0x4] =	wrdreg $0xC0  }
0xab: {  	_ =	task [dreg:s7], $0x5FFFF  }
0xac: {  	[dreg:$0x1] =	wrdreg $0xFFFFFFFF  }
0xad: {  	[dreg:$0x0] =	wrdreg $0x60  }
0xae: {  	[dreg:$0x2] =	wrdreg s24  }
0xaf: {  	[dreg:$0x3] =	wrdreg s2  }
0xb0: {  	[dreg:$0x4] =	wrdreg $0x7C000  }
0xb1: {  	[dreg:$0x5] =	wrdreg $0x9  }
0xb2: {  	_ =	task.clear_ibuf [dreg:s7], $0x6FFFF;
	_ =	strace $0x90000046  }
0xb3: {  	s29 =	simm.s32 $0x9;
	_ =	strace $0x80000048  }
0xb4: {  	_ =	swait.ge [sflag:s29], $0x1  }
0xb5: {  	[sflag:s29] =	ssyncadd.s32 $0xFFFFFFFF  }
0xb6: {  	_ =	strace $0x90000048  }
0xb7: {  	_ =	sfence  }
0xb8: {  	s30 =	sld [smem:$0x0];
	_ =	sdelay $0x2  }
0xb9: {  	s31 =	sshll.u32 s1, $0xD;
	s1 =	sshrl.u32 s1, $0x2  }
0xba: {  	s3 =	sand.u32 $0x4000, s31;
	s1 =	sadd.s32 s1, s30  }
0xbb: {  	s0 =	sor.u32 s3, s0;
	s1 =	sshll.u32 s1, $0x11  }
0xbc: {  	s0 =	sor.u32 s1, s0  }
0xbd: {  	s0 =	sadd.s32 $0x8F2B, s0  }
0xbe: {  	[sflag:s0] =	ssyncadd.remote.s32 $0x1  }
0xbf: {  	_ =	sfence.sel $0xFFFF  }
0xc0: {  	[dreg:$0x0] =	wrdreg $0xFFFFFFFF;
	(pc) =	sbr.abs _section_cstart, $3  }
0xc1: {  	[dreg:$0x1] =	wrdreg $0xFFFFFFFF  }
0xc2: {  	_ =	task.clear_ibuf [dreg:s7], $0x2FFFF;
	_ =	strace $0x9FFFFFFF  }
0xc3: {  	(tm) =	ssettm $0x7FFFFFFF  }
tec
execute0_lowered:
.L_overlay_start_1:
0x0: {  	(tag) =	ssettag $0x1  }
0x1: {  	s5 =	rddreg [dreg:$0x0]  }
0x2: {  	s1 =	rddreg [dreg:$0x1]  }
0x3: {  	s2 =	rddreg [dreg:$0x2];
	s4 =	simm.s32 $0x0;
	s0 =	srdreg.scid  }
0x4: {  	s25 =	stileid.u32;
	s28 =	simm.s32 $0x6800;
	s29 =	simm.s32 $0x6  }
0x5: {  	s30 =	simm.s32 $0x0;
	[smem:$0x7FF] =	sst s4;
	s6 =	sand.u32 $0x1, s0  }
0x6: {  	s8 =	smul.u32 $0x280, s25;
	s19 =	sadd.s32 $0x40E00, s5;
	s7 =	sshll.u32 s25, $0x1  }
0x7: {  	_ =	strace $0x80000047;
	s0 =	ssub.s32 $0x2, s6;
	s21 =	smul.u32 $0x2800, s6  }
0x8: {  	s3 =	sshrl.u32 s0, $0x1;
	s20 =	sor.u32 $0x28, s8;
	s23 =	sor.u32 $0x50, s8  }
0x9: {  	s16 =	sor.u32 $0x78, s8;
	s17 =	sadd.s32 $0xA0, s8;
	s18 =	sadd.s32 $0xC8, s8  }
0xa: {  	s13 =	sadd.s32 $0xF0, s8;
	s14 =	sadd.s32 $0x118, s8;
	s15 =	sadd.s32 $0x140, s8  }
0xb: {  	s10 =	sadd.s32 $0x168, s8;
	s11 =	sadd.s32 $0x190, s8;
	s12 =	sadd.s32 $0x1B8, s8  }
0xc: {  	s9 =	sadd.s32 $0x208, s8;
	s0 =	ssub.s32 s0, s3;
	s3 =	sor.u32 s6, s7  }
0xd: {  	s7 =	sadd.s32 $0x1E0, s8;
	s6 =	sadd.s32 $0x230, s8;
	s22 =	sadd.s32 s8, s21  }
0xe: {  	s8 =	sadd.s32 $0x258, s8;
	s22 =	sshll.u32 s22, $0x4;
	s0 =	smax.u32 s0, $0x1  }
0xf: {  	s24 =	sadd.s32 s21, s20;
	s22 =	sadd.s32 s19, s22;
	[smem:$0x7FD] =	sst s0  }
0x10: {  	s26 =	sadd.s32 s21, s23;
	s24 =	sshll.u32 s24, $0x4;
	[dreg:$0x4] =	wrdreg s22  }
0x11: {  	s22 =	sadd.s32 s19, s24;
	s24 =	sshll.u32 s26, $0x4;
	s26 =	sadd.s32 s21, s16  }
0x12: {  	[dreg:$0x5] =	wrdreg s22;
	s22 =	sadd.s32 s19, s24;
	s24 =	sshll.u32 s26, $0x4  }
0x13: {  	s26 =	sadd.s32 s21, s17;
	[dreg:$0x6] =	wrdreg s22;
	s22 =	sadd.s32 s19, s24  }
0x14: {  	s24 =	sshll.u32 s26, $0x4;
	s26 =	sadd.s32 s21, s18;
	[dreg:$0x7] =	wrdreg s22  }
0x15: {  	s22 =	sadd.s32 s19, s24;
	s24 =	sshll.u32 s26, $0x4;
	s26 =	sadd.s32 s21, s13  }
0x16: {  	[dreg:$0x8] =	wrdreg s22;
	s22 =	sadd.s32 s19, s24;
	s24 =	sshll.u32 s26, $0x4  }
0x17: {  	s26 =	sadd.s32 s21, s14;
	[dreg:$0x9] =	wrdreg s22;
	s22 =	sadd.s32 s19, s24  }
0x18: {  	s24 =	sshll.u32 s26, $0x4;
	s26 =	sadd.s32 s21, s15;
	[dreg:$0xa] =	wrdreg s22  }
0x19: {  	s22 =	sadd.s32 s19, s24;
	s24 =	sshll.u32 s26, $0x4;
	s26 =	sadd.s32 s21, s10  }
0x1a: {  	s10 =	sshll.u32 s10, $0x7;
	[dreg:$0xb] =	wrdreg s22;
	s22 =	sadd.s32 s19, s24  }
0x1b: {  	s24 =	sshll.u32 s26, $0x4;
	s26 =	sadd.s32 s21, s11;
	s11 =	sshll.u32 s11, $0x7  }
0x1c: {  	[dreg:$0xc] =	wrdreg s22;
	s22 =	sadd.s32 s19, s24;
	s24 =	sshll.u32 s26, $0x4  }
0x1d: {  	s26 =	sadd.s32 s21, s12;
	[dreg:$0xd] =	wrdreg s22;
	s22 =	sadd.s32 s19, s24  }
0x1e: {  	s24 =	sshll.u32 s26, $0x4;
	s26 =	sadd.s32 s21, s7;
	[dreg:$0xe] =	wrdreg s22  }
0x1f: {  	s22 =	sadd.s32 s19, s24;
	s24 =	sshll.u32 s26, $0x4;
	s26 =	sadd.s32 s21, s9  }
0x20: {  	s9 =	sshll.u32 s9, $0x7;
	[dreg:$0xf] =	wrdreg s22;
	s22 =	sadd.s32 s19, s24  }
0x21: {  	s24 =	sshll.u32 s26, $0x4;
	s26 =	sadd.s32 s21, s6;
	s21 =	sadd.s32 s21, s8  }
0x22: {  	s6 =	sshll.u32 s6, $0x7;
	s8 =	sshll.u32 s8, $0x7;
	[dreg:$0x10] =	wrdreg s22  }
0x23: {  	s22 =	sadd.s32 s19, s24;
	s24 =	sshll.u32 s26, $0x4;
	s21 =	sshll.u32 s21, $0x4  }
0x24: {  	s26 =	smul.u32 $0x50000, s25;
	s25 =	sshll.u32 s20, $0x7;
	s20 =	sshll.u32 s13, $0x7  }
0x25: {  	s13 =	sshll.u32 s12, $0x7;
	s6 =	sadd.s32 s6, s2;
	[dreg:$0x11] =	wrdreg s22  }
0x26: {  	s12 =	simm.s32 $0x9;
	s22 =	sadd.s32 s19, s24;
	[smem:$0x7F5] =	sst s6  }
0x27: {  	s19 =	sadd.s32 s19, s21;
	s21 =	sadd.s32 $0x2600, s5;
	[dreg:$0x12] =	wrdreg s22  }
0x28: {  	[dreg:$0x13] =	wrdreg s19;
	s22 =	sadd.s32 $0x9C6800, s5;
	s24 =	sshrl.u32 s26, $0x2  }
0x29: {  	s26 =	sshll.u32 s23, $0x7;
	s19 =	sadd.s32 s25, s2;
	s25 =	sshll.u32 s17, $0x7  }
0x2a: {  	s17 =	smul.u32 $0x1F40, s3;
	s31 =	sadd.s32 s24, s2;
	[dreg:$0x15] =	wrdreg s19  }
0x2b: {  	s23 =	sadd.s32 s26, s2;
	s24 =	sshll.u32 s16, $0x7;
	s26 =	sshll.u32 s18, $0x7  }
0x2c: {  	s18 =	sadd.s32 s25, s2;
	s16 =	sadd.s32 s9, s2;
	[dreg:$0x16] =	wrdreg s23  }
0x2d: {  	s5 =	sadd.s32 s24, s2;
	[dreg:$0x18] =	wrdreg s18;
	s19 =	sadd.s32 s26, s2  }
0x2e: {  	s23 =	sshll.u32 s14, $0x7;
	s24 =	sshll.u32 s15, $0x7;
	[smem:$0x7F4] =	sst s16  }
0x2f: {  	s15 =	sshll.u32 s7, $0x7;
	s7 =	smul.u32 $0xFA, s3;
	[dreg:$0x14] =	wrdreg s31  }
0x30: {  	s14 =	sadd.s32 s13, s2;
	s18 =	smul.u32 $0xFA00, s3;
	[dreg:$0x17] =	wrdreg s5  }
0x31: {  	s3 =	smul.u32 $0x27100, s3;
	s13 =	simm.s32 $0x400;
	[dreg:$0x19] =	wrdreg s19  }
0x32: {  	s16 =	simm.s32 $0x1;
	s5 =	sadd.s32 s20, s2;
	[dreg:$0x1f] =	wrdreg s14  }
0x33: {  	s25 =	sadd.s32 s23, s2;
	s26 =	sadd.s32 s24, s2;
	[dreg:$0x1a] =	wrdreg s5  }
0x34: {  	s19 =	sadd.s32 s8, s2;
	s14 =	simm.s32 $0x28;
	[dreg:$0x1b] =	wrdreg s25  }
0x35: {  	[dreg:$0x1c] =	wrdreg s26;
	s5 =	sadd.s32 s10, s2;
	s10 =	sadd.s32 s11, s2  }
0x36: {  	[smem:$0x7F6] =	sst s19;
	s20 =	sshrl.u32 s18, $0x3;
	s23 =	sor.u32 $0x1, s7  }
0x37: {  	s3 =	sadd.s32 s22, s3;
	s19 =	sadd.s32 $0x4, s7;
	[dreg:$0x1d] =	wrdreg s5  }
0x38: {  	s5 =	sadd.s32 s15, s2;
	s24 =	sshll.u32 s23, $0x5;
	[smem:$0x7FB] =	sst s3  }
0x39: {  	s6 =	smul.u32 $0x280, s23;
	s15 =	simm.s32 $0x2C00;
	[dreg:$0x1e] =	wrdreg s10  }
0x3a: {  	s23 =	simm.s32 $0x7;
	[smem:$0x7F3] =	sst s5;
	s5 =	sadd.s32 s21, s17  }
0x3b: {  	s8 =	sadd.s32 s21, s24;
	s17 =	simm.s32 $0x3;
	[smem:$0x7F7] =	sst s5  }
0x3c: {  	s5 =	sadd.s32 s21, s20;
	[smem:$0x7F8] =	sst s8;
	s26 =	sadd.s32 s22, s6  }
0x3d: {  	s24 =	simm.s32 $0x2;
	s25 =	sadd.s32 $0x40, s5;
	[smem:$0x7FC] =	sst s26  }
0x3e: {  	s20 =	simm.s32 $0x5400;
	s5 =	sadd.s32 $0x60, s5;
	[smem:$0x7F9] =	sst s25  }
0x3f: {  	v0 =	vimm.f32 $0.0e+00;
	s26 =	simm.s32 $0x5;
	[smem:$0x7FA] =	sst s5;
	s25 =	simm.s32 $0x4  }
.LBB2_1:
0x40: {  	s0 =	simm.s32 $0x0;
	s3 =	simm.s32 $0x200  }
.LBB2_2:
0x41: {  	p0 =	sne.s32 s3, $0x4E00;
	[tilespmem:s0+$0x5470] =	vst v0  }
0x42: {  	[tilespmem:s0+$0x5400] =	vst v0  }
0x43: {  	[tilespmem:s0+$0x5410] =	vst v0  }
.Ltmp0:
0x44: {  	[tilespmem:s0+$0x5420] =	vst v0;
	(pc) =	sbr.rel @p0 .LBB2_2-.Ltmp0, $4  }
0x45: {  	[tilespmem:s0+$0x5430] =	vst v0  }
0x46: {  	[tilespmem:s0+$0x5440] =	vst v0  }
0x47: {  	[tilespmem:s0+$0x5450] =	vst v0  }
0x48: {  	[tilespmem:s0+$0x5460] =	vst v0;
	s0 =	sshra.s32 s3, $0x2;
	s3 =	sadd.s32 $0x200, s3  }
0x49: {  	[tilespmem:s0+$0x5470] =	vst v0  }
0x4a: {  	[tilespmem:s0+$0x5400] =	vst v0  }
0x4b: {  	[tilespmem:s0+$0x5410] =	vst v0  }
0x4c: {  	[tilespmem:s0+$0x5420] =	vst v0  }
0x4d: {  	[tilespmem:s0+$0x5430] =	vst v0  }
0x4e: {  	[tilespmem:s0+$0x5440] =	vst v0  }
0x4f: {  	[tilespmem:s0+$0x5450] =	vst v0  }
0x50: {  	[tilespmem:s0+$0x5460] =	vst v0  }
0x51: {  	[spmem:s31] =	stream.linear.scatter [tilespmem:s20], [sflag:$0x9], $0x1400, $0x38;
	[tilespmem:$0x1BC00] =	vst v63  }
0x52: {  	_ =	swait.ge [sflag:s12], $0x1400  }
0x53: {  	[sflag:s12] =	ssyncset.done $0x0  }
0x54: {  	s11 =	rddreg [dreg:$0x15];
	[sflag:s12] =	ssyncadd.s32 $0xFFFFEC00  }
0x55: {  	[spmem:s11] =	stream.linear.scatter [tilespmem:s20], [sflag:$0x9], $0x1400, $0x38;
	[tilespmem:$0x1BC00] =	vst v63  }
0x56: {  	_ =	swait.ge [sflag:s12], $0x1400  }
0x57: {  	[sflag:s12] =	ssyncset.done $0x0  }
0x58: {  	s18 =	rddreg [dreg:$0x16];
	[sflag:s12] =	ssyncadd.s32 $0xFFFFEC00  }
0x59: {  	[spmem:s18] =	stream.linear.scatter [tilespmem:s20], [sflag:$0x9], $0x1400, $0x38;
	[tilespmem:$0x1BC00] =	vst v63  }
0x5a: {  	_ =	swait.ge [sflag:s12], $0x1400  }
0x5b: {  	[sflag:s12] =	ssyncset.done $0x0  }
0x5c: {  	s3 =	rddreg [dreg:$0x17];
	[sflag:s12] =	ssyncadd.s32 $0xFFFFEC00  }
0x5d: {  	[spmem:s3] =	stream.linear.scatter [tilespmem:s20], [sflag:$0x9], $0x1400, $0x38;
	[tilespmem:$0x1BC00] =	vst v63  }
0x5e: {  	_ =	swait.ge [sflag:s12], $0x1400  }
0x5f: {  	[sflag:s12] =	ssyncset.done $0x0  }
0x60: {  	s5 =	rddreg [dreg:$0x18];
	[sflag:s12] =	ssyncadd.s32 $0xFFFFEC00  }
0x61: {  	[spmem:s5] =	stream.linear.scatter [tilespmem:s20], [sflag:$0x9], $0x1400, $0x38;
	[tilespmem:$0x1BC00] =	vst v63  }
0x62: {  	_ =	swait.ge [sflag:s12], $0x1400  }
0x63: {  	[sflag:s12] =	ssyncset.done $0x0  }
0x64: {  	s6 =	rddreg [dreg:$0x19];
	[sflag:s12] =	ssyncadd.s32 $0xFFFFEC00  }
0x65: {  	[spmem:s6] =	stream.linear.scatter [tilespmem:s20], [sflag:$0x9], $0x1400, $0x38;
	[tilespmem:$0x1BC00] =	vst v63  }
0x66: {  	_ =	swait.ge [sflag:s12], $0x1400  }
0x67: {  	[sflag:s12] =	ssyncset.done $0x0  }
0x68: {  	s8 =	rddreg [dreg:$0x1a];
	[sflag:s12] =	ssyncadd.s32 $0xFFFFEC00  }
0x69: {  	[spmem:s8] =	stream.linear.scatter [tilespmem:s20], [sflag:$0x9], $0x1400, $0x38;
	[tilespmem:$0x1BC00] =	vst v63  }
0x6a: {  	_ =	swait.ge [sflag:s12], $0x1400  }
0x6b: {  	[sflag:s12] =	ssyncset.done $0x0  }
0x6c: {  	s9 =	rddreg [dreg:$0x1b];
	[sflag:s12] =	ssyncadd.s32 $0xFFFFEC00  }
0x6d: {  	[spmem:s9] =	stream.linear.scatter [tilespmem:s20], [sflag:$0x9], $0x1400, $0x38;
	[tilespmem:$0x1BC00] =	vst v63  }
0x6e: {  	_ =	swait.ge [sflag:s12], $0x1400  }
0x6f: {  	[sflag:s12] =	ssyncset.done $0x0  }
0x70: {  	s11 =	rddreg [dreg:$0x1c];
	[sflag:s12] =	ssyncadd.s32 $0xFFFFEC00  }
0x71: {  	[spmem:s11] =	stream.linear.scatter [tilespmem:s20], [sflag:$0x9], $0x1400, $0x38;
	[tilespmem:$0x1BC00] =	vst v63  }
0x72: {  	_ =	swait.ge [sflag:s12], $0x1400  }
0x73: {  	[sflag:s12] =	ssyncset.done $0x0  }
0x74: {  	s18 =	rddreg [dreg:$0x1d];
	[sflag:s12] =	ssyncadd.s32 $0xFFFFEC00  }
0x75: {  	[spmem:s18] =	stream.linear.scatter [tilespmem:s20], [sflag:$0x9], $0x1400, $0x38;
	[tilespmem:$0x1BC00] =	vst v63  }
0x76: {  	_ =	swait.ge [sflag:s12], $0x1400  }
0x77: {  	[sflag:s12] =	ssyncset.done $0x0  }
0x78: {  	[sflag:s12] =	ssyncadd.s32 $0xFFFFEC00  }
0x79: {  	[spmem:s10] =	stream.linear.scatter [tilespmem:s20], [sflag:$0x9], $0x1400, $0x38;
	[tilespmem:$0x1BC00] =	vst v63  }
0x7a: {  	_ =	swait.ge [sflag:s12], $0x1400  }
0x7b: {  	[sflag:s12] =	ssyncset.done $0x0  }
0x7c: {  	s3 =	rddreg [dreg:$0x1f];
	[sflag:s12] =	ssyncadd.s32 $0xFFFFEC00  }
0x7d: {  	[spmem:s3] =	stream.linear.scatter [tilespmem:s20], [sflag:$0x9], $0x1400, $0x38;
	[tilespmem:$0x1BC00] =	vst v63  }
0x7e: {  	_ =	swait.ge [sflag:s12], $0x1400  }
0x7f: {  	s5 =	sld [smem:$0x7F3]  }
0x80: {  	[sflag:s12] =	ssyncset.done $0x0  }
0x81: {  	[sflag:s12] =	ssyncadd.s32 $0xFFFFEC00  }
0x82: {  	[spmem:s5] =	stream.linear.scatter [tilespmem:s20], [sflag:$0x9], $0x1400, $0x38;
	[tilespmem:$0x1BC00] =	vst v63  }
0x83: {  	_ =	swait.ge [sflag:s12], $0x1400  }
0x84: {  	s6 =	sld [smem:$0x7F4]  }
0x85: {  	[sflag:s12] =	ssyncset.done $0x0  }
0x86: {  	[sflag:s12] =	ssyncadd.s32 $0xFFFFEC00  }
0x87: {  	[spmem:s6] =	stream.linear.scatter [tilespmem:s20], [sflag:$0x9], $0x1400, $0x38;
	[tilespmem:$0x1BC00] =	vst v63  }
0x88: {  	_ =	swait.ge [sflag:s12], $0x1400  }
0x89: {  	s8 =	sld [smem:$0x7F5]  }
0x8a: {  	[sflag:s12] =	ssyncset.done $0x0  }
0x8b: {  	[sflag:s12] =	ssyncadd.s32 $0xFFFFEC00  }
0x8c: {  	[spmem:s8] =	stream.linear.scatter [tilespmem:s20], [sflag:$0x9], $0x1400, $0x38;
	[tilespmem:$0x1BC00] =	vst v63  }
0x8d: {  	_ =	swait.ge [sflag:s12], $0x1400  }
0x8e: {  	s9 =	sld [smem:$0x7F6]  }
0x8f: {  	[sflag:s12] =	ssyncset.done $0x0  }
0x90: {  	[sflag:s12] =	ssyncadd.s32 $0xFFFFEC00  }
0x91: {  	[spmem:s9] =	stream.linear.scatter [tilespmem:s20], [sflag:$0x9], $0x1400, $0x38;
	[tilespmem:$0x1BC00] =	vst v63  }
0x92: {  	_ =	swait.ge [sflag:s12], $0x1400  }
0x93: {  	[sflag:s12] =	ssyncset.done $0x0  }
0x94: {  	[sflag:s12] =	ssyncadd.s32 $0xFFFFEC00  }
0x95: {  	[bflag:$0x0] =	sbarrier.arrive $0xFFFF  }
0x96: {  	s10 =	sld [smem:$0x7F7];
	_ =	sdelay $0x1  }
0x97: {  	s31 =	simm.s32 $0x0  }
0x98: {  	[tilespmem:s31], [sflag:$0x9] =	stream.linear.gather [hbm4b:s10+s31], $0x100, $0x38;
	[tilespmem:$0x1BC00] =	vst v63  }
0x99: {  	_ =	swait.ge [sflag:s12], $0x100  }
0x9a: {  	s11 =	sld [smem:$0x7F8]  }
0x9b: {  	[sflag:s12] =	ssyncset.done $0x0  }
0x9c: {  	s3 =	simm.s32 $0x100;
	[sflag:s12] =	ssyncadd.s32 $0xFFFFFF00  }
0x9d: {  	[tilespmem:s3], [sflag:$0x9] =	stream.linear.gather [hbm4b:s11+s31], $0x100, $0x38;
	[tilespmem:$0x1BC00] =	vst v63  }
0x9e: {  	_ =	swait.ge [sflag:s12], $0x100  }
0x9f: {  	s18 =	sld [smem:$0x7F9]  }
0xa0: {  	[sflag:s12] =	ssyncset.done $0x0  }
0xa1: {  	s5 =	simm.s32 $0x200;
	s6 =	sld [smem:$0x7FA];
	[sflag:s12] =	ssyncadd.s32 $0xFFFFFF00  }
0xa2: {  	[tilespmem:s5], [sflag:$0x7] =	stream.linear.gather [hbm4b:s18+s31], $0x100, $0x38;
	[tilespmem:$0x1BC00] =	vst v63  }
0xa3: {  	s8 =	simm.s32 $0x300;
	s9 =	sld [smem:$0x7FB]  }
0xa4: {  	[tilespmem:s8], [sflag:$0x8] =	stream.linear.gather [hbm4b:s6+s31], $0x100, $0x38;
	[tilespmem:$0x1BC00] =	vst v63  }
0xa5: {  	_ = 	snop  }
0xa6: {  	[tilespmem:s13], [sflag:$0x1] =	stream.linear.gather [hbm4b:s9+s31], $0x1400, $0x38;
	[tilespmem:$0x1BC00] =	vst v63  }
0xa7: {  	s10 =	sld [smem:$0x7FC]  }
0xa8: {  	[tilespmem:s15], [sflag:$0x3] =	stream.indirect.gather [hbm4b:s1+s14], $0x80, s31, s14, $0xb8;
	[tilespmem:$0x1BC00] =	vst v63  }
0xa9: {  	s11 =	simm.s32 $0x1800  }
0xaa: {  	[tilespmem:s11], [sflag:$0x2] =	stream.linear.gather [hbm4b:s10+s31], $0x1400, $0x38;
	[tilespmem:$0x1BC00] =	vst v63  }
0xab: {  	s18 =	simm.s32 $0x4000  }
0xac: {  	[tilespmem:s18], [sflag:$0x4] =	stream.indirect.gather [hbm4b:s1+s14], $0x80, s3, s14, $0xb8;
	[tilespmem:$0x1BC00] =	vst v63  }
.LBB2_4:
0xad: {  	_ =	swait.ge [sflag:s16], $0x1400  }
0xae: {  	[sflag:s16] =	ssyncset.done $0x0  }
0xaf: {  	[sflag:s16] =	ssyncadd.s32 $0xFFFFEC00  }
0xb0: {  	_ =	swait.ge [sflag:s17], $0x1400  }
0xb1: {  	[sflag:s17] =	ssyncset.done $0x0  }
0xb2: {  	s0 =	simm.s32 $0x500;
	[sflag:s17] =	ssyncadd.s32 $0xFFFFEC00  }
0xb3: {  	s5 =	simm.s32 $0x2D00;
	v1 =	vld [tilespmem:s0+$0x80]  }
0xb4: {  	v2 =	vld [tilespmem:s5+$0x80];
	_ =	sdelay $0x2  }
0xb5: {  	v3 =	vld [tilespmem:s0+$0xFFFFFF80]  }
0xb6: {  	v5 =	vld [tilespmem:s0+$0xFFFFFF00];
	v4 =	vshll.u32 v1, $0x10  }
0xb7: {  	v6 =	vld [tilespmem:s5+$0xFFFFFF80];
	v2 =	vmul.f32 v4, v2  }
0xb8: {  	s3 =	simm.s32 $0x5500;
	v4 =	vld [tilespmem:s5+$0xFFFFFF00]  }
0xb9: {  	[tilespmem:s3+$0x80] =	vst v2  }
0xba: {  	v2 =	vld [tilespmem:s5+$0x90]  }
0xbb: {  	v7 =	vld [tilespmem:s0+$0x0];
	v10 =	vshll.u32 v3, $0x10  }
0xbc: {  	v8 =	vld [tilespmem:s5+$0x0];
	v9 =	vshll.u32 v5, $0x10;
	v6 =	vmul.f32 v10, v6  }
0xbd: {  	v4 =	vmul.f32 v9, v4  }
0xbe: {  	v1 =	vand.u32 $0xFFFF0000, v1;
	[tilespmem:s3+$0xFFFFFF80] =	vst v6  }
0xbf: {  	v6 =	vld [tilespmem:s5+$0xFFFFFF90];
	[tilespmem:s3+$0xFFFFFF00] =	vst v4;
	v1 =	vmul.f32 v1, v2  }
0xc0: {  	v2 =	vshll.u32 v7, $0x10;
	v4 =	vld [tilespmem:s5+$0xFFFFFF10]  }
0xc1: {  	v2 =	vmul.f32 v2, v8;
	[tilespmem:s3+$0x90] =	vst v1  }
0xc2: {  	v1 =	vld [tilespmem:s0+$0x90]  }
0xc3: {  	v3 =	vand.u32 $0xFFFF0000, v3;
	[tilespmem:s3+$0x0] =	vst v2;
	v2 =	vld [tilespmem:s5+$0xA0]  }
0xc4: {  	v5 =	vand.u32 $0xFFFF0000, v5;
	v3 =	vmul.f32 v3, v6  }
0xc5: {  	v8 =	vld [tilespmem:s5+$0x10];
	v4 =	vmul.f32 v5, v4  }
0xc6: {  	[tilespmem:s3+$0xFFFFFF90] =	vst v3  }
0xc7: {  	[tilespmem:s3+$0xFFFFFF10] =	vst v4;
	v4 =	vshll.u32 v1, $0x10  }
0xc8: {  	v3 =	vld [tilespmem:s0+$0xFFFFFF90];
	v2 =	vmul.f32 v4, v2  }
0xc9: {  	v5 =	vand.u32 $0xFFFF0000, v7;
	v6 =	vld [tilespmem:s0+$0xFFFFFF10]  }
0xca: {  	v4 =	vmul.f32 v5, v8;
	v5 =	vld [tilespmem:s5+$0xFFFFFF20];
	[tilespmem:s3+$0xA0] =	vst v2  }
0xcb: {  	v2 =	vld [tilespmem:s5+$0xB0]  }
0xcc: {  	v7 =	vld [tilespmem:s5+$0xFFFFFFA0];
	[tilespmem:s3+$0x10] =	vst v4  }
0xcd: {  	v4 =	vld [tilespmem:s0+$0x10]  }
0xce: {  	v9 =	vld [tilespmem:s5+$0x20];
	v8 =	vshll.u32 v6, $0x10  }
0xcf: {  	v1 =	vand.u32 $0xFFFF0000, v1;
	v5 =	vmul.f32 v8, v5  }
0xd0: {  	v1 =	vmul.f32 v1, v2  }
0xd1: {  	[tilespmem:s3+$0xFFFFFF20] =	vst v5;
	v2 =	vshll.u32 v3, $0x10  }
0xd2: {  	v5 =	vshll.u32 v4, $0x10;
	v8 =	vld [tilespmem:s5+$0xFFFFFF30];
	v2 =	vmul.f32 v2, v7;
	[tilespmem:s3+$0xB0] =	vst v1  }
0xd3: {  	v1 =	vmul.f32 v5, v9;
	v9 =	vld [tilespmem:s0+$0xA0]  }
0xd4: {  	[tilespmem:s3+$0xFFFFFFA0] =	vst v2;
	v2 =	vld [tilespmem:s5+$0xC0]  }
0xd5: {  	v5 =	vld [tilespmem:s5+$0xFFFFFFB0];
	[tilespmem:s3+$0x20] =	vst v1  }
0xd6: {  	v1 =	vand.u32 $0xFFFF0000, v6;
	v6 =	vld [tilespmem:s5+$0x30]  }
0xd7: {  	v1 =	vmul.f32 v1, v8  }
0xd8: {  	v7 =	vshll.u32 v9, $0x10  }
0xd9: {  	v3 =	vand.u32 $0xFFFF0000, v3;
	[tilespmem:s3+$0xFFFFFF30] =	vst v1;
	v1 =	vmul.f32 v7, v2  }
0xda: {  	v2 =	vand.u32 $0xFFFF0000, v4;
	v7 =	vld [tilespmem:s0+$0xFFFFFF20];
	v3 =	vmul.f32 v3, v5  }
0xdb: {  	v8 =	vld [tilespmem:s5+$0xFFFFFF40];
	v2 =	vmul.f32 v2, v6;
	[tilespmem:s3+$0xC0] =	vst v1  }
0xdc: {  	[tilespmem:s3+$0xFFFFFFB0] =	vst v3;
	v4 =	vld [tilespmem:s5+$0xD0]  }
0xdd: {  	v3 =	vld [tilespmem:s0+$0xFFFFFFA0];
	[tilespmem:s3+$0x30] =	vst v2  }
0xde: {  	v2 =	vld [tilespmem:s0+$0x20]  }
0xdf: {  	s9 =	simm.s32 $0x0;
	v5 =	vld [tilespmem:s5+$0xFFFFFFC0];
	v6 =	vshll.u32 v7, $0x10  }
0xe0: {  	s10 =	simm.s32 $0x700;
	s8 =	simm.s32 $0x2D00;
	s6 =	simm.s32 $0x5500;
	v1 =	vand.u32 $0xFFFF0000, v7;
	v7 =	vmul.f32 v6, v8;
	v6 =	vld [tilespmem:s5+$0x40];
	v8 =	vand.u32 $0xFFFF0000, v9  }
.LBB2_5:
0xe1: {  	v9 =	vld [tilespmem:s10+$0x80];
	s9 =	sadd.s32 $0x4, s9;
	v4 =	vmul.f32 v8, v4;
	s5 =	sadd.s32 $0x200, s5  }
0xe2: {  	v8 =	vld [tilespmem:s5+$0x80];
	p0 =	slt.u32 s9, $0x24;
	[tilespmem:s3+$0xFFFFFF40] =	vst v7;
	v7 =	vshll.u32 v3, $0x10;
	v3 =	vand.u32 $0xFFFF0000, v3  }
0xe3: {  	v10 =	vld [tilespmem:s10+$0xFFFFFF80];
	v11 =	vshll.u32 v2, $0x10;
	v2 =	vand.u32 $0xFFFF0000, v2;
	[tilespmem:s3+$0xD0] =	vst v4  }
0xe4: {  	v4 =	vmul.f32 v7, v5;
	v5 =	vld [tilespmem:s0+$0xB0]  }
0xe5: {  	v6 =	vmul.f32 v11, v6;
	v7 =	vld [tilespmem:s8+$0xE0]  }
0xe6: {  	v11 =	vld [tilespmem:s10+$0x0];
	v12 =	vshll.u32 v9, $0x10;
	[tilespmem:s3+$0xFFFFFFC0] =	vst v4  }
0xe7: {  	v4 =	vld [tilespmem:s10+$0xFFFFFF00];
	v8 =	vmul.f32 v12, v8;
	[tilespmem:s3+$0x40] =	vst v6  }
0xe8: {  	s3 =	sadd.s32 $0x200, s3;
	v6 =	vld [tilespmem:s5+$0xFFFFFF00];
	v12 =	vshll.u32 v10, $0x10;
	v10 =	vand.u32 $0xFFFF0000, v10  }
0xe9: {  	v13 =	vld [tilespmem:s5+$0xFFFFFF80];
	[tilespmem:s3+$0x80] =	vst v8;
	v8 =	vshll.u32 v5, $0x10  }
0xea: {  	v14 =	vld [tilespmem:s5+$0x90];
	v7 =	vmul.f32 v8, v7  }
0xeb: {  	v8 =	vshll.u32 v11, $0x10;
	v11 =	vand.u32 $0xFFFF0000, v11;
	v15 =	vld [tilespmem:s5+$0x0]  }
0xec: {  	v16 =	vshll.u32 v4, $0x10;
	v4 =	vand.u32 $0xFFFF0000, v4;
	v17 =	vld [tilespmem:s8+$0xFFFFFF50];
	[tilespmem:s6+$0xE0] =	vst v7  }
0xed: {  	v6 =	vmul.f32 v16, v6;
	v7 =	vld [tilespmem:s8+$0xF0]  }
0xee: {  	v9 =	vand.u32 $0xFFFF0000, v9;
	v12 =	vmul.f32 v12, v13;
	v13 =	vld [tilespmem:s8+$0xFFFFFFD0]  }
0xef: {  	[tilespmem:s3+$0xFFFFFF00] =	vst v6;
	v6 =	vmul.f32 v9, v14;
	v9 =	vld [tilespmem:s8+$0x50]  }
0xf0: {  	v14 =	vld [tilespmem:s5+$0xFFFFFF10];
	[tilespmem:s3+$0xFFFFFF80] =	vst v12;
	v8 =	vmul.f32 v8, v15  }
0xf1: {  	v5 =	vand.u32 $0xFFFF0000, v5;
	v12 =	vld [tilespmem:s5+$0xFFFFFF90];
	[tilespmem:s3+$0x90] =	vst v6;
	v1 =	vmul.f32 v1, v17  }
0xf2: {  	[tilespmem:s3+$0x0] =	vst v8;
	v6 =	vld [tilespmem:s10+$0x90];
	v5 =	vmul.f32 v5, v7  }
0xf3: {  	v7 =	vld [tilespmem:s5+$0xA0];
	[tilespmem:s6+$0xFFFFFF50] =	vst v1;
	v1 =	vmul.f32 v3, v13  }
0xf4: {  	v3 =	vld [tilespmem:s5+$0x10];
	v2 =	vmul.f32 v2, v9;
	[tilespmem:s6+$0xF0] =	vst v5  }
0xf5: {  	v4 =	vmul.f32 v4, v14;
	v5 =	vld [tilespmem:s0+$0xFFFFFF30];
	[tilespmem:s6+$0xFFFFFFD0] =	vst v1  }
0xf6: {  	v1 =	vmul.f32 v10, v12;
	v8 =	vld [tilespmem:s0+$0xFFFFFFB0];
	[tilespmem:s6+$0x50] =	vst v2  }
0xf7: {  	[tilespmem:s3+$0xFFFFFF10] =	vst v4;
	v2 =	vshll.u32 v6, $0x10;
	v4 =	vld [tilespmem:s0+$0x30];
	s0 =	smov.u32 s10  }
0xf8: {  	v9 =	vld [tilespmem:s10+$0xFFFFFF10];
	[tilespmem:s3+$0xFFFFFF90] =	vst v1;
	v1 =	vmul.f32 v2, v7  }
0xf9: {  	v2 =	vld [tilespmem:s10+$0xFFFFFF90];
	v3 =	vmul.f32 v11, v3  }
0xfa: {  	v7 =	vld [tilespmem:s5+$0xFFFFFF20];
	[tilespmem:s3+$0xA0] =	vst v1;
	v1 =	vshll.u32 v5, $0x10;
	v5 =	vand.u32 $0xFFFF0000, v5  }
0xfb: {  	[tilespmem:s3+$0x10] =	vst v3;
	v3 =	vld [tilespmem:s5+$0xB0];
	v10 =	vshll.u32 v8, $0x10;
	v8 =	vand.u32 $0xFFFF0000, v8  }
0xfc: {  	v11 =	vld [tilespmem:s10+$0x10];
	v12 =	vshll.u32 v4, $0x10;
	v13 =	vand.u32 $0xFFFF0000, v4  }
0xfd: {  	v4 =	vshll.u32 v9, $0x10;
	v9 =	vand.u32 $0xFFFF0000, v9;
	v14 =	vld [tilespmem:s5+$0xFFFFFFA0]  }
0xfe: {  	v15 =	vshll.u32 v2, $0x10;
	v2 =	vand.u32 $0xFFFF0000, v2;
	v16 =	vld [tilespmem:s5+$0x20]  }
0xff: {  	v6 =	vand.u32 $0xFFFF0000, v6;
	v4 =	vmul.f32 v4, v7;
	v7 =	vld [tilespmem:s8+$0xFFFFFF60]  }
0x100: {  	v3 =	vmul.f32 v6, v3;
	v6 =	vld [tilespmem:s8+$0xFFFFFFE0]  }
0x101: {  	[tilespmem:s3+$0xFFFFFF20] =	vst v4;
	v4 =	vshll.u32 v11, $0x10;
	v11 =	vand.u32 $0xFFFF0000, v11;
	v17 =	vld [tilespmem:s8+$0x60]  }
0x102: {  	v18 =	vld [tilespmem:s5+$0xFFFFFF30];
	v14 =	vmul.f32 v15, v14;
	[tilespmem:s3+$0xB0] =	vst v3  }
0x103: {  	v3 =	vmul.f32 v4, v16;
	v15 =	vld [tilespmem:s10+$0xA0]  }
0x104: {  	[tilespmem:s3+$0xFFFFFFA0] =	vst v14;
	v4 =	vld [tilespmem:s5+$0xC0];
	v1 =	vmul.f32 v1, v7  }
0x105: {  	v7 =	vld [tilespmem:s5+$0xFFFFFFB0];
	[tilespmem:s3+$0x20] =	vst v3;
	v3 =	vmul.f32 v10, v6  }
0x106: {  	v6 =	vld [tilespmem:s5+$0x30];
	[tilespmem:s6+$0xFFFFFF60] =	vst v1;
	v1 =	vmul.f32 v12, v17  }
0x107: {  	v9 =	vmul.f32 v9, v18;
	v10 =	vld [tilespmem:s8+$0xFFFFFF70];
	[tilespmem:s6+$0xFFFFFFE0] =	vst v3  }
0x108: {  	v3 =	vshll.u32 v15, $0x10;
	v12 =	vld [tilespmem:s8+$0xFFFFFFF0];
	[tilespmem:s6+$0x60] =	vst v1  }
0x109: {  	[tilespmem:s3+$0xFFFFFF30] =	vst v9;
	v1 =	vmul.f32 v3, v4;
	v9 =	vld [tilespmem:s8+$0x70];
	s8 =	smov.u32 s5  }
0x10a: {  	v14 =	vld [tilespmem:s10+$0xFFFFFF20];
	v2 =	vmul.f32 v2, v7  }
0x10b: {  	v7 =	vld [tilespmem:s5+$0xFFFFFF40];
	v6 =	vmul.f32 v11, v6;
	[tilespmem:s3+$0xC0] =	vst v1  }
.Ltmp1:
0x10c: {  	[tilespmem:s3+$0xFFFFFFB0] =	vst v2;
	v4 =	vld [tilespmem:s5+$0xD0];
	v1 =	vmul.f32 v5, v10;
	(pc) =	sbr.rel @p0 .LBB2_5-.Ltmp1, $4  }
0x10d: {  	v3 =	vld [tilespmem:s10+$0xFFFFFFA0];
	[tilespmem:s3+$0x30] =	vst v6;
	v6 =	vmul.f32 v8, v12  }
0x10e: {  	v2 =	vld [tilespmem:s10+$0x20];
	[tilespmem:s6+$0xFFFFFF70] =	vst v1;
	v9 =	vmul.f32 v13, v9  }
0x10f: {  	v8 =	vshll.u32 v14, $0x10;
	v1 =	vand.u32 $0xFFFF0000, v14;
	v5 =	vld [tilespmem:s5+$0xFFFFFFC0];
	[tilespmem:s6+$0xFFFFFFF0] =	vst v6  }
0x110: {  	s10 =	sadd.s32 $0x200, s10;
	v7 =	vmul.f32 v8, v7;
	v6 =	vld [tilespmem:s5+$0x40];
	v8 =	vand.u32 $0xFFFF0000, v15;
	[tilespmem:s6+$0x70] =	vst v9;
	s6 =	smov.u32 s3  }
0x111: {  	_ =	sdelay $0x1  }
0x112: {  	v9 =	vshll.u32 v3, $0x10  }
0x113: {  	[tilespmem:s3+$0xFFFFFF40] =	vst v7;
	v5 =	vmul.f32 v9, v5  }
0x114: {  	v51 =	vshll.u32 v2, $0x10;
	v52 =	vld [tilespmem:s8+$0xFFFFFF50]  }
0x115: {  	v6 =	vmul.f32 v51, v6;
	[tilespmem:s3+$0xFFFFFFC0] =	vst v5  }
0x116: {  	v53 =	vld [tilespmem:s8+$0xFFFFFFD0]  }
0x117: {  	v4 =	vmul.f32 v8, v4;
	[tilespmem:s3+$0x40] =	vst v6  }
0x118: {  	v54 =	vld [tilespmem:s8+$0x50]  }
0x119: {  	[tilespmem:s3+$0xD0] =	vst v4;
	v1 =	vmul.f32 v1, v52  }
0x11a: {  	v3 =	vand.u32 $0xFFFF0000, v3;
	v4 =	vld [tilespmem:s0+$0xB0]  }
0x11b: {  	v55 =	vld [tilespmem:s8+$0xE0];
	[tilespmem:s6+$0xFFFFFF50] =	vst v1;
	v3 =	vmul.f32 v3, v53  }
0x11c: {  	v2 =	vand.u32 $0xFFFF0000, v2;
	v56 =	vld [tilespmem:s8+$0xFFFFFF60]  }
0x11d: {  	v1 =	vmul.f32 v2, v54;
	v2 =	vld [tilespmem:s0+$0xFFFFFF30];
	[tilespmem:s6+$0xFFFFFFD0] =	vst v3  }
0x11e: {  	v3 =	vld [tilespmem:s0+$0xFFFFFFB0]  }
0x11f: {  	[tilespmem:s6+$0x50] =	vst v1;
	v57 =	vld [tilespmem:s8+$0xFFFFFFE0]  }
0x120: {  	v1 =	vld [tilespmem:s0+$0x30]  }
0x121: {  	v58 =	vld [tilespmem:s8+$0x60]  }
0x122: {  	v59 =	vshll.u32 v4, $0x10  }
0x123: {  	v5 =	vmul.f32 v59, v55;
	v60 =	vshll.u32 v2, $0x10  }
0x124: {  	v6 =	vmul.f32 v60, v56;
	v61 =	vshll.u32 v3, $0x10  }
0x125: {  	[tilespmem:s6+$0xE0] =	vst v5;
	v62 =	vshll.u32 v1, $0x10;
	v7 =	vmul.f32 v61, v57  }
0x126: {  	v63 =	vld [tilespmem:s8+$0xF0];
	[tilespmem:s6+$0xFFFFFF60] =	vst v6;
	v5 =	vmul.f32 v62, v58  }
0x127: {  	v6 =	vld [tilespmem:s8+$0xFFFFFF70];
	[tilespmem:s6+$0xFFFFFFE0] =	vst v7  }
0x128: {  	v7 =	vld [tilespmem:s8+$0xFFFFFFF0];
	[tilespmem:s6+$0x60] =	vst v5  }
0x129: {  	v5 =	vld [tilespmem:s8+$0x70]  }
0x12a: {  	v4 =	vand.u32 $0xFFFF0000, v4  }
0x12b: {  	p0 =	sne.s32 s31, $0x0;
	v4 =	vmul.f32 v4, v63;
	v2 =	vand.u32 $0xFFFF0000, v2  }
.Ltmp2:
0x12c: {  	v3 =	vand.u32 $0xFFFF0000, v3;
	v2 =	vmul.f32 v2, v6;
	(pc) =	sbr.rel @!p0 .LBB2_7-.Ltmp2, $4  }
0x12d: {  	[tilespmem:s6+$0xF0] =	vst v4;
	v1 =	vand.u32 $0xFFFF0000, v1;
	v3 =	vmul.f32 v3, v7  }
0x12e: {  	[tilespmem:s6+$0xFFFFFF70] =	vst v2;
	v1 =	vmul.f32 v1, v5  }
0x12f: {  	[tilespmem:s6+$0xFFFFFFF0] =	vst v3  }
0x130: {  	s0 =	sshll.u32 s31, $0x1;
	[tilespmem:s6+$0x70] =	vst v1  }
0x131: {  	p0 =	seq.s32 s31, $0x7C  }
.Ltmp3:
0x132: {  	_ = 	snop;
	(pc) =	sbr.rel @!p0 .LBB2_8-.Ltmp3, $4  }
0x133: {  	_ =	swait.ge [sflag:s29], $0x1400;
	s3 =	sshll.u32 s31, $0x9  }
0x134: {  	[sflag:s29] =	ssyncset.done $0x0;
	s3 =	sand.u32 $0x200, s3  }
0x135: {  	[sflag:s29] =	ssyncadd.s32 $0xFFFFEC00;
	s5 =	sor.u32 $0x80, s3  }
0x136: {  	[spmem:s2] =	stream.indirect.scatter.add.f32 [tilespmem:s20], [sflag:$0x5], $0x80, s5, s14, $0xb8;
	[tilespmem:$0x1BC00] =	vst v63  }
.Ltmp4:
0x137: {  	(pc) =	sbr.rel .LBB2_11-.Ltmp4, $2  }
0x138: {  	_ =	sdelay $0x2  }
0x139: {  	p1 =	por $0x1, $0x1;
	p0 =	por $0x0, $0x0  }
.LBB2_7:
0x13a: {  	s3 =	simm.s32 $0x80  }
0x13b: {  	[spmem:s2] =	stream.indirect.scatter.add.f32 [tilespmem:s20], [sflag:$0x5], $0x80, s3, s14, $0xb8;
	[tilespmem:$0x1BC00] =	vst v63  }
0x13c: {  	s3 =	simm.s32 $0x0  }
.LBB2_8:
0x13d: {  	s5 =	sadd.s32 $0x2, s0  }
0x13e: {  	s6 =	sadd.s32 s7, s5  }
0x13f: {  	_ =	swait.ge [sflag:s23], $0x100;
	s6 =	smul.u32 $0x280, s6  }
0x140: {  	[sflag:s23] =	ssyncset.done $0x0  }
0x141: {  	s5 =	sshll.u32 s5, $0x8;
	[sflag:s23] =	ssyncadd.s32 $0xFFFFFF00;
	s6 =	sadd.s32 s22, s6  }
0x142: {  	[tilespmem:s13], [sflag:$0x1] =	stream.linear.gather [hbm4b:s6+s4], $0x1400, $0x38;
	[tilespmem:$0x1BC00] =	vst v63  }
0x143: {  	p2 =	sgt.u32 s31, $0x7A;
	s5 =	sand.u32 $0x200, s5  }
0x144: {  	[tilespmem:s15], [sflag:$0x3] =	stream.indirect.gather [hbm4b:s1+s14], $0x80, s5, s14, $0xb8;
	[tilespmem:$0x1BC00] =	vst v63  }
0x145: {  	p0 =	por $0x0, $0x0;
	s5 =	sadd.s32 @!p2 s0, s19  }
0x146: {  	p1 =	por $0x0, $0x0;
	p4 =	por @!p2 $0x1, $0x1;
	s5 =	sshll.u32 @!p2 s5, $0x5  }
0x147: {  	p3 =	por @!p2 $0x0, $0x0;
	p0 =	por @!p2 p4, p4;
	s5 =	sand.u32 @!p2 $0x1FFFFFC0, s5  }
0x148: {  	p1 =	por @!p2 p3, p3;
	s6 =	simm.s32 @!p2 $0x0;
	s5 =	sadd.s32 @!p2 s21, s5  }
0x149: {  	[tilespmem:s3], [sflag:$0x7] =	stream.linear.gather @!p2 [hbm4b:s5+s6], $0x100, $0x38;
	[tilespmem:$0x1BC00] =	vst v63  }
.LBB2_11:
0x14a: {  	_ =	swait.ge [sflag:s24], $0x1400  }
0x14b: {  	[sflag:s24] =	ssyncset.done $0x0  }
0x14c: {  	[sflag:s24] =	ssyncadd.s32 $0xFFFFEC00  }
0x14d: {  	_ =	swait.ge [sflag:s25], $0x1400  }
0x14e: {  	[sflag:s25] =	ssyncset.done $0x0  }
0x14f: {  	s5 =	simm.s32 $0x1900;
	[sflag:s25] =	ssyncadd.s32 $0xFFFFEC00  }
0x150: {  	s8 =	simm.s32 $0x4100;
	v1 =	vld [tilespmem:s5+$0x80]  }
0x151: {  	v2 =	vld [tilespmem:s8+$0x80];
	_ =	sdelay $0x2  }
0x152: {  	v3 =	vld [tilespmem:s5+$0xFFFFFF80]  }
0x153: {  	v5 =	vld [tilespmem:s5+$0xFFFFFF00];
	v4 =	vshll.u32 v1, $0x10  }
0x154: {  	v6 =	vld [tilespmem:s8+$0xFFFFFF80];
	v2 =	vmul.f32 v4, v2  }
0x155: {  	s6 =	simm.s32 $0x6900;
	v4 =	vld [tilespmem:s8+$0xFFFFFF00]  }
0x156: {  	[tilespmem:s6+$0x80] =	vst v2  }
0x157: {  	v2 =	vld [tilespmem:s8+$0x90]  }
0x158: {  	v7 =	vld [tilespmem:s5+$0x0];
	v10 =	vshll.u32 v3, $0x10  }
0x159: {  	v8 =	vld [tilespmem:s8+$0x0];
	v9 =	vshll.u32 v5, $0x10;
	v6 =	vmul.f32 v10, v6  }
0x15a: {  	v4 =	vmul.f32 v9, v4  }
0x15b: {  	v1 =	vand.u32 $0xFFFF0000, v1;
	[tilespmem:s6+$0xFFFFFF80] =	vst v6  }
0x15c: {  	v6 =	vld [tilespmem:s8+$0xFFFFFF90];
	[tilespmem:s6+$0xFFFFFF00] =	vst v4;
	v1 =	vmul.f32 v1, v2  }
0x15d: {  	v2 =	vshll.u32 v7, $0x10;
	v4 =	vld [tilespmem:s8+$0xFFFFFF10]  }
0x15e: {  	v2 =	vmul.f32 v2, v8;
	[tilespmem:s6+$0x90] =	vst v1  }
0x15f: {  	v1 =	vld [tilespmem:s5+$0x90]  }
0x160: {  	v3 =	vand.u32 $0xFFFF0000, v3;
	[tilespmem:s6+$0x0] =	vst v2;
	v2 =	vld [tilespmem:s8+$0xA0]  }
0x161: {  	v5 =	vand.u32 $0xFFFF0000, v5;
	v3 =	vmul.f32 v3, v6  }
0x162: {  	v8 =	vld [tilespmem:s8+$0x10];
	v4 =	vmul.f32 v5, v4  }
0x163: {  	[tilespmem:s6+$0xFFFFFF90] =	vst v3  }
0x164: {  	[tilespmem:s6+$0xFFFFFF10] =	vst v4;
	v4 =	vshll.u32 v1, $0x10  }
0x165: {  	v3 =	vld [tilespmem:s5+$0xFFFFFF90];
	v2 =	vmul.f32 v4, v2  }
0x166: {  	v5 =	vand.u32 $0xFFFF0000, v7;
	v6 =	vld [tilespmem:s5+$0xFFFFFF10]  }
0x167: {  	v4 =	vmul.f32 v5, v8;
	v5 =	vld [tilespmem:s8+$0xFFFFFF20];
	[tilespmem:s6+$0xA0] =	vst v2  }
0x168: {  	v2 =	vld [tilespmem:s8+$0xB0]  }
0x169: {  	v7 =	vld [tilespmem:s8+$0xFFFFFFA0];
	[tilespmem:s6+$0x10] =	vst v4  }
0x16a: {  	v4 =	vld [tilespmem:s5+$0x10]  }
0x16b: {  	v9 =	vld [tilespmem:s8+$0x20];
	v8 =	vshll.u32 v6, $0x10  }
0x16c: {  	v1 =	vand.u32 $0xFFFF0000, v1;
	v5 =	vmul.f32 v8, v5  }
0x16d: {  	v1 =	vmul.f32 v1, v2  }
0x16e: {  	[tilespmem:s6+$0xFFFFFF20] =	vst v5;
	v2 =	vshll.u32 v3, $0x10  }
0x16f: {  	v5 =	vshll.u32 v4, $0x10;
	v8 =	vld [tilespmem:s8+$0xFFFFFF30];
	v2 =	vmul.f32 v2, v7;
	[tilespmem:s6+$0xB0] =	vst v1  }
0x170: {  	v1 =	vmul.f32 v5, v9;
	v9 =	vld [tilespmem:s5+$0xA0]  }
0x171: {  	[tilespmem:s6+$0xFFFFFFA0] =	vst v2;
	v2 =	vld [tilespmem:s8+$0xC0]  }
0x172: {  	v5 =	vld [tilespmem:s8+$0xFFFFFFB0];
	[tilespmem:s6+$0x20] =	vst v1  }
0x173: {  	v1 =	vand.u32 $0xFFFF0000, v6;
	v6 =	vld [tilespmem:s8+$0x30]  }
0x174: {  	v1 =	vmul.f32 v1, v8  }
0x175: {  	v7 =	vshll.u32 v9, $0x10  }
0x176: {  	v3 =	vand.u32 $0xFFFF0000, v3;
	[tilespmem:s6+$0xFFFFFF30] =	vst v1;
	v1 =	vmul.f32 v7, v2  }
0x177: {  	v2 =	vand.u32 $0xFFFF0000, v4;
	v7 =	vld [tilespmem:s5+$0xFFFFFF20];
	v3 =	vmul.f32 v3, v5  }
0x178: {  	v8 =	vld [tilespmem:s8+$0xFFFFFF40];
	v2 =	vmul.f32 v2, v6;
	[tilespmem:s6+$0xC0] =	vst v1  }
0x179: {  	[tilespmem:s6+$0xFFFFFFB0] =	vst v3;
	v4 =	vld [tilespmem:s8+$0xD0]  }
0x17a: {  	v3 =	vld [tilespmem:s5+$0xFFFFFFA0];
	[tilespmem:s6+$0x30] =	vst v2  }
0x17b: {  	v2 =	vld [tilespmem:s5+$0x20]  }
0x17c: {  	s11 =	simm.s32 $0x0;
	v5 =	vld [tilespmem:s8+$0xFFFFFFC0];
	v6 =	vshll.u32 v7, $0x10  }
0x17d: {  	s18 =	simm.s32 $0x1B00;
	s10 =	simm.s32 $0x4100;
	s9 =	simm.s32 $0x6900;
	v1 =	vand.u32 $0xFFFF0000, v7;
	v7 =	vmul.f32 v6, v8;
	v6 =	vld [tilespmem:s8+$0x40];
	v8 =	vand.u32 $0xFFFF0000, v9  }
.LBB2_12:
0x17e: {  	v9 =	vld [tilespmem:s18+$0x80];
	s11 =	sadd.s32 $0x4, s11;
	v4 =	vmul.f32 v8, v4;
	s8 =	sadd.s32 $0x200, s8  }
0x17f: {  	v8 =	vld [tilespmem:s8+$0x80];
	p2 =	slt.u32 s11, $0x24;
	[tilespmem:s6+$0xFFFFFF40] =	vst v7;
	v7 =	vshll.u32 v3, $0x10;
	v3 =	vand.u32 $0xFFFF0000, v3  }
0x180: {  	v10 =	vld [tilespmem:s18+$0xFFFFFF80];
	v11 =	vshll.u32 v2, $0x10;
	v2 =	vand.u32 $0xFFFF0000, v2;
	[tilespmem:s6+$0xD0] =	vst v4  }
0x181: {  	v4 =	vmul.f32 v7, v5;
	v5 =	vld [tilespmem:s5+$0xB0]  }
0x182: {  	v6 =	vmul.f32 v11, v6;
	v7 =	vld [tilespmem:s10+$0xE0]  }
0x183: {  	v11 =	vld [tilespmem:s18+$0x0];
	v12 =	vshll.u32 v9, $0x10;
	[tilespmem:s6+$0xFFFFFFC0] =	vst v4  }
0x184: {  	v4 =	vld [tilespmem:s18+$0xFFFFFF00];
	v8 =	vmul.f32 v12, v8;
	[tilespmem:s6+$0x40] =	vst v6  }
0x185: {  	s6 =	sadd.s32 $0x200, s6;
	v6 =	vld [tilespmem:s8+$0xFFFFFF00];
	v12 =	vshll.u32 v10, $0x10;
	v10 =	vand.u32 $0xFFFF0000, v10  }
0x186: {  	v13 =	vld [tilespmem:s8+$0xFFFFFF80];
	[tilespmem:s6+$0x80] =	vst v8;
	v8 =	vshll.u32 v5, $0x10  }
0x187: {  	v14 =	vld [tilespmem:s8+$0x90];
	v7 =	vmul.f32 v8, v7  }
0x188: {  	v8 =	vshll.u32 v11, $0x10;
	v11 =	vand.u32 $0xFFFF0000, v11;
	v15 =	vld [tilespmem:s8+$0x0]  }
0x189: {  	v16 =	vshll.u32 v4, $0x10;
	v4 =	vand.u32 $0xFFFF0000, v4;
	v17 =	vld [tilespmem:s10+$0xFFFFFF50];
	[tilespmem:s9+$0xE0] =	vst v7  }
0x18a: {  	v6 =	vmul.f32 v16, v6;
	v7 =	vld [tilespmem:s10+$0xF0]  }
0x18b: {  	v9 =	vand.u32 $0xFFFF0000, v9;
	v12 =	vmul.f32 v12, v13;
	v13 =	vld [tilespmem:s10+$0xFFFFFFD0]  }
0x18c: {  	[tilespmem:s6+$0xFFFFFF00] =	vst v6;
	v6 =	vmul.f32 v9, v14;
	v9 =	vld [tilespmem:s10+$0x50]  }
0x18d: {  	v14 =	vld [tilespmem:s8+$0xFFFFFF10];
	[tilespmem:s6+$0xFFFFFF80] =	vst v12;
	v8 =	vmul.f32 v8, v15  }
0x18e: {  	v5 =	vand.u32 $0xFFFF0000, v5;
	v12 =	vld [tilespmem:s8+$0xFFFFFF90];
	[tilespmem:s6+$0x90] =	vst v6;
	v1 =	vmul.f32 v1, v17  }
0x18f: {  	[tilespmem:s6+$0x0] =	vst v8;
	v6 =	vld [tilespmem:s18+$0x90];
	v5 =	vmul.f32 v5, v7  }
0x190: {  	v7 =	vld [tilespmem:s8+$0xA0];
	[tilespmem:s9+$0xFFFFFF50] =	vst v1;
	v1 =	vmul.f32 v3, v13  }
0x191: {  	v3 =	vld [tilespmem:s8+$0x10];
	v2 =	vmul.f32 v2, v9;
	[tilespmem:s9+$0xF0] =	vst v5  }
0x192: {  	v4 =	vmul.f32 v4, v14;
	v5 =	vld [tilespmem:s5+$0xFFFFFF30];
	[tilespmem:s9+$0xFFFFFFD0] =	vst v1  }
0x193: {  	v1 =	vmul.f32 v10, v12;
	v8 =	vld [tilespmem:s5+$0xFFFFFFB0];
	[tilespmem:s9+$0x50] =	vst v2  }
0x194: {  	[tilespmem:s6+$0xFFFFFF10] =	vst v4;
	v2 =	vshll.u32 v6, $0x10;
	v4 =	vld [tilespmem:s5+$0x30];
	s5 =	smov.u32 s18  }
0x195: {  	v9 =	vld [tilespmem:s18+$0xFFFFFF10];
	[tilespmem:s6+$0xFFFFFF90] =	vst v1;
	v1 =	vmul.f32 v2, v7  }
0x196: {  	v2 =	vld [tilespmem:s18+$0xFFFFFF90];
	v3 =	vmul.f32 v11, v3  }
0x197: {  	v7 =	vld [tilespmem:s8+$0xFFFFFF20];
	[tilespmem:s6+$0xA0] =	vst v1;
	v1 =	vshll.u32 v5, $0x10;
	v5 =	vand.u32 $0xFFFF0000, v5  }
0x198: {  	[tilespmem:s6+$0x10] =	vst v3;
	v3 =	vld [tilespmem:s8+$0xB0];
	v10 =	vshll.u32 v8, $0x10;
	v8 =	vand.u32 $0xFFFF0000, v8  }
0x199: {  	v11 =	vld [tilespmem:s18+$0x10];
	v12 =	vshll.u32 v4, $0x10;
	v13 =	vand.u32 $0xFFFF0000, v4  }
0x19a: {  	v4 =	vshll.u32 v9, $0x10;
	v9 =	vand.u32 $0xFFFF0000, v9;
	v14 =	vld [tilespmem:s8+$0xFFFFFFA0]  }
0x19b: {  	v15 =	vshll.u32 v2, $0x10;
	v2 =	vand.u32 $0xFFFF0000, v2;
	v16 =	vld [tilespmem:s8+$0x20]  }
0x19c: {  	v6 =	vand.u32 $0xFFFF0000, v6;
	v4 =	vmul.f32 v4, v7;
	v7 =	vld [tilespmem:s10+$0xFFFFFF60]  }
0x19d: {  	v3 =	vmul.f32 v6, v3;
	v6 =	vld [tilespmem:s10+$0xFFFFFFE0]  }
0x19e: {  	[tilespmem:s6+$0xFFFFFF20] =	vst v4;
	v4 =	vshll.u32 v11, $0x10;
	v11 =	vand.u32 $0xFFFF0000, v11;
	v17 =	vld [tilespmem:s10+$0x60]  }
0x19f: {  	v18 =	vld [tilespmem:s8+$0xFFFFFF30];
	v14 =	vmul.f32 v15, v14;
	[tilespmem:s6+$0xB0] =	vst v3  }
0x1a0: {  	v3 =	vmul.f32 v4, v16;
	v15 =	vld [tilespmem:s18+$0xA0]  }
0x1a1: {  	[tilespmem:s6+$0xFFFFFFA0] =	vst v14;
	v4 =	vld [tilespmem:s8+$0xC0];
	v1 =	vmul.f32 v1, v7  }
0x1a2: {  	v7 =	vld [tilespmem:s8+$0xFFFFFFB0];
	[tilespmem:s6+$0x20] =	vst v3;
	v3 =	vmul.f32 v10, v6  }
0x1a3: {  	v6 =	vld [tilespmem:s8+$0x30];
	[tilespmem:s9+$0xFFFFFF60] =	vst v1;
	v1 =	vmul.f32 v12, v17  }
0x1a4: {  	v9 =	vmul.f32 v9, v18;
	v10 =	vld [tilespmem:s10+$0xFFFFFF70];
	[tilespmem:s9+$0xFFFFFFE0] =	vst v3  }
0x1a5: {  	v3 =	vshll.u32 v15, $0x10;
	v12 =	vld [tilespmem:s10+$0xFFFFFFF0];
	[tilespmem:s9+$0x60] =	vst v1  }
0x1a6: {  	[tilespmem:s6+$0xFFFFFF30] =	vst v9;
	v1 =	vmul.f32 v3, v4;
	v9 =	vld [tilespmem:s10+$0x70];
	s10 =	smov.u32 s8  }
0x1a7: {  	v14 =	vld [tilespmem:s18+$0xFFFFFF20];
	v2 =	vmul.f32 v2, v7  }
0x1a8: {  	v7 =	vld [tilespmem:s8+$0xFFFFFF40];
	v6 =	vmul.f32 v11, v6;
	[tilespmem:s6+$0xC0] =	vst v1  }
.Ltmp5:
0x1a9: {  	[tilespmem:s6+$0xFFFFFFB0] =	vst v2;
	v4 =	vld [tilespmem:s8+$0xD0];
	v1 =	vmul.f32 v5, v10;
	(pc) =	sbr.rel @p2 .LBB2_12-.Ltmp5, $4  }
0x1aa: {  	v3 =	vld [tilespmem:s18+$0xFFFFFFA0];
	[tilespmem:s6+$0x30] =	vst v6;
	v6 =	vmul.f32 v8, v12  }
0x1ab: {  	v2 =	vld [tilespmem:s18+$0x20];
	[tilespmem:s9+$0xFFFFFF70] =	vst v1;
	v9 =	vmul.f32 v13, v9  }
0x1ac: {  	v8 =	vshll.u32 v14, $0x10;
	v1 =	vand.u32 $0xFFFF0000, v14;
	v5 =	vld [tilespmem:s8+$0xFFFFFFC0];
	[tilespmem:s9+$0xFFFFFFF0] =	vst v6  }
0x1ad: {  	s18 =	sadd.s32 $0x200, s18;
	v7 =	vmul.f32 v8, v7;
	v6 =	vld [tilespmem:s8+$0x40];
	v8 =	vand.u32 $0xFFFF0000, v15;
	[tilespmem:s9+$0x70] =	vst v9;
	s9 =	smov.u32 s6  }
0x1ae: {  	_ =	sdelay $0x1  }
0x1af: {  	v9 =	vshll.u32 v3, $0x10  }
0x1b0: {  	[tilespmem:s6+$0xFFFFFF40] =	vst v7;
	v5 =	vmul.f32 v9, v5  }
0x1b1: {  	v51 =	vshll.u32 v2, $0x10;
	v52 =	vld [tilespmem:s10+$0xFFFFFF50]  }
0x1b2: {  	v6 =	vmul.f32 v51, v6;
	[tilespmem:s6+$0xFFFFFFC0] =	vst v5  }
0x1b3: {  	v53 =	vld [tilespmem:s10+$0xFFFFFFD0]  }
0x1b4: {  	v4 =	vmul.f32 v8, v4;
	[tilespmem:s6+$0x40] =	vst v6  }
0x1b5: {  	v54 =	vld [tilespmem:s10+$0x50]  }
0x1b6: {  	[tilespmem:s6+$0xD0] =	vst v4;
	v1 =	vmul.f32 v1, v52  }
0x1b7: {  	v3 =	vand.u32 $0xFFFF0000, v3;
	v4 =	vld [tilespmem:s5+$0xB0]  }
0x1b8: {  	v55 =	vld [tilespmem:s10+$0xE0];
	[tilespmem:s9+$0xFFFFFF50] =	vst v1;
	v3 =	vmul.f32 v3, v53  }
0x1b9: {  	v2 =	vand.u32 $0xFFFF0000, v2;
	v56 =	vld [tilespmem:s10+$0xFFFFFF60]  }
0x1ba: {  	v1 =	vmul.f32 v2, v54;
	v2 =	vld [tilespmem:s5+$0xFFFFFF30];
	[tilespmem:s9+$0xFFFFFFD0] =	vst v3  }
0x1bb: {  	v3 =	vld [tilespmem:s5+$0xFFFFFFB0]  }
0x1bc: {  	[tilespmem:s9+$0x50] =	vst v1;
	v57 =	vld [tilespmem:s10+$0xFFFFFFE0]  }
0x1bd: {  	v1 =	vld [tilespmem:s5+$0x30]  }
0x1be: {  	v58 =	vld [tilespmem:s10+$0x60]  }
0x1bf: {  	v59 =	vshll.u32 v4, $0x10  }
0x1c0: {  	v5 =	vmul.f32 v59, v55;
	v60 =	vshll.u32 v2, $0x10  }
0x1c1: {  	v6 =	vmul.f32 v60, v56;
	v61 =	vshll.u32 v3, $0x10  }
0x1c2: {  	[tilespmem:s9+$0xE0] =	vst v5;
	v62 =	vshll.u32 v1, $0x10;
	v7 =	vmul.f32 v61, v57  }
0x1c3: {  	v63 =	vld [tilespmem:s10+$0xF0];
	[tilespmem:s9+$0xFFFFFF60] =	vst v6;
	v5 =	vmul.f32 v62, v58  }
0x1c4: {  	v6 =	vld [tilespmem:s10+$0xFFFFFF70];
	[tilespmem:s9+$0xFFFFFFE0] =	vst v7  }
0x1c5: {  	v7 =	vld [tilespmem:s10+$0xFFFFFFF0];
	[tilespmem:s9+$0x60] =	vst v5  }
0x1c6: {  	v5 =	vld [tilespmem:s10+$0x70]  }
0x1c7: {  	v4 =	vand.u32 $0xFFFF0000, v4  }
0x1c8: {  	v4 =	vmul.f32 v4, v63;
	v2 =	vand.u32 $0xFFFF0000, v2  }
0x1c9: {  	v3 =	vand.u32 $0xFFFF0000, v3;
	v2 =	vmul.f32 v2, v6  }
0x1ca: {  	[tilespmem:s9+$0xF0] =	vst v4;
	v1 =	vand.u32 $0xFFFF0000, v1;
	v3 =	vmul.f32 v3, v7  }
0x1cb: {  	[tilespmem:s9+$0xFFFFFF70] =	vst v2;
	v1 =	vmul.f32 v1, v5  }
0x1cc: {  	[tilespmem:s9+$0xFFFFFFF0] =	vst v3  }
0x1cd: {  	[tilespmem:s9+$0x70] =	vst v1  }
0x1ce: {  	_ =	swait.ge [sflag:s26], $0x1400  }
0x1cf: {  	[sflag:s26] =	ssyncset.done $0x0  }
0x1d0: {  	s3 =	sadd.s32 $0x180, s3;
	s5 =	sadd.s32 @!p1 $0x3, s0;
	[sflag:s26] =	ssyncadd.s32 $0xFFFFEC00  }
0x1d1: {  	[spmem:s2] =	stream.indirect.scatter.add.f32 [tilespmem:s28], [sflag:$0x6], $0x80, s3, s14, $0xb8;
	[tilespmem:$0x1BC00] =	vst v63  }
0x1d2: {  	s6 =	sadd.s32 @!p1 s7, s5;
	s3 =	simm.s32 @!p1 $0x8  }
0x1d3: {  	s6 =	smul.u32 @!p1 $0x280, s6;
	_ =	swait.ge @!p1 [sflag:s3], $0x100  }
0x1d4: {  	s8 =	simm.s32 @!p1 $0x1800;
	[sflag:s3] =	ssyncset.done @!p1 $0x0  }
0x1d5: {  	[sflag:s3] =	ssyncadd.s32 @!p1 $0xFFFFFF00;
	s3 =	sadd.s32 @!p1 s22, s6;
	s6 =	simm.s32 @!p1 $0x0  }
0x1d6: {  	[tilespmem:s8], [sflag:$0x2] =	stream.linear.gather @!p1 [hbm4b:s3+s6], $0x1400, $0x38;
	[tilespmem:$0x1BC00] =	vst v63  }
0x1d7: {  	s0 =	sadd.s32 @p0 $0x5, s0;
	s3 =	sshll.u32 @!p1 s5, $0x8  }
0x1d8: {  	s5 =	simm.s32 @!p1 $0x28;
	s6 =	simm.s32 @!p1 $0x4000;
	s3 =	sand.u32 @!p1 $0x300, s3  }
0x1d9: {  	[tilespmem:s6], [sflag:$0x4] =	stream.indirect.gather @!p1 [hbm4b:s1+s5], $0x80, s3, s5, $0xb8;
	[tilespmem:$0x1BC00] =	vst v63  }
0x1da: {  	s3 =	sadd.s32 @p0 s7, s0  }
0x1db: {  	s3 =	sshll.u32 @p0 s3, $0x5  }
0x1dc: {  	s31 =	sadd.s32 $0x1, s31;
	s0 =	sshll.u32 @p0 s0, $0x8;
	s3 =	sand.u32 @p0 $0x1FFFFFE0, s3  }
0x1dd: {  	s5 =	simm.s32 @p0 $0x0;
	s0 =	sand.u32 @p0 $0x300, s0;
	s3 =	sadd.s32 @p0 s21, s3  }
0x1de: {  	[tilespmem:s0], [sflag:$0x8] =	stream.linear.gather @p0 [hbm4b:s3+s5], $0x100, $0x38;
	[tilespmem:$0x1BC00] =	vst v63  }
0x1df: {  	p0 =	sne.s32 s31, $0x7D  }
.Ltmp6:
0x1e0: {  	_ = 	snop;
	(pc) =	sbr.rel @p0 .LBB2_4-.Ltmp6, $1  }
0x1e1: {  	_ =	sdelay $0x3  }
0x1e2: {  	_ =	swait.ge [sflag:s29], $0x1400  }
0x1e3: {  	[sflag:s29] =	ssyncset.done $0x0  }
0x1e4: {  	[sflag:s29] =	ssyncadd.s32 $0xFFFFEC00  }
0x1e5: {  	[bflag:$0x0] =	sbarrier.arrive $0xFFFF  }
0x1e6: {  	s31 =	rddreg [dreg:$0x14]  }
0x1e7: {  	[tilespmem:s20], [sflag:$0x9] =	stream.linear.gather [spmem:s31], $0x1400, $0x38;
	[tilespmem:$0x1BC00] =	vst v63  }
0x1e8: {  	_ =	swait.ge [sflag:s12], $0x1400  }
0x1e9: {  	[sflag:s12] =	ssyncset.done $0x0  }
0x1ea: {  	s0 =	rddreg [dreg:$0x4];
	[sflag:s12] =	ssyncadd.s32 $0xFFFFEC00  }
0x1eb: {  	[hbm4b:s0+s4] =	stream.linear.scatter [tilespmem:s20], [sflag:$0x9], $0x1400, $0x38;
	[tilespmem:$0x1BC00] =	vst v63  }
0x1ec: {  	_ =	swait.ge [sflag:s12], $0x1400  }
0x1ed: {  	[sflag:s12] =	ssyncset.done $0x0  }
0x1ee: {  	s3 =	rddreg [dreg:$0x15];
	[sflag:s12] =	ssyncadd.s32 $0xFFFFEC00  }
0x1ef: {  	[tilespmem:s20], [sflag:$0x9] =	stream.linear.gather [spmem:s3], $0x1400, $0x38;
	[tilespmem:$0x1BC00] =	vst v63  }
0x1f0: {  	_ =	swait.ge [sflag:s12], $0x1400  }
0x1f1: {  	[sflag:s12] =	ssyncset.done $0x0  }
0x1f2: {  	s5 =	rddreg [dreg:$0x5];
	[sflag:s12] =	ssyncadd.s32 $0xFFFFEC00  }
0x1f3: {  	[hbm4b:s5+s4] =	stream.linear.scatter [tilespmem:s20], [sflag:$0x9], $0x1400, $0x38;
	[tilespmem:$0x1BC00] =	vst v63  }
0x1f4: {  	_ =	swait.ge [sflag:s12], $0x1400  }
0x1f5: {  	[sflag:s12] =	ssyncset.done $0x0  }
0x1f6: {  	s6 =	rddreg [dreg:$0x16];
	[sflag:s12] =	ssyncadd.s32 $0xFFFFEC00  }
0x1f7: {  	[tilespmem:s20], [sflag:$0x9] =	stream.linear.gather [spmem:s6], $0x1400, $0x38;
	[tilespmem:$0x1BC00] =	vst v63  }
0x1f8: {  	_ =	swait.ge [sflag:s12], $0x1400  }
0x1f9: {  	[sflag:s12] =	ssyncset.done $0x0  }
0x1fa: {  	s8 =	rddreg [dreg:$0x6];
	[sflag:s12] =	ssyncadd.s32 $0xFFFFEC00  }
0x1fb: {  	[hbm4b:s8+s4] =	stream.linear.scatter [tilespmem:s20], [sflag:$0x9], $0x1400, $0x38;
	[tilespmem:$0x1BC00] =	vst v63  }
0x1fc: {  	_ =	swait.ge [sflag:s12], $0x1400  }
0x1fd: {  	[sflag:s12] =	ssyncset.done $0x0  }
0x1fe: {  	s9 =	rddreg [dreg:$0x17];
	[sflag:s12] =	ssyncadd.s32 $0xFFFFEC00  }
0x1ff: {  	[tilespmem:s20], [sflag:$0x9] =	stream.linear.gather [spmem:s9], $0x1400, $0x38;
	[tilespmem:$0x1BC00] =	vst v63  }
0x200: {  	_ =	swait.ge [sflag:s12], $0x1400  }
0x201: {  	[sflag:s12] =	ssyncset.done $0x0  }
0x202: {  	s10 =	rddreg [dreg:$0x7];
	[sflag:s12] =	ssyncadd.s32 $0xFFFFEC00  }
0x203: {  	[hbm4b:s10+s4] =	stream.linear.scatter [tilespmem:s20], [sflag:$0x9], $0x1400, $0x38;
	[tilespmem:$0x1BC00] =	vst v63  }
0x204: {  	_ =	swait.ge [sflag:s12], $0x1400  }
0x205: {  	[sflag:s12] =	ssyncset.done $0x0  }
0x206: {  	s11 =	rddreg [dreg:$0x18];
	[sflag:s12] =	ssyncadd.s32 $0xFFFFEC00  }
0x207: {  	[tilespmem:s20], [sflag:$0x9] =	stream.linear.gather [spmem:s11], $0x1400, $0x38;
	[tilespmem:$0x1BC00] =	vst v63  }
0x208: {  	_ =	swait.ge [sflag:s12], $0x1400  }
0x209: {  	[sflag:s12] =	ssyncset.done $0x0  }
0x20a: {  	s18 =	rddreg [dreg:$0x8];
	[sflag:s12] =	ssyncadd.s32 $0xFFFFEC00  }
0x20b: {  	[hbm4b:s18+s4] =	stream.linear.scatter [tilespmem:s20], [sflag:$0x9], $0x1400, $0x38;
	[tilespmem:$0x1BC00] =	vst v63  }
0x20c: {  	_ =	swait.ge [sflag:s12], $0x1400  }
0x20d: {  	[sflag:s12] =	ssyncset.done $0x0  }
0x20e: {  	s3 =	rddreg [dreg:$0x19];
	[sflag:s12] =	ssyncadd.s32 $0xFFFFEC00  }
0x20f: {  	[tilespmem:s20], [sflag:$0x9] =	stream.linear.gather [spmem:s3], $0x1400, $0x38;
	[tilespmem:$0x1BC00] =	vst v63  }
0x210: {  	_ =	swait.ge [sflag:s12], $0x1400  }
0x211: {  	[sflag:s12] =	ssyncset.done $0x0  }
0x212: {  	s5 =	rddreg [dreg:$0x9];
	[sflag:s12] =	ssyncadd.s32 $0xFFFFEC00  }
0x213: {  	[hbm4b:s5+s4] =	stream.linear.scatter [tilespmem:s20], [sflag:$0x9], $0x1400, $0x38;
	[tilespmem:$0x1BC00] =	vst v63  }
0x214: {  	_ =	swait.ge [sflag:s12], $0x1400  }
0x215: {  	[sflag:s12] =	ssyncset.done $0x0  }
0x216: {  	s6 =	rddreg [dreg:$0x1a];
	[sflag:s12] =	ssyncadd.s32 $0xFFFFEC00  }
0x217: {  	[tilespmem:s20], [sflag:$0x9] =	stream.linear.gather [spmem:s6], $0x1400, $0x38;
	[tilespmem:$0x1BC00] =	vst v63  }
0x218: {  	_ =	swait.ge [sflag:s12], $0x1400  }
0x219: {  	[sflag:s12] =	ssyncset.done $0x0  }
0x21a: {  	s8 =	rddreg [dreg:$0xa];
	[sflag:s12] =	ssyncadd.s32 $0xFFFFEC00  }
0x21b: {  	[hbm4b:s8+s4] =	stream.linear.scatter [tilespmem:s20], [sflag:$0x9], $0x1400, $0x38;
	[tilespmem:$0x1BC00] =	vst v63  }
0x21c: {  	_ =	swait.ge [sflag:s12], $0x1400  }
0x21d: {  	[sflag:s12] =	ssyncset.done $0x0  }
0x21e: {  	s9 =	rddreg [dreg:$0x1b];
	[sflag:s12] =	ssyncadd.s32 $0xFFFFEC00  }
0x21f: {  	[tilespmem:s20], [sflag:$0x9] =	stream.linear.gather [spmem:s9], $0x1400, $0x38;
	[tilespmem:$0x1BC00] =	vst v63  }
0x220: {  	_ =	swait.ge [sflag:s12], $0x1400  }
0x221: {  	[sflag:s12] =	ssyncset.done $0x0  }
0x222: {  	s10 =	rddreg [dreg:$0xb];
	[sflag:s12] =	ssyncadd.s32 $0xFFFFEC00  }
0x223: {  	[hbm4b:s10+s4] =	stream.linear.scatter [tilespmem:s20], [sflag:$0x9], $0x1400, $0x38;
	[tilespmem:$0x1BC00] =	vst v63  }
0x224: {  	_ =	swait.ge [sflag:s12], $0x1400  }
0x225: {  	[sflag:s12] =	ssyncset.done $0x0  }
0x226: {  	s11 =	rddreg [dreg:$0x1c];
	[sflag:s12] =	ssyncadd.s32 $0xFFFFEC00  }
0x227: {  	[tilespmem:s20], [sflag:$0x9] =	stream.linear.gather [spmem:s11], $0x1400, $0x38;
	[tilespmem:$0x1BC00] =	vst v63  }
0x228: {  	_ =	swait.ge [sflag:s12], $0x1400  }
0x229: {  	[sflag:s12] =	ssyncset.done $0x0  }
0x22a: {  	s18 =	rddreg [dreg:$0xc];
	[sflag:s12] =	ssyncadd.s32 $0xFFFFEC00  }
0x22b: {  	[hbm4b:s18+s4] =	stream.linear.scatter [tilespmem:s20], [sflag:$0x9], $0x1400, $0x38;
	[tilespmem:$0x1BC00] =	vst v63  }
0x22c: {  	_ =	swait.ge [sflag:s12], $0x1400  }
0x22d: {  	[sflag:s12] =	ssyncset.done $0x0  }
0x22e: {  	s3 =	rddreg [dreg:$0x1d];
	[sflag:s12] =	ssyncadd.s32 $0xFFFFEC00  }
0x22f: {  	[tilespmem:s20], [sflag:$0x9] =	stream.linear.gather [spmem:s3], $0x1400, $0x38;
	[tilespmem:$0x1BC00] =	vst v63  }
0x230: {  	_ =	swait.ge [sflag:s12], $0x1400  }
0x231: {  	[sflag:s12] =	ssyncset.done $0x0  }
0x232: {  	s5 =	rddreg [dreg:$0xd];
	[sflag:s12] =	ssyncadd.s32 $0xFFFFEC00  }
0x233: {  	[hbm4b:s5+s4] =	stream.linear.scatter [tilespmem:s20], [sflag:$0x9], $0x1400, $0x38;
	[tilespmem:$0x1BC00] =	vst v63  }
0x234: {  	_ =	swait.ge [sflag:s12], $0x1400  }
0x235: {  	[sflag:s12] =	ssyncset.done $0x0  }
0x236: {  	s10 =	rddreg [dreg:$0x1e];
	[sflag:s12] =	ssyncadd.s32 $0xFFFFEC00  }
0x237: {  	[tilespmem:s20], [sflag:$0x9] =	stream.linear.gather [spmem:s10], $0x1400, $0x38;
	[tilespmem:$0x1BC00] =	vst v63  }
0x238: {  	_ =	swait.ge [sflag:s12], $0x1400  }
0x239: {  	[sflag:s12] =	ssyncset.done $0x0  }
0x23a: {  	s6 =	rddreg [dreg:$0xe];
	[sflag:s12] =	ssyncadd.s32 $0xFFFFEC00  }
0x23b: {  	[hbm4b:s6+s4] =	stream.linear.scatter [tilespmem:s20], [sflag:$0x9], $0x1400, $0x38;
	[tilespmem:$0x1BC00] =	vst v63  }
0x23c: {  	_ =	swait.ge [sflag:s12], $0x1400  }
0x23d: {  	[sflag:s12] =	ssyncset.done $0x0  }
0x23e: {  	s8 =	rddreg [dreg:$0x1f];
	[sflag:s12] =	ssyncadd.s32 $0xFFFFEC00  }
0x23f: {  	[tilespmem:s20], [sflag:$0x9] =	stream.linear.gather [spmem:s8], $0x1400, $0x38;
	[tilespmem:$0x1BC00] =	vst v63  }
0x240: {  	_ =	swait.ge [sflag:s12], $0x1400  }
0x241: {  	[sflag:s12] =	ssyncset.done $0x0  }
0x242: {  	s9 =	rddreg [dreg:$0xf];
	[sflag:s12] =	ssyncadd.s32 $0xFFFFEC00  }
0x243: {  	[hbm4b:s9+s4] =	stream.linear.scatter [tilespmem:s20], [sflag:$0x9], $0x1400, $0x38;
	[tilespmem:$0x1BC00] =	vst v63  }
0x244: {  	_ =	swait.ge [sflag:s12], $0x1400  }
0x245: {  	s11 =	sld [smem:$0x7F3]  }
0x246: {  	[sflag:s12] =	ssyncset.done $0x0  }
0x247: {  	[sflag:s12] =	ssyncadd.s32 $0xFFFFEC00  }
0x248: {  	[tilespmem:s20], [sflag:$0x9] =	stream.linear.gather [spmem:s11], $0x1400, $0x38;
	[tilespmem:$0x1BC00] =	vst v63  }
0x249: {  	_ =	swait.ge [sflag:s12], $0x1400  }
0x24a: {  	[sflag:s12] =	ssyncset.done $0x0  }
0x24b: {  	s18 =	rddreg [dreg:$0x10];
	[sflag:s12] =	ssyncadd.s32 $0xFFFFEC00  }
0x24c: {  	[hbm4b:s18+s4] =	stream.linear.scatter [tilespmem:s20], [sflag:$0x9], $0x1400, $0x38;
	[tilespmem:$0x1BC00] =	vst v63  }
0x24d: {  	_ =	swait.ge [sflag:s12], $0x1400  }
0x24e: {  	s3 =	sld [smem:$0x7F4]  }
0x24f: {  	[sflag:s12] =	ssyncset.done $0x0  }
0x250: {  	[sflag:s12] =	ssyncadd.s32 $0xFFFFEC00  }
0x251: {  	[tilespmem:s20], [sflag:$0x9] =	stream.linear.gather [spmem:s3], $0x1400, $0x38;
	[tilespmem:$0x1BC00] =	vst v63  }
0x252: {  	_ =	swait.ge [sflag:s12], $0x1400  }
0x253: {  	[sflag:s12] =	ssyncset.done $0x0  }
0x254: {  	s5 =	rddreg [dreg:$0x11];
	[sflag:s12] =	ssyncadd.s32 $0xFFFFEC00  }
0x255: {  	[hbm4b:s5+s4] =	stream.linear.scatter [tilespmem:s20], [sflag:$0x9], $0x1400, $0x38;
	[tilespmem:$0x1BC00] =	vst v63  }
0x256: {  	_ =	swait.ge [sflag:s12], $0x1400  }
0x257: {  	s6 =	sld [smem:$0x7F5]  }
0x258: {  	[sflag:s12] =	ssyncset.done $0x0  }
0x259: {  	[sflag:s12] =	ssyncadd.s32 $0xFFFFEC00  }
0x25a: {  	[tilespmem:s20], [sflag:$0x9] =	stream.linear.gather [spmem:s6], $0x1400, $0x38;
	[tilespmem:$0x1BC00] =	vst v63  }
0x25b: {  	_ =	swait.ge [sflag:s12], $0x1400  }
0x25c: {  	[sflag:s12] =	ssyncset.done $0x0  }
0x25d: {  	s8 =	rddreg [dreg:$0x12];
	[sflag:s12] =	ssyncadd.s32 $0xFFFFEC00  }
0x25e: {  	[hbm4b:s8+s4] =	stream.linear.scatter [tilespmem:s20], [sflag:$0x9], $0x1400, $0x38;
	[tilespmem:$0x1BC00] =	vst v63  }
0x25f: {  	_ =	swait.ge [sflag:s12], $0x1400  }
0x260: {  	s9 =	sld [smem:$0x7F6]  }
0x261: {  	[sflag:s12] =	ssyncset.done $0x0  }
0x262: {  	[sflag:s12] =	ssyncadd.s32 $0xFFFFEC00  }
0x263: {  	[tilespmem:s20], [sflag:$0x9] =	stream.linear.gather [spmem:s9], $0x1400, $0x38;
	[tilespmem:$0x1BC00] =	vst v63  }
0x264: {  	_ =	swait.ge [sflag:s12], $0x1400  }
0x265: {  	[sflag:s12] =	ssyncset.done $0x0  }
0x266: {  	s11 =	rddreg [dreg:$0x13];
	[sflag:s12] =	ssyncadd.s32 $0xFFFFEC00  }
0x267: {  	[hbm4b:s11+s4] =	stream.linear.scatter [tilespmem:s20], [sflag:$0x9], $0x1400, $0x38;
	[tilespmem:$0x1BC00] =	vst v63  }
0x268: {  	_ =	swait.ge [sflag:s12], $0x1400  }
0x269: {  	s18 =	sld [smem:$0x7FD];
	_ =	sdelay $0x1  }
0x26a: {  	s30 =	sadd.s32 $0x1, s30  }
0x26b: {  	p0 =	sne.s32 s30, s18  }
.Ltmp7:
0x26c: {  	_ = 	snop;
	(pc) =	sbr.rel @p0 .LBB2_1-.Ltmp7, $3  }
0x26d: {  	_ =	sdelay $0x1  }
0x26e: {  	[sflag:s12] =	ssyncset.done $0x0  }
0x26f: {  	[sflag:s12] =	ssyncadd.s32 $0xFFFFEC00  }
0x270: {  	_ =	sfence.sel $0x180000  }
0x271: {  	[bflag:$0x0] =	sbarrier.arrive $0xFFFF  }
0x272: {  	_ =	strace $0x90000047  }
0x273: {  	s0 =	stileid.u32;
	[bflag:$0x2] =	sbarrier.arrive $0xFFFF  }
0x274: {  	p0 =	sne.s32 s0, $0x0;
	s0 =	rddreg [dreg:$0x3]  }
0x275: {  	s0 =	sadd.s32 @!p0 $0x100000, s0  }
0x276: {  	[sflag:s0] =	ssyncadd.tile.s32 @!p0 $0x1;
	_ =	shalt  }
.Lfunc_end2:
_tile_overlayer_lowered:
.L_overlay_start_2:
0x277: {  	(tag) =	ssettag $0x2  }
0x278: {  	s0 =	rddreg [dreg:$0x0];
	s2 =	stileid.u32  }
0x279: {  	s1 =	rddreg [dreg:$0x1];
	p0 =	sne.s32 s2, $0x0  }
0x27a: {  	s3 =	rddreg [dreg:$0x2];
	[bflag:$0x3] =	sbarrier.arrive $0xFFFF;
	s2 =	simm.s32 @!p0 $0x1C09  }
0x27b: {  	[timem:s3], [sflag:s2] =	dma.local @!p0 [hbm:s0], s1  }
0x27c: {  	s0 =	simm.s32 @!p0 $0x9  }
0x27d: {  	_ =	swait.ge @!p0 [sflag:s0], s1  }
0x27e: {  	s1 =	ssub.s32 @!p0 $0x0, s1;
	[sflag:s0] =	ssyncset.done @!p0 $0x0  }
0x27f: {  	[sflag:s0] =	ssyncadd.s32 @!p0 s1  }
0x280: {  	[bflag:$0x3] =	sbarrier.arrive $0xFFFF  }
0x281: {  	_ =	shalt  }

</sc_bundles>
